<compile_context>
chip_gen: v7x
topology: tpu7x:2x2x1
jax: 0.10.2.dev20260603
libtpu: 0.0.44.dev20260713+nightly
codegen_flags: <defaults>
</compile_context>

<pallas_src>
import functools

import jax
import jax.numpy as jnp
from jax import lax
from jax.experimental import pallas as pl
from jax.experimental.pallas import tpu as pltpu
from jax.experimental.pallas import tpu_sc as plsc



_KNN_T = {}


def _extract_direct(dist, k):
    lane = lax.broadcasted_iota(jnp.int32, dist.shape, 1)
    big = jnp.int32(0x7FFFFFFF)
    cols = []
    for j in range(k):
        m = jnp.min(dist, axis=1, keepdims=True)
        hit = dist == m
        idxj = jnp.min(jnp.where(hit, lane, big), axis=1, keepdims=True)
        cols.append(idxj)
        if j + 1 < k:
            dist = jnp.where(lane == idxj, jnp.float32(jnp.inf), dist)
    return jnp.concatenate(cols, axis=1)


def _extract_chunked(dist, k, T, nc=16):
    R, N = dist.shape
    W = N // nc
    d2 = dist.reshape(R * nc, W)
    lane_l = lax.broadcasted_iota(jnp.int32, (R * nc, W), 1)
    crow = lax.broadcasted_iota(jnp.int32, (R * nc, 1), 0)
    lane_g = lane_l + (crow % nc) * W
    big = jnp.int32(0x7FFFFFFF)
    inf = jnp.float32(jnp.inf)
    vs, ls = [], []
    for t in range(T):
        m = jnp.min(d2, axis=1, keepdims=True)
        hit = d2 == m
        lsel = jnp.min(jnp.where(hit, lane_g, big), axis=1, keepdims=True)
        vs.append(m)
        ls.append(lsel)
        d2 = jnp.where(lane_g == lsel, inf, d2)
    tau = jnp.min(jnp.min(d2, axis=1, keepdims=True).reshape(R, nc),
                  axis=1, keepdims=True)
    V = jnp.concatenate(vs, axis=1).reshape(R, nc * T)
    L = jnp.concatenate(ls, axis=1).reshape(R, nc * T)
    cols = []
    for j in range(k):
        mv = jnp.min(V, axis=1, keepdims=True)
        hitv = V == mv
        lj = jnp.min(jnp.where(hitv, L, big), axis=1, keepdims=True)
        cols.append(lj)
        if j + 1 < k:
            V = jnp.where(hitv & (L == lj), inf, V)
    idx = jnp.concatenate(cols, axis=1)
    valid = jnp.all(mv < tau)
    return idx, valid


def _knn_body(xt_ref, x_ref, out_ref, *, k, n):
    b = pl.program_id(0)
    xtb = xt_ref[0]
    xb = x_ref[0]
    inner = lax.dot_general(xtb, xb, (((1,), (0,)), ((), ())),
                            preferred_element_type=jnp.float32)
    xx_row = jnp.sum(xb * xb, axis=0, keepdims=True)
    xx_col = jnp.sum(xtb * xtb, axis=1, keepdims=True)
    dist = (xx_col - 2.0 * inner) + xx_row
    base = b * n
    T = _KNN_T.get(k)
    if T is None:
        out = _extract_direct(dist, k)
    else:
        idx_c, valid = _extract_chunked(dist, k, T)
        out = lax.cond(valid,
                       lambda d: idx_c,
                       lambda d: _extract_direct(d, k),
                       dist)
    out_ref[0] = out + base


def _knn(xr, k):
    B, N, C = xr.shape
    x = xr.transpose(0, 2, 1)
    R = 512
    return pl.pallas_call(
        functools.partial(_knn_body, k=k, n=N),
        grid=(B, N // R),
        in_specs=[pl.BlockSpec((1, R, C), lambda b, r: (b, r, 0)),
                  pl.BlockSpec((1, C, N), lambda b, r: (b, 0, 0))],
        out_specs=pl.BlockSpec((1, R, k), lambda b, r: (b, r, 0)),
        out_shape=jax.ShapeDtypeStruct((B, N, k), jnp.int32),
    )(xr, x)



def _mm_body(x_ref, w_ref, b_ref, o_ref, *, act):
    h = jnp.dot(x_ref[...], w_ref[...],
                preferred_element_type=jnp.float32) + b_ref[...]
    o_ref[...] = jnp.maximum(h, 0.0) if act else h


def _mm(x, w, b, act, R=1024):
    M, Cin = x.shape
    Cout = w.shape[1]
    return pl.pallas_call(
        functools.partial(_mm_body, act=act),
        grid=(M // R,),
        in_specs=[pl.BlockSpec((R, Cin), lambda i: (i, 0)),
                  pl.BlockSpec((Cin, Cout), lambda i: (0, 0)),
                  pl.BlockSpec((1, Cout), lambda i: (0, 0))],
        out_specs=pl.BlockSpec((R, Cout), lambda i: (i, 0)),
        out_shape=jax.ShapeDtypeStruct((M, Cout), jnp.float32),
    )(x, w, b.reshape(1, -1))



def _edgek_body(g_ref, x_ref, w1_ref, b1_ref, w2_ref, b2_ref, o_ref,
                *, k, agg, resid):
    R, CP = x_ref.shape
    xc = x_ref[...]
    g = g_ref[...].reshape(R, k, CP)
    xb = xc.reshape(R, 1, CP)
    diff = (g - xb).reshape(R * k, CP)
    ctr = jnp.broadcast_to(xb, (R, k, CP)).reshape(R * k, CP)
    f = jnp.concatenate([diff, ctr], axis=1)
    h = jnp.maximum(jnp.dot(f, w1_ref[...],
                            preferred_element_type=jnp.float32)
                    + b1_ref[...], 0.0)
    if w2_ref is not None:
        h = jnp.maximum(jnp.dot(h, w2_ref[...],
                                preferred_element_type=jnp.float32)
                        + b2_ref[...], 0.0)
    C1 = h.shape[1]
    hr = h.reshape(R, k, C1)
    o = jnp.max(hr, axis=1) if agg == 'max' else jnp.sum(hr, axis=1)
    if resid:
        o = o + xc
    o_ref[...] = o


def _edgek(g, x, w1, b1, w2, b2, k, agg='max', resid=False, R=512):
    M, CP = x.shape
    C1 = w1.shape[1]
    C2 = C1 if w2 is None else w2.shape[1]
    specs = [pl.BlockSpec((R * k, CP), lambda i: (i, 0)),
             pl.BlockSpec((R, CP), lambda i: (i, 0)),
             pl.BlockSpec((2 * CP, C1), lambda i: (0, 0)),
             pl.BlockSpec((1, C1), lambda i: (0, 0))]
    args = [g, x, w1, b1.reshape(1, -1)]
    if w2 is not None:
        specs += [pl.BlockSpec((C1, C2), lambda i: (0, 0)),
                  pl.BlockSpec((1, C2), lambda i: (0, 0))]
        args += [w2, b2.reshape(1, -1)]
        body = functools.partial(_edgek_body, k=k, agg=agg, resid=resid)
    else:
        body = functools.partial(
            lambda g_r, x_r, w1_r, b1_r, o_r, k, agg, resid: _edgek_body(
                g_r, x_r, w1_r, b1_r, None, None, o_r,
                k=k, agg=agg, resid=resid),
            k=k, agg=agg, resid=resid)
    return pl.pallas_call(
        body,
        grid=(M // R,),
        in_specs=specs,
        out_specs=pl.BlockSpec((R, C2), lambda i: (i, 0)),
        out_shape=jax.ShapeDtypeStruct((M, C2), jnp.float32),
    )(*args)



def _sc_gather(table, idx):
    M = idx.shape[0]
    T, D = table.shape
    NW = 32
    per_w = M // NW
    CH = 128
    nch = per_w // CH
    mesh = plsc.VectorSubcoreMesh(core_axis_name="c", subcore_axis_name="s")

    @functools.partial(
        pl.kernel,
        out_type=jax.ShapeDtypeStruct((M, D), jnp.float32),
        mesh=mesh,
        scratch_types=[pltpu.VMEM((2, CH), jnp.int32),
                       pltpu.VMEM((2, CH, D), jnp.float32),
                       pltpu.SemaphoreType.DMA],
    )
    def kfn(table_hbm, idx_hbm, out_hbm, idx_v, rows_v, gsem):
        wid = lax.axis_index("s") * 2 + lax.axis_index("c")
        base = wid * per_w
        pltpu.sync_copy(idx_hbm.at[pl.ds(base, CH)], idx_v.at[0])
        pltpu.async_copy(table_hbm.at[idx_v.at[0]], rows_v.at[0], gsem)

        def body(i, carry):
            cur = lax.rem(i, 2)
            nxt = 1 - cur
            pltpu.make_async_copy(table_hbm.at[idx_v.at[cur]],
                                  rows_v.at[cur], gsem).wait()

            @pl.when(i + 1 < nch)
            def _prefetch():
                off = base + (i + 1) * CH
                pltpu.sync_copy(idx_hbm.at[pl.ds(off, CH)], idx_v.at[nxt])
                pltpu.async_copy(table_hbm.at[idx_v.at[nxt]],
                                 rows_v.at[nxt], gsem)

            pltpu.sync_copy(rows_v.at[cur],
                            out_hbm.at[pl.ds(base + i * CH, CH)])
            return carry

        lax.fori_loop(0, nch, body, 0)

    return kfn(table, idx)



def _mlp3_body(x_ref, w1_ref, b1_ref, w2_ref, b2_ref, w3_ref, b3_ref, o_ref):
    h = jnp.maximum(jnp.dot(x_ref[...], w1_ref[...],
                            preferred_element_type=jnp.float32)
                    + b1_ref[...], 0.0)
    h = jnp.maximum(jnp.dot(h, w2_ref[...],
                            preferred_element_type=jnp.float32)
                    + b2_ref[...], 0.0)
    o_ref[...] = (jnp.dot(h, w3_ref[...],
                          preferred_element_type=jnp.float32) + b3_ref[...])


def _mlp3(x, w1, b1, w2, b2, w3, b3, R=1024):
    M, Cin = x.shape
    c1, c2, c3 = w1.shape[1], w2.shape[1], w3.shape[1]
    return pl.pallas_call(
        _mlp3_body,
        grid=(M // R,),
        in_specs=[pl.BlockSpec((R, Cin), lambda i: (i, 0)),
                  pl.BlockSpec((Cin, c1), lambda i: (0, 0)),
                  pl.BlockSpec((1, c1), lambda i: (0, 0)),
                  pl.BlockSpec((c1, c2), lambda i: (0, 0)),
                  pl.BlockSpec((1, c2), lambda i: (0, 0)),
                  pl.BlockSpec((c2, c3), lambda i: (0, 0)),
                  pl.BlockSpec((1, c3), lambda i: (0, 0))],
        out_specs=pl.BlockSpec((R, c3), lambda i: (i, 0)),
        out_shape=jax.ShapeDtypeStruct((M, c3), jnp.float32),
    )(x, w1, b1.reshape(1, -1), w2, b2.reshape(1, -1), w3, b3.reshape(1, -1))


def _final_body(gm_ref, edge_ref, pos_ref, o_ref, mask_ref):
    g = gm_ref[...]
    mask_ref[...] = jnp.maximum(g, 0.0)
    keep = (g > 0.01).astype(jnp.float32)
    o_ref[...] = pos_ref[...] + edge_ref[...] * keep


def _final(gmask, edge24, pos24, R=1024):
    M = gmask.shape[0]
    return pl.pallas_call(
        _final_body,
        grid=(M // R,),
        in_specs=[pl.BlockSpec((R, 1), lambda i: (i, 0)),
                  pl.BlockSpec((R, 24), lambda i: (i, 0)),
                  pl.BlockSpec((R, 24), lambda i: (i, 0))],
        out_specs=[pl.BlockSpec((R, 24), lambda i: (i, 0)),
                   pl.BlockSpec((R, 1), lambda i: (i, 0))],
        out_shape=[jax.ShapeDtypeStruct((M, 24), jnp.float32),
                   jax.ShapeDtypeStruct((M, 1), jnp.float32)],
    )(gmask, edge24, pos24)



def _w1cat(w1, c, cp):
    C1 = w1.shape[0]
    wa = w1[:, :c].T
    wb = w1[:, c:].T
    if cp == c:
        return jnp.concatenate([wa, wb], axis=0)
    z = jnp.zeros((cp - c, C1), jnp.float32)
    return jnp.concatenate([wa, z, wb, z], axis=0)


def _pad128(wT, b):
    co = wT.shape[1]
    return jnp.pad(wT, ((0, 0), (0, 128 - co))), jnp.pad(b, (0, 128 - co))


def kernel(feature, pos, params):
    p = params
    B, N, _ = feature.shape
    BN = B * N

    f0 = feature.reshape(BN, 3)
    x128 = jnp.pad(f0, ((0, 0), (0, 125)))
    idx = _knn(x128.reshape(B, N, 128), 20)
    g = _sc_gather(x128, idx.reshape(-1))
    x1 = _edgek(g, x128, _w1cat(p['fe0_w1'], 3, 128), p['fe0_b1'],
                p['fe0_w2'].T, p['fe0_b2'], k=20)

    idx = _knn(x1.reshape(B, N, 128), 20)
    g = _sc_gather(x1, idx.reshape(-1))
    f1 = _edgek(g, x1, _w1cat(p['fe1_w'], 128, 128), p['fe1_b'],
                None, None, k=20, resid=True)

    idx = _knn(f1.reshape(B, N, 128), 20)
    g = _sc_gather(f1, idx.reshape(-1))
    f2 = _edgek(g, f1, _w1cat(p['fe2_w'], 128, 128), p['fe2_b'],
                None, None, k=20, resid=True)

    enc = jnp.concatenate([f1, f2], axis=1)

    w0, b0 = _pad128(p['up0_w'].T, p['up0_b'])
    h = _mm(enc, w0, b0, act=True)
    w0, b0 = _pad128(p['fb0_w'].T, p['fb0_b'])
    gb = _mm(enc, w0, b0, act=True)

    idxu = _knn(h.reshape(B, N, 128), 12)
    gu = _sc_gather(h, idxu.reshape(-1))
    idxf = _knn(gb.reshape(B, N, 128), 12)
    gf = _sc_gather(gb, idxf.reshape(-1))
    h = _edgek(gu, h, _w1cat(p['up1_w1'], 64, 128), p['up1_b1'],
               p['up1_w2'].T, p['up1_b2'], k=12)
    gb = _edgek(gf, gb, _w1cat(p['fb1_w1'], 64, 128), p['fb1_b1'],
                p['fb1_w2'].T, p['fb1_b2'], k=12)

    w0, b0 = _pad128(p['up2_w'].T, p['up2_b'])
    h = _mm(h, w0, b0, act=True)
    w0, b0 = _pad128(p['fb2_w'].T, p['fb2_b'])
    gb = _mm(gb, w0, b0, act=True)

    idxu = _knn(h.reshape(B, N, 128), 4)
    gu = _sc_gather(h, idxu.reshape(-1))
    idxf = _knn(gb.reshape(B, N, 128), 8)
    gf = _sc_gather(gb, idxf.reshape(-1))
    h = _edgek(gu, h, _w1cat(p['up3_w1'], 64, 128), p['up3_b1'],
               p['up3_w2'].T, p['up3_b2'], k=4)
    gb = _edgek(gf, gb, _w1cat(p['fb3_w'], 64, 128), p['fb3_b'],
                None, None, k=8, agg='sum')

    edge24 = _mlp3(h, p['updec_w1'].T, p['updec_b1'],
                   p['updec_w2'].T, p['updec_b2'],
                   p['updec_w3'].T, p['updec_b3'])
    gmask = _mlp3(gb, p['fbdec_w1'].T, p['fbdec_b1'],
                  p['fbdec_w2'].T, p['fbdec_b2'],
                  p['fbdec_w3'].T, p['fbdec_b3'])

    pos24 = jnp.concatenate([pos] * 8, axis=2).reshape(BN, 24)
    out24, mask = _final(gmask, edge24, pos24)
    return out24.reshape(B, N * 8, 3), mask.reshape(B, N, 1)

# --- scband reference (transcript-rebuilt; emitter-appended) ---
"""Pipeline reference for scband-srnet-5549097746948 (READ-ONLY COPY).

The authoritative reference and input builder live on the scoring server;
editing this copy changes nothing except your own understanding.
"""

import jax, jax.numpy as jnp
import numpy as np

_PARAM_SPECS = {
    'fe0_w1': (128, 6), 'fe0_b1': (128,), 'fe0_w2': (128, 128), 'fe0_b2': (128,),
    'fe1_w': (128, 256), 'fe1_b': (128,),
    'fe2_w': (128, 256), 'fe2_b': (128,),
    'up0_w': (64, 256), 'up0_b': (64,),
    'up1_w1': (256, 128), 'up1_b1': (256,), 'up1_w2': (256, 256), 'up1_b2': (256,),
    'up2_w': (64, 256), 'up2_b': (64,),
    'up3_w1': (256, 128), 'up3_b1': (256,), 'up3_w2': (256, 256), 'up3_b2': (256,),
    'updec_w1': (12, 256), 'updec_b1': (12,), 'updec_w2': (24, 12), 'updec_b2': (24,), 'updec_w3': (24, 24), 'updec_b3': (24,),
    'fb0_w': (64, 256), 'fb0_b': (64,),
    'fb1_w1': (256, 128), 'fb1_b1': (256,), 'fb1_w2': (256, 256), 'fb1_b2': (256,),
    'fb2_w': (64, 256), 'fb2_b': (64,),
    'fb3_w': (256, 128), 'fb3_b': (256,),
    'fbdec_w1': (128, 256), 'fbdec_b1': (128,), 'fbdec_w2': (64, 128), 'fbdec_b2': (64,), 'fbdec_w3': (1, 64), 'fbdec_b3': (1,)
}

def _make_params(key):
    params = {}
    for i, name in enumerate(sorted(_PARAM_SPECS.keys())):
        shape = _PARAM_SPECS[name]
        k = jax.random.fold_in(key, i)
        if len(shape) == 2:
            scale = 1.0 / np.sqrt(shape[1])
            params[name] = jax.random.normal(k, shape, dtype=jnp.float32) * scale
        else:
            params[name] = jnp.zeros(shape, dtype=jnp.float32)
    return params

def _knn(x, k):
    # x: [B, C, N] -> idx [B, N, k]
    xx = jnp.sum(x * x, axis=1)
    inner = jnp.einsum('bcn,bcm->bnm', x, x)
    dist = xx[:, :, None] - 2.0 * inner + xx[:, None, :]
    _, idx = jax.lax.top_k(-dist, k)
    return idx

def _edge_feat(x, idx):
    # x: [B, C, N], idx: [B, N, k] -> [B, N, k, 2C]
    xt = jnp.transpose(x, (0, 2, 1))
    nbr = jax.vmap(lambda t, i: t[i])(xt, idx)
    ctr = jnp.broadcast_to(xt[:, :, None, :], nbr.shape)
    return jnp.concatenate([nbr - ctr, ctr], axis=-1)

def _edgeconv(x, k, W1, b1, W2, b2, aggregate):
    idx = _knn(x, k)
    f = _edge_feat(x, idx)
    h = jax.nn.relu(jnp.einsum('bnkc,oc->bnko', f, W1) + b1)
    if W2 is not None:
        h = jax.nn.relu(jnp.einsum('bnkc,oc->bnko', h, W2) + b2)
    if aggregate == 'max':
        h = jnp.max(h, axis=2)
    else:
        h = jnp.sum(h, axis=2)
    return jnp.transpose(h, (0, 2, 1))

def _idgcn(x, W, b):
    return _edgeconv(x, 20, W, b, None, None, 'max') + x

def _conv(x, W, b):
    return jnp.einsum('bcn,oc->bon', x, W) + b[None, :, None]

def _forward(feature, pos, p):
    B = feature.shape[0]
    x = jnp.transpose(feature, (0, 2, 1))
    x = _edgeconv(x, 20, p['fe0_w1'], p['fe0_b1'], p['fe0_w2'], p['fe0_b2'], 'max')
    f1 = _idgcn(x, p['fe1_w'], p['fe1_b'])
    f2 = _idgcn(f1, p['fe2_w'], p['fe2_b'])
    enc = jnp.concatenate([f1, f2], axis=1)
    # upsampling block
    h = jax.nn.relu(_conv(enc, p['up0_w'], p['up0_b']))
    h = _edgeconv(h, 12, p['up1_w1'], p['up1_b1'], p['up1_w2'], p['up1_b2'], 'max')
    h = jax.nn.relu(_conv(h, p['up2_w'], p['up2_b']))
    h = _edgeconv(h, 4, p['up3_w1'], p['up3_b1'], p['up3_w2'], p['up3_b2'], 'max')
    h = jax.nn.relu(_conv(h, p['updec_w1'], p['updec_b1']))
    h = jax.nn.relu(_conv(h, p['updec_w2'], p['updec_b2']))
    h = _conv(h, p['updec_w3'], p['updec_b3'])
    edge = jnp.transpose(h, (0, 2, 1))  # [B, N, 24]
    # binary masking block
    g = jax.nn.relu(_conv(enc, p['fb0_w'], p['fb0_b']))
    g = _edgeconv(g, 12, p['fb1_w1'], p['fb1_b1'], p['fb1_w2'], p['fb1_b2'], 'max')
    g = jax.nn.relu(_conv(g, p['fb2_w'], p['fb2_b']))
    g = _edgeconv(g, 8, p['fb3_w'], p['fb3_b'], None, None, 'sum')
    g = jax.nn.relu(_conv(g, p['fbdec_w1'], p['fbdec_b1']))
    g = jax.nn.relu(_conv(g, p['fbdec_w2'], p['fbdec_b2']))
    g = _conv(g, p['fbdec_w3'], p['fbdec_b3'])
    mask = jnp.transpose(jax.nn.relu(g), (0, 2, 1))  # [B, N, 1]
    # expand_pos_with_masking (hard_masking=False), mask detached
    bm = (jax.lax.stop_gradient(mask).reshape(B, -1, 1) > 0.01).astype(jnp.float32)
    pos_dup = jnp.concatenate([pos] * 8, axis=2)
    e = edge * bm
    expanded = pos_dup.reshape(B, -1, 3) + e.reshape(B, -1, 3)
    return expanded, mask

def setup_inputs(seed: int = 0) -> dict:
    key = jax.random.key(seed)
    k1, k2, kp = jax.random.split(key, 3)
    feature = jax.random.normal(k1, (4, 2048, 3), dtype=jnp.float32)
    pos = jax.random.normal(k2, (4, 2048, 3), dtype=jnp.float32)
    params = _make_params(kp)
    return {'feature': feature, 'pos': pos, 'params': params}

def reference(feature, pos, params):
    return _forward(feature, pos, params)

if __name__ == "__main__":
    import jax
    _d = setup_inputs()
    print(jax.jit(kernel)(*tuple(_d.values())))

</pallas_src>

<mosaic_0001>
#map = affine_map<(d0, d1) -> (0, 0)>
#map1 = affine_map<(d0, d1) -> (0)>
module attributes {stable_mosaic.version = 14 : i64} {
  func.func @kfn(%arg0: i32, %arg1: i32, %arg2: memref<8192x128xf32, #tpu.memory_space<hbm>>, %arg3: memref<10240xi32, #tpu.memory_space<hbm>>, %arg4: memref<10240x128xf32, #tpu.memory_space<hbm>>, %arg5: memref<2x128xi32, #tpu.memory_space<vmem>>, %arg6: memref<2x128x128xf32, #tpu.memory_space<vmem>>, %arg7: memref<!tpu.dma_semaphore, #tpu.memory_space<semaphore_mem>>) attributes {dimension_semantics = [#tpu.dimension_semantics<core_parallel>, #tpu.dimension_semantics<subcore_parallel>], iteration_bounds = array<i64: 2, 16>, scalar_prefetch = 0 : i64, scratch_operands = 3 : i64, tpu.core_type = #tpu.core_type<sc_vector_subcore>, window_params = [{transform_indices = #map}, {transform_indices = #map1}, {transform_indices = #map}]} {
    %mul3A = arith.constant 2 : i32
    %mul3A_0 = arith.muli %arg1, %mul3A : i32
    %add3A = arith.addi %mul3A_0, %arg0 : i32
    %mul3A_1 = arith.constant 320 : i32
    %mul3A_2 = arith.muli %add3A, %mul3A_1 : i32
    %run_scoped3A = arith.constant 0 : i32
    "tpu.region"() ({
      %run_scoped3A_19 = tpu.sem_alloc : memref<!tpu.dma_semaphore, #tpu.memory_space<semaphore_mem>>
      %dma_start3A_20 = arith.constant 0 : i32
      %dma_start3A_21 = tpu.memref_slice %arg5[%run_scoped3A, %dma_start3A_20] : memref<2x128xi32, #tpu.memory_space<vmem>> -> memref<1x128xi32, #tpu.memory_space<vmem>>
      %dma_start3A_22 = tpu.memref_squeeze %dma_start3A_21 : memref<1x128xi32, #tpu.memory_space<vmem>> -> memref<128xi32, #tpu.memory_space<vmem>>
      %dma_start3A_23 = tpu.memref_slice %arg3[%mul3A_2] : memref<10240xi32, #tpu.memory_space<hbm>> -> memref<128xi32, #tpu.memory_space<hbm>>
      %dma_start3A_24 = arith.constant 0 : i32
      %dma_start3A_25 = tpu.memref_slice %arg5[%run_scoped3A, %dma_start3A_24] : memref<2x128xi32, #tpu.memory_space<vmem>> -> memref<1x128xi32, #tpu.memory_space<vmem>>
      %dma_start3A_26 = tpu.memref_squeeze %dma_start3A_25 : memref<1x128xi32, #tpu.memory_space<vmem>> -> memref<128xi32, #tpu.memory_space<vmem>>
      %dma_start3A_27 = tpu.memref_slice %arg3[%mul3A_2] : memref<10240xi32, #tpu.memory_space<hbm>> -> memref<128xi32, #tpu.memory_space<hbm>>
      tpu.enqueue_dma source(%dma_start3A_27 : memref<128xi32, #tpu.memory_space<hbm>>) target(%dma_start3A_26 : memref<128xi32, #tpu.memory_space<vmem>>) target_semaphore(%run_scoped3A_19 : memref<!tpu.dma_semaphore, #tpu.memory_space<semaphore_mem>>)
      %dma_wait3A = arith.constant 0 : i32
      %dma_wait3A_28 = tpu.memref_slice %arg5[%run_scoped3A, %dma_wait3A] : memref<2x128xi32, #tpu.memory_space<vmem>> -> memref<1x128xi32, #tpu.memory_space<vmem>>
      %dma_wait3A_29 = tpu.memref_squeeze %dma_wait3A_28 : memref<1x128xi32, #tpu.memory_space<vmem>> -> memref<128xi32, #tpu.memory_space<vmem>>
      %dma_wait3A_30 = tpu.memref_slice %arg3[%mul3A_2] : memref<10240xi32, #tpu.memory_space<hbm>> -> memref<128xi32, #tpu.memory_space<hbm>>
      %dma_wait3A_31 = arith.constant 0 : i32
      %dma_wait3A_32 = tpu.memref_slice %arg5[%run_scoped3A, %dma_wait3A_31] : memref<2x128xi32, #tpu.memory_space<vmem>> -> memref<1x128xi32, #tpu.memory_space<vmem>>
      %dma_wait3A_33 = tpu.memref_squeeze %dma_wait3A_32 : memref<1x128xi32, #tpu.memory_space<vmem>> -> memref<128xi32, #tpu.memory_space<vmem>>
      %dma_wait3A_34 = tpu.memref_slice %arg3[%mul3A_2] : memref<10240xi32, #tpu.memory_space<hbm>> -> memref<128xi32, #tpu.memory_space<hbm>>
      tpu.wait_dma2 semaphore(%run_scoped3A_19 : memref<!tpu.dma_semaphore, #tpu.memory_space<semaphore_mem>>) src(%dma_wait3A_34 : memref<128xi32, #tpu.memory_space<hbm>>) dst(%dma_wait3A_33 : memref<128xi32, #tpu.memory_space<vmem>>)
      tpu.yield
    }) : () -> ()
    %dma_start3A = arith.constant 0 : i32
    %dma_start3A_3 = arith.constant 0 : i32
    %dma_start3A_4 = arith.constant 0 : i32
    %dma_start3A_5 = arith.constant 0 : i32
    %dma_start3A_6 = tpu.memref_slice %arg6[%dma_start3A_3, %dma_start3A_4, %dma_start3A_5] : memref<2x128x128xf32, #tpu.memory_space<vmem>> -> memref<1x128x128xf32, #tpu.memory_space<vmem>>
    %dma_start3A_7 = tpu.memref_squeeze %dma_start3A_6 : memref<1x128x128xf32, #tpu.memory_space<vmem>> -> memref<128x128xf32, #tpu.memory_space<vmem>>
    %dma_start3A_8 = arith.constant 0 : i32
    %dma_start3A_9 = tpu.memref_slice %arg5[%dma_start3A, %dma_start3A_8] : memref<2x128xi32, #tpu.memory_space<vmem>> -> memref<1x128xi32, #tpu.memory_space<vmem>>
    %dma_start3A_10 = tpu.memref_squeeze %dma_start3A_9 : memref<1x128xi32, #tpu.memory_space<vmem>> -> memref<128xi32, #tpu.memory_space<vmem>>
    %dma_start3A_11 = arith.constant 0 : i32
    %dma_start3A_12 = arith.constant 0 : i32
    %dma_start3A_13 = tpu.memref_slice %arg2[%dma_start3A_11, %dma_start3A_12] : memref<8192x128xf32, #tpu.memory_space<hbm>> -> memref<8192x128xf32, #tpu.memory_space<hbm>>
    tpu.enqueue_indirect_dma source(%dma_start3A_13 : memref<8192x128xf32, #tpu.memory_space<hbm>>) target(%dma_start3A_7 : memref<128x128xf32, #tpu.memory_space<vmem>>) offsets(%dma_start3A_10 : memref<128xi32, #tpu.memory_space<vmem>>) semaphore(%arg7 : memref<!tpu.dma_semaphore, #tpu.memory_space<semaphore_mem>>)
    %scan3A = arith.constant 0 : i32
    %scan3A_14 = arith.constant 0 : i32
    %scan3A_15 = arith.constant 2 : i32
    %scan3A_16 = arith.addi %scan3A_14, %scan3A_15 : i32
    %scan3A_17 = arith.constant 1 : i32
    scf.for %scan3A_19 = %scan3A_14 to %scan3A_16 step %scan3A_17  : i32 {
      %rem3A = arith.constant 2 : i32
      %rem3A_20 = arith.remsi %scan3A_19, %rem3A : i32
      %sub3A = arith.constant 1 : i32
      %sub3A_21 = arith.subi %sub3A, %rem3A_20 : i32
      %dma_wait3A = arith.constant 0 : i32
      %dma_wait3A_22 = arith.constant 0 : i32
      %dma_wait3A_23 = tpu.memref_slice %arg6[%rem3A_20, %dma_wait3A, %dma_wait3A_22] : memref<2x128x128xf32, #tpu.memory_space<vmem>> -> memref<1x128x128xf32, #tpu.memory_space<vmem>>
      %dma_wait3A_24 = tpu.memref_squeeze %dma_wait3A_23 : memref<1x128x128xf32, #tpu.memory_space<vmem>> -> memref<128x128xf32, #tpu.memory_space<vmem>>
      %dma_wait3A_25 = arith.constant 0 : i32
      %dma_wait3A_26 = tpu.memref_slice %arg5[%rem3A_20, %dma_wait3A_25] : memref<2x128xi32, #tpu.memory_space<vmem>> -> memref<1x128xi32, #tpu.memory_space<vmem>>
      %dma_wait3A_27 = tpu.memref_squeeze %dma_wait3A_26 : memref<1x128xi32, #tpu.memory_space<vmem>> -> memref<128xi32, #tpu.memory_space<vmem>>
      %dma_wait3A_28 = arith.constant 0 : i32
      %dma_wait3A_29 = arith.constant 0 : i32
      %dma_wait3A_30 = tpu.memref_slice %arg2[%dma_wait3A_28, %dma_wait3A_29] : memref<8192x128xf32, #tpu.memory_space<hbm>> -> memref<8192x128xf32, #tpu.memory_space<hbm>>
      tpu.wait_indirect_dma semaphore(%arg7 : memref<!tpu.dma_semaphore, #tpu.memory_space<semaphore_mem>>) src(%dma_wait3A_30 : memref<8192x128xf32, #tpu.memory_space<hbm>>) dst(%dma_wait3A_24 : memref<128x128xf32, #tpu.memory_space<vmem>>)
      %add3A_31 = arith.constant 1 : i32
      %add3A_32 = arith.addi %scan3A_19, %add3A_31 : i32
      %lt3A = arith.constant 2 : i32
      %lt3A_33 = arith.cmpi slt, %add3A_32, %lt3A : i32
      %convert_element_type3A = arith.extui %lt3A_33 : i1 to i32
      %cond3A = arith.constant 0 : i32
      %cond3A_34 = arith.cmpi ne, %convert_element_type3A, %cond3A : i32
      scf.if %cond3A_34 {
        %add3A_38 = arith.constant 1 : i32
        %add3A_39 = arith.addi %scan3A_19, %add3A_38 : i32
        %mul3A_40 = arith.constant 128 : i32
        %mul3A_41 = arith.muli %add3A_39, %mul3A_40 : i32
        %add3A_42 = arith.addi %mul3A_2, %mul3A_41 : i32
        "tpu.region"() ({
          %run_scoped3A_53 = tpu.sem_alloc : memref<!tpu.dma_semaphore, #tpu.memory_space<semaphore_mem>>
          %dma_start3A_54 = arith.constant 0 : i32
          %dma_start3A_55 = tpu.memref_slice %arg5[%sub3A_21, %dma_start3A_54] : memref<2x128xi32, #tpu.memory_space<vmem>> -> memref<1x128xi32, #tpu.memory_space<vmem>>
          %dma_start3A_56 = tpu.memref_squeeze %dma_start3A_55 : memref<1x128xi32, #tpu.memory_space<vmem>> -> memref<128xi32, #tpu.memory_space<vmem>>
          %dma_start3A_57 = tpu.memref_slice %arg3[%add3A_42] : memref<10240xi32, #tpu.memory_space<hbm>> -> memref<128xi32, #tpu.memory_space<hbm>>
          %dma_start3A_58 = arith.constant 0 : i32
          %dma_start3A_59 = tpu.memref_slice %arg5[%sub3A_21, %dma_start3A_58] : memref<2x128xi32, #tpu.memory_space<vmem>> -> memref<1x128xi32, #tpu.memory_space<vmem>>
          %dma_start3A_60 = tpu.memref_squeeze %dma_start3A_59 : memref<1x128xi32, #tpu.memory_space<vmem>> -> memref<128xi32, #tpu.memory_space<vmem>>
          %dma_start3A_61 = tpu.memref_slice %arg3[%add3A_42] : memref<10240xi32, #tpu.memory_space<hbm>> -> memref<128xi32, #tpu.memory_space<hbm>>
          tpu.enqueue_dma source(%dma_start3A_61 : memref<128xi32, #tpu.memory_space<hbm>>) target(%dma_start3A_60 : memref<128xi32, #tpu.memory_space<vmem>>) target_semaphore(%run_scoped3A_53 : memref<!tpu.dma_semaphore, #tpu.memory_space<semaphore_mem>>)
          %dma_wait3A_62 = arith.constant 0 : i32
          %dma_wait3A_63 = tpu.memref_slice %arg5[%sub3A_21, %dma_wait3A_62] : memref<2x128xi32, #tpu.memory_space<vmem>> -> memref<1x128xi32, #tpu.memory_space<vmem>>
          %dma_wait3A_64 = tpu.memref_squeeze %dma_wait3A_63 : memref<1x128xi32, #tpu.memory_space<vmem>> -> memref<128xi32, #tpu.memory_space<vmem>>
          %dma_wait3A_65 = tpu.memref_slice %arg3[%add3A_42] : memref<10240xi32, #tpu.memory_space<hbm>> -> memref<128xi32, #tpu.memory_space<hbm>>
          %dma_wait3A_66 = arith.constant 0 : i32
          %dma_wait3A_67 = tpu.memref_slice %arg5[%sub3A_21, %dma_wait3A_66] : memref<2x128xi32, #tpu.memory_space<vmem>> -> memref<1x128xi32, #tpu.memory_space<vmem>>
          %dma_wait3A_68 = tpu.memref_squeeze %dma_wait3A_67 : memref<1x128xi32, #tpu.memory_space<vmem>> -> memref<128xi32, #tpu.memory_space<vmem>>
          %dma_wait3A_69 = tpu.memref_slice %arg3[%add3A_42] : memref<10240xi32, #tpu.memory_space<hbm>> -> memref<128xi32, #tpu.memory_space<hbm>>
          tpu.wait_dma2 semaphore(%run_scoped3A_53 : memref<!tpu.dma_semaphore, #tpu.memory_space<semaphore_mem>>) src(%dma_wait3A_69 : memref<128xi32, #tpu.memory_space<hbm>>) dst(%dma_wait3A_68 : memref<128xi32, #tpu.memory_space<vmem>>)
          tpu.yield
        }) : () -> ()
        %dma_start3A_43 = arith.constant 0 : i32
        %dma_start3A_44 = arith.constant 0 : i32
        %dma_start3A_45 = tpu.memref_slice %arg6[%sub3A_21, %dma_start3A_43, %dma_start3A_44] : memref<2x128x128xf32, #tpu.memory_space<vmem>> -> memref<1x128x128xf32, #tpu.memory_space<vmem>>
        %dma_start3A_46 = tpu.memref_squeeze %dma_start3A_45 : memref<1x128x128xf32, #tpu.memory_space<vmem>> -> memref<128x128xf32, #tpu.memory_space<vmem>>
        %dma_start3A_47 = arith.constant 0 : i32
        %dma_start3A_48 = tpu.memref_slice %arg5[%sub3A_21, %dma_start3A_47] : memref<2x128xi32, #tpu.memory_space<vmem>> -> memref<1x128xi32, #tpu.memory_space<vmem>>
        %dma_start3A_49 = tpu.memref_squeeze %dma_start3A_48 : memref<1x128xi32, #tpu.memory_space<vmem>> -> memref<128xi32, #tpu.memory_space<vmem>>
        %dma_start3A_50 = arith.constant 0 : i32
        %dma_start3A_51 = arith.constant 0 : i32
        %dma_start3A_52 = tpu.memref_slice %arg2[%dma_start3A_50, %dma_start3A_51] : memref<8192x128xf32, #tpu.memory_space<hbm>> -> memref<8192x128xf32, #tpu.memory_space<hbm>>
        tpu.enqueue_indirect_dma source(%dma_start3A_52 : memref<8192x128xf32, #tpu.memory_space<hbm>>) target(%dma_start3A_46 : memref<128x128xf32, #tpu.memory_space<vmem>>) offsets(%dma_start3A_49 : memref<128xi32, #tpu.memory_space<vmem>>) semaphore(%arg7 : memref<!tpu.dma_semaphore, #tpu.memory_space<semaphore_mem>>)
      } else {
      }
      %mul3A_35 = arith.constant 128 : i32
      %mul3A_36 = arith.muli %scan3A_19, %mul3A_35 : i32
      %add3A_37 = arith.addi %mul3A_2, %mul3A_36 : i32
      "tpu.region"() ({
        %run_scoped3A_38 = tpu.sem_alloc : memref<!tpu.dma_semaphore, #tpu.memory_space<semaphore_mem>>
        %dma_start3A_39 = arith.constant 0 : i32
        %dma_start3A_40 = arith.constant 0 : i32
        %dma_start3A_41 = tpu.memref_slice %arg6[%rem3A_20, %dma_start3A_39, %dma_start3A_40] : memref<2x128x128xf32, #tpu.memory_space<vmem>> -> memref<1x128x128xf32, #tpu.memory_space<vmem>>
        %dma_start3A_42 = tpu.memref_squeeze %dma_start3A_41 : memref<1x128x128xf32, #tpu.memory_space<vmem>> -> memref<128x128xf32, #tpu.memory_space<vmem>>
        %dma_start3A_43 = arith.constant 0 : i32
        %dma_start3A_44 = tpu.memref_slice %arg4[%add3A_37, %dma_start3A_43] : memref<10240x128xf32, #tpu.memory_space<hbm>> -> memref<128x128xf32, #tpu.memory_space<hbm>>
        %dma_start3A_45 = arith.constant 0 : i32
        %dma_start3A_46 = tpu.memref_slice %arg4[%add3A_37, %dma_start3A_45] : memref<10240x128xf32, #tpu.memory_space<hbm>> -> memref<128x128xf32, #tpu.memory_space<hbm>>
        %dma_start3A_47 = arith.constant 0 : i32
        %dma_start3A_48 = arith.constant 0 : i32
        %dma_start3A_49 = tpu.memref_slice %arg6[%rem3A_20, %dma_start3A_47, %dma_start3A_48] : memref<2x128x128xf32, #tpu.memory_space<vmem>> -> memref<1x128x128xf32, #tpu.memory_space<vmem>>
        %dma_start3A_50 = tpu.memref_squeeze %dma_start3A_49 : memref<1x128x128xf32, #tpu.memory_space<vmem>> -> memref<128x128xf32, #tpu.memory_space<vmem>>
        tpu.enqueue_dma source(%dma_start3A_50 : memref<128x128xf32, #tpu.memory_space<vmem>>) target(%dma_start3A_46 : memref<128x128xf32, #tpu.memory_space<hbm>>) target_semaphore(%run_scoped3A_38 : memref<!tpu.dma_semaphore, #tpu.memory_space<semaphore_mem>>)
        %dma_wait3A_51 = arith.constant 0 : i32
        %dma_wait3A_52 = arith.constant 0 : i32
        %dma_wait3A_53 = tpu.memref_slice %arg6[%rem3A_20, %dma_wait3A_51, %dma_wait3A_52] : memref<2x128x128xf32, #tpu.memory_space<vmem>> -> memref<1x128x128xf32, #tpu.memory_space<vmem>>
        %dma_wait3A_54 = tpu.memref_squeeze %dma_wait3A_53 : memref<1x128x128xf32, #tpu.memory_space<vmem>> -> memref<128x128xf32, #tpu.memory_space<vmem>>
        %dma_wait3A_55 = arith.constant 0 : i32
        %dma_wait3A_56 = tpu.memref_slice %arg4[%add3A_37, %dma_wait3A_55] : memref<10240x128xf32, #tpu.memory_space<hbm>> -> memref<128x128xf32, #tpu.memory_space<hbm>>
        %dma_wait3A_57 = arith.constant 0 : i32
        %dma_wait3A_58 = tpu.memref_slice %arg4[%add3A_37, %dma_wait3A_57] : memref<10240x128xf32, #tpu.memory_space<hbm>> -> memref<128x128xf32, #tpu.memory_space<hbm>>
        %dma_wait3A_59 = arith.constant 0 : i32
        %dma_wait3A_60 = arith.constant 0 : i32
        %dma_wait3A_61 = tpu.memref_slice %arg6[%rem3A_20, %dma_wait3A_59, %dma_wait3A_60] : memref<2x128x128xf32, #tpu.memory_space<vmem>> -> memref<1x128x128xf32, #tpu.memory_space<vmem>>
        %dma_wait3A_62 = tpu.memref_squeeze %dma_wait3A_61 : memref<1x128x128xf32, #tpu.memory_space<vmem>> -> memref<128x128xf32, #tpu.memory_space<vmem>>
        tpu.wait_dma2 semaphore(%run_scoped3A_38 : memref<!tpu.dma_semaphore, #tpu.memory_space<semaphore_mem>>) src(%dma_wait3A_62 : memref<128x128xf32, #tpu.memory_space<vmem>>) dst(%dma_wait3A_58 : memref<128x128xf32, #tpu.memory_space<hbm>>)
        tpu.yield
      }) : () -> ()
    }
    %scan3A_18 = arith.constant 2 : i32
    return
  }
}

#map = affine_map<(d0, d1) -> (0, 0)>
#map1 = affine_map<(d0, d1) -> (0)>
module attributes {stable_mosaic.version = 14 : i64} {
  func.func @kfn(%arg0: i32, %arg1: i32, %arg2: memref<8192x128xf32, #tpu.memory_space<hbm>>, %arg3: memref<10240xi32, #tpu.memory_space<hbm>>, %arg4: memref<10240x128xf32, #tpu.memory_space<hbm>>, %arg5: memref<2x128xi32, #tpu.memory_space<vmem>>, %arg6: memref<2x128x128xf32, #tpu.memory_space<vmem>>, %arg7: memref<!tpu.dma_semaphore, #tpu.memory_space<semaphore_mem>>) attributes {dimension_semantics = [#tpu.dimension_semantics<core_parallel>, #tpu.dimension_semantics<subcore_parallel>], iteration_bounds = array<i64: 2, 16>, scalar_prefetch = 0 : i64, scratch_operands = 3 : i64, tpu.core_type = #tpu.core_type<sc_vector_subcore>, window_params = [{transform_indices = #map}, {transform_indices = #map1}, {transform_indices = #map}]} {
    %mul3A = arith.constant 2 : i32
    %mul3A_0 = arith.muli %arg1, %mul3A : i32
    %add3A = arith.addi %mul3A_0, %arg0 : i32
    %mul3A_1 = arith.constant 320 : i32
    %mul3A_2 = arith.muli %add3A, %mul3A_1 : i32
    %run_scoped3A = arith.constant 0 : i32
    "tpu.region"() ({
      %run_scoped3A_19 = tpu.sem_alloc : memref<!tpu.dma_semaphore, #tpu.memory_space<semaphore_mem>>
      %dma_start3A_20 = arith.constant 0 : i32
      %dma_start3A_21 = tpu.memref_slice %arg5[%run_scoped3A, %dma_start3A_20] : memref<2x128xi32, #tpu.memory_space<vmem>> -> memref<1x128xi32, #tpu.memory_space<vmem>>
      %dma_start3A_22 = tpu.memref_squeeze %dma_start3A_21 : memref<1x128xi32, #tpu.memory_space<vmem>> -> memref<128xi32, #tpu.memory_space<vmem>>
      %dma_start3A_23 = tpu.memref_slice %arg3[%mul3A_2] : memref<10240xi32, #tpu.memory_space<hbm>> -> memref<128xi32, #tpu.memory_space<hbm>>
      %dma_start3A_24 = arith.constant 0 : i32
      %dma_start3A_25 = tpu.memref_slice %arg5[%run_scoped3A, %dma_start3A_24] : memref<2x128xi32, #tpu.memory_space<vmem>> -> memref<1x128xi32, #tpu.memory_space<vmem>>
      %dma_start3A_26 = tpu.memref_squeeze %dma_start3A_25 : memref<1x128xi32, #tpu.memory_space<vmem>> -> memref<128xi32, #tpu.memory_space<vmem>>
      %dma_start3A_27 = tpu.memref_slice %arg3[%mul3A_2] : memref<10240xi32, #tpu.memory_space<hbm>> -> memref<128xi32, #tpu.memory_space<hbm>>
      tpu.enqueue_dma source(%dma_start3A_27 : memref<128xi32, #tpu.memory_space<hbm>>) target(%dma_start3A_26 : memref<128xi32, #tpu.memory_space<vmem>>) target_semaphore(%run_scoped3A_19 : memref<!tpu.dma_semaphore, #tpu.memory_space<semaphore_mem>>)
      %dma_wait3A = arith.constant 0 : i32
      %dma_wait3A_28 = tpu.memref_slice %arg5[%run_scoped3A, %dma_wait3A] : memref<2x128xi32, #tpu.memory_space<vmem>> -> memref<1x128xi32, #tpu.memory_space<vmem>>
      %dma_wait3A_29 = tpu.memref_squeeze %dma_wait3A_28 : memref<1x128xi32, #tpu.memory_space<vmem>> -> memref<128xi32, #tpu.memory_space<vmem>>
      %dma_wait3A_30 = tpu.memref_slice %arg3[%mul3A_2] : memref<10240xi32, #tpu.memory_space<hbm>> -> memref<128xi32, #tpu.memory_space<hbm>>
      %dma_wait3A_31 = arith.constant 0 : i32
      %dma_wait3A_32 = tpu.memref_slice %arg5[%run_scoped3A, %dma_wait3A_31] : memref<2x128xi32, #tpu.memory_space<vmem>> -> memref<1x128xi32, #tpu.memory_space<vmem>>
      %dma_wait3A_33 = tpu.memref_squeeze %dma_wait3A_32 : memref<1x128xi32, #tpu.memory_space<vmem>> -> memref<128xi32, #tpu.memory_space<vmem>>
      %dma_wait3A_34 = tpu.memref_slice %arg3[%mul3A_2] : memref<10240xi32, #tpu.memory_space<hbm>> -> memref<128xi32, #tpu.memory_space<hbm>>
      tpu.wait_dma2 semaphore(%run_scoped3A_19 : memref<!tpu.dma_semaphore, #tpu.memory_space<semaphore_mem>>) src(%dma_wait3A_34 : memref<128xi32, #tpu.memory_space<hbm>>) dst(%dma_wait3A_33 : memref<128xi32, #tpu.memory_space<vmem>>)
      tpu.yield
    }) : () -> ()
    %dma_start3A = arith.constant 0 : i32
    %dma_start3A_3 = arith.constant 0 : i32
    %dma_start3A_4 = arith.constant 0 : i32
    %dma_start3A_5 = arith.constant 0 : i32
    %dma_start3A_6 = tpu.memref_slice %arg6[%dma_start3A_3, %dma_start3A_4, %dma_start3A_5] : memref<2x128x128xf32, #tpu.memory_space<vmem>> -> memref<1x128x128xf32, #tpu.memory_space<vmem>>
    %dma_start3A_7 = tpu.memref_squeeze %dma_start3A_6 : memref<1x128x128xf32, #tpu.memory_space<vmem>> -> memref<128x128xf32, #tpu.memory_space<vmem>>
    %dma_start3A_8 = arith.constant 0 : i32
    %dma_start3A_9 = tpu.memref_slice %arg5[%dma_start3A, %dma_start3A_8] : memref<2x128xi32, #tpu.memory_space<vmem>> -> memref<1x128xi32, #tpu.memory_space<vmem>>
    %dma_start3A_10 = tpu.memref_squeeze %dma_start3A_9 : memref<1x128xi32, #tpu.memory_space<vmem>> -> memref<128xi32, #tpu.memory_space<vmem>>
    %dma_start3A_11 = arith.constant 0 : i32
    %dma_start3A_12 = arith.constant 0 : i32
    %dma_start3A_13 = tpu.memref_slice %arg2[%dma_start3A_11, %dma_start3A_12] : memref<8192x128xf32, #tpu.memory_space<hbm>> -> memref<8192x128xf32, #tpu.memory_space<hbm>>
    tpu.enqueue_indirect_dma source(%dma_start3A_13 : memref<8192x128xf32, #tpu.memory_space<hbm>>) target(%dma_start3A_7 : memref<128x128xf32, #tpu.memory_space<vmem>>) offsets(%dma_start3A_10 : memref<128xi32, #tpu.memory_space<vmem>>) semaphore(%arg7 : memref<!tpu.dma_semaphore, #tpu.memory_space<semaphore_mem>>)
    %scan3A = arith.constant 0 : i32
    %scan3A_14 = arith.constant 0 : i32
    %scan3A_15 = arith.constant 2 : i32
    %scan3A_16 = arith.addi %scan3A_14, %scan3A_15 : i32
    %scan3A_17 = arith.constant 1 : i32
    scf.for %scan3A_19 = %scan3A_14 to %scan3A_16 step %scan3A_17  : i32 {
      %rem3A = arith.constant 2 : i32
      %rem3A_20 = arith.remsi %scan3A_19, %rem3A : i32
      %sub3A = arith.constant 1 : i32
      %sub3A_21 = arith.subi %sub3A, %rem3A_20 : i32
      %dma_wait3A = arith.constant 0 : i32
      %dma_wait3A_22 = arith.constant 0 : i32
      %dma_wait3A_23 = tpu.memref_slice %arg6[%rem3A_20, %dma_wait3A, %dma_wait3A_22] : memref<2x128x128xf32, #tpu.memory_space<vmem>> -> memref<1x128x128xf32, #tpu.memory_space<vmem>>
      %dma_wait3A_24 = tpu.memref_squeeze %dma_wait3A_23 : memref<1x128x128xf32, #tpu.memory_space<vmem>> -> memref<128x128xf32, #tpu.memory_space<vmem>>
      %dma_wait3A_25 = arith.constant 0 : i32
      %dma_wait3A_26 = tpu.memref_slice %arg5[%rem3A_20, %dma_wait3A_25] : memref<2x128xi32, #tpu.memory_space<vmem>> -> memref<1x128xi32, #tpu.memory_space<vmem>>
      %dma_wait3A_27 = tpu.memref_squeeze %dma_wait3A_26 : memref<1x128xi32, #tpu.memory_space<vmem>> -> memref<128xi32, #tpu.memory_space<vmem>>
      %dma_wait3A_28 = arith.constant 0 : i32
      %dma_wait3A_29 = arith.constant 0 : i32
      %dma_wait3A_30 = tpu.memref_slice %arg2[%dma_wait3A_28, %dma_wait3A_29] : memref<8192x128xf32, #tpu.memory_space<hbm>> -> memref<8192x128xf32, #tpu.memory_space<hbm>>
      tpu.wait_indirect_dma semaphore(%arg7 : memref<!tpu.dma_semaphore, #tpu.memory_space<semaphore_mem>>) src(%dma_wait3A_30 : memref<8192x128xf32, #tpu.memory_space<hbm>>) dst(%dma_wait3A_24 : memref<128x128xf32, #tpu.memory_space<vmem>>)
      %add3A_31 = arith.constant 1 : i32
      %add3A_32 = arith.addi %scan3A_19, %add3A_31 : i32
      %lt3A = arith.constant 2 : i32
      %lt3A_33 = arith.cmpi slt, %add3A_32, %lt3A : i32
      %convert_element_type3A = arith.extui %lt3A_33 : i1 to i32
      %cond3A = arith.constant 0 : i32
      %cond3A_34 = arith.cmpi ne, %convert_element_type3A, %cond3A : i32
      scf.if %cond3A_34 {
        %add3A_38 = arith.constant 1 : i32
        %add3A_39 = arith.addi %scan3A_19, %add3A_38 : i32
        %mul3A_40 = arith.constant 128 : i32
        %mul3A_41 = arith.muli %add3A_39, %mul3A_40 : i32
        %add3A_42 = arith.addi %mul3A_2, %mul3A_41 : i32
        "tpu.region"() ({
          %run_scoped3A_53 = tpu.sem_alloc : memref<!tpu.dma_semaphore, #tpu.memory_space<semaphore_mem>>
          %dma_start3A_54 = arith.constant 0 : i32
          %dma_start3A_55 = tpu.memref_slice %arg5[%sub3A_21, %dma_start3A_54] : memref<2x128xi32, #tpu.memory_space<vmem>> -> memref<1x128xi32, #tpu.memory_space<vmem>>
          %dma_start3A_56 = tpu.memref_squeeze %dma_start3A_55 : memref<1x128xi32, #tpu.memory_space<vmem>> -> memref<128xi32, #tpu.memory_space<vmem>>
          %dma_start3A_57 = tpu.memref_slice %arg3[%add3A_42] : memref<10240xi32, #tpu.memory_space<hbm>> -> memref<128xi32, #tpu.memory_space<hbm>>
          %dma_start3A_58 = arith.constant 0 : i32
          %dma_start3A_59 = tpu.memref_slice %arg5[%sub3A_21, %dma_start3A_58] : memref<2x128xi32, #tpu.memory_space<vmem>> -> memref<1x128xi32, #tpu.memory_space<vmem>>
          %dma_start3A_60 = tpu.memref_squeeze %dma_start3A_59 : memref<1x128xi32, #tpu.memory_space<vmem>> -> memref<128xi32, #tpu.memory_space<vmem>>
          %dma_start3A_61 = tpu.memref_slice %arg3[%add3A_42] : memref<10240xi32, #tpu.memory_space<hbm>> -> memref<128xi32, #tpu.memory_space<hbm>>
          tpu.enqueue_dma source(%dma_start3A_61 : memref<128xi32, #tpu.memory_space<hbm>>) target(%dma_start3A_60 : memref<128xi32, #tpu.memory_space<vmem>>) target_semaphore(%run_scoped3A_53 : memref<!tpu.dma_semaphore, #tpu.memory_space<semaphore_mem>>)
          %dma_wait3A_62 = arith.constant 0 : i32
          %dma_wait3A_63 = tpu.memref_slice %arg5[%sub3A_21, %dma_wait3A_62] : memref<2x128xi32, #tpu.memory_space<vmem>> -> memref<1x128xi32, #tpu.memory_space<vmem>>
          %dma_wait3A_64 = tpu.memref_squeeze %dma_wait3A_63 : memref<1x128xi32, #tpu.memory_space<vmem>> -> memref<128xi32, #tpu.memory_space<vmem>>
          %dma_wait3A_65 = tpu.memref_slice %arg3[%add3A_42] : memref<10240xi32, #tpu.memory_space<hbm>> -> memref<128xi32, #tpu.memory_space<hbm>>
          %dma_wait3A_66 = arith.constant 0 : i32
          %dma_wait3A_67 = tpu.memref_slice %arg5[%sub3A_21, %dma_wait3A_66] : memref<2x128xi32, #tpu.memory_space<vmem>> -> memref<1x128xi32, #tpu.memory_space<vmem>>
          %dma_wait3A_68 = tpu.memref_squeeze %dma_wait3A_67 : memref<1x128xi32, #tpu.memory_space<vmem>> -> memref<128xi32, #tpu.memory_space<vmem>>
          %dma_wait3A_69 = tpu.memref_slice %arg3[%add3A_42] : memref<10240xi32, #tpu.memory_space<hbm>> -> memref<128xi32, #tpu.memory_space<hbm>>
          tpu.wait_dma2 semaphore(%run_scoped3A_53 : memref<!tpu.dma_semaphore, #tpu.memory_space<semaphore_mem>>) src(%dma_wait3A_69 : memref<128xi32, #tpu.memory_space<hbm>>) dst(%dma_wait3A_68 : memref<128xi32, #tpu.memory_space<vmem>>)
          tpu.yield
        }) : () -> ()
        %dma_start3A_43 = arith.constant 0 : i32
        %dma_start3A_44 = arith.constant 0 : i32
        %dma_start3A_45 = tpu.memref_slice %arg6[%sub3A_21, %dma_start3A_43, %dma_start3A_44] : memref<2x128x128xf32, #tpu.memory_space<vmem>> -> memref<1x128x128xf32, #tpu.memory_space<vmem>>
        %dma_start3A_46 = tpu.memref_squeeze %dma_start3A_45 : memref<1x128x128xf32, #tpu.memory_space<vmem>> -> memref<128x128xf32, #tpu.memory_space<vmem>>
        %dma_start3A_47 = arith.constant 0 : i32
        %dma_start3A_48 = tpu.memref_slice %arg5[%sub3A_21, %dma_start3A_47] : memref<2x128xi32, #tpu.memory_space<vmem>> -> memref<1x128xi32, #tpu.memory_space<vmem>>
        %dma_start3A_49 = tpu.memref_squeeze %dma_start3A_48 : memref<1x128xi32, #tpu.memory_space<vmem>> -> memref<128xi32, #tpu.memory_space<vmem>>
        %dma_start3A_50 = arith.constant 0 : i32
        %dma_start3A_51 = arith.constant 0 : i32
        %dma_start3A_52 = tpu.memref_slice %arg2[%dma_start3A_50, %dma_start3A_51] : memref<8192x128xf32, #tpu.memory_space<hbm>> -> memref<8192x128xf32, #tpu.memory_space<hbm>>
        tpu.enqueue_indirect_dma source(%dma_start3A_52 : memref<8192x128xf32, #tpu.memory_space<hbm>>) target(%dma_start3A_46 : memref<128x128xf32, #tpu.memory_space<vmem>>) offsets(%dma_start3A_49 : memref<128xi32, #tpu.memory_space<vmem>>) semaphore(%arg7 : memref<!tpu.dma_semaphore, #tpu.memory_space<semaphore_mem>>)
      } else {
      }
      %mul3A_35 = arith.constant 128 : i32
      %mul3A_36 = arith.muli %scan3A_19, %mul3A_35 : i32
      %add3A_37 = arith.addi %mul3A_2, %mul3A_36 : i32
      "tpu.region"() ({
        %run_scoped3A_38 = tpu.sem_alloc : memref<!tpu.dma_semaphore, #tpu.memory_space<semaphore_mem>>
        %dma_start3A_39 = arith.constant 0 : i32
        %dma_start3A_40 = arith.constant 0 : i32
        %dma_start3A_41 = tpu.memref_slice %arg6[%rem3A_20, %dma_start3A_39, %dma_start3A_40] : memref<2x128x128xf32, #tpu.memory_space<vmem>> -> memref<1x128x128xf32, #tpu.memory_space<vmem>>
        %dma_start3A_42 = tpu.memref_squeeze %dma_start3A_41 : memref<1x128x128xf32, #tpu.memory_space<vmem>> -> memref<128x128xf32, #tpu.memory_space<vmem>>
        %dma_start3A_43 = arith.constant 0 : i32
        %dma_start3A_44 = tpu.memref_slice %arg4[%add3A_37, %dma_start3A_43] : memref<10240x128xf32, #tpu.memory_space<hbm>> -> memref<128x128xf32, #tpu.memory_space<hbm>>
        %dma_start3A_45 = arith.constant 0 : i32
        %dma_start3A_46 = tpu.memref_slice %arg4[%add3A_37, %dma_start3A_45] : memref<10240x128xf32, #tpu.memory_space<hbm>> -> memref<128x128xf32, #tpu.memory_space<hbm>>
        %dma_start3A_47 = arith.constant 0 : i32
        %dma_start3A_48 = arith.constant 0 : i32
        %dma_start3A_49 = tpu.memref_slice %arg6[%rem3A_20, %dma_start3A_47, %dma_start3A_48] : memref<2x128x128xf32, #tpu.memory_space<vmem>> -> memref<1x128x128xf32, #tpu.memory_space<vmem>>
        %dma_start3A_50 = tpu.memref_squeeze %dma_start3A_49 : memref<1x128x128xf32, #tpu.memory_space<vmem>> -> memref<128x128xf32, #tpu.memory_space<vmem>>
        tpu.enqueue_dma source(%dma_start3A_50 : memref<128x128xf32, #tpu.memory_space<vmem>>) target(%dma_start3A_46 : memref<128x128xf32, #tpu.memory_space<hbm>>) target_semaphore(%run_scoped3A_38 : memref<!tpu.dma_semaphore, #tpu.memory_space<semaphore_mem>>)
        %dma_wait3A_51 = arith.constant 0 : i32
        %dma_wait3A_52 = arith.constant 0 : i32
        %dma_wait3A_53 = tpu.memref_slice %arg6[%rem3A_20, %dma_wait3A_51, %dma_wait3A_52] : memref<2x128x128xf32, #tpu.memory_space<vmem>> -> memref<1x128x128xf32, #tpu.memory_space<vmem>>
        %dma_wait3A_54 = tpu.memref_squeeze %dma_wait3A_53 : memref<1x128x128xf32, #tpu.memory_space<vmem>> -> memref<128x128xf32, #tpu.memory_space<vmem>>
        %dma_wait3A_55 = arith.constant 0 : i32
        %dma_wait3A_56 = tpu.memref_slice %arg4[%add3A_37, %dma_wait3A_55] : memref<10240x128xf32, #tpu.memory_space<hbm>> -> memref<128x128xf32, #tpu.memory_space<hbm>>
        %dma_wait3A_57 = arith.constant 0 : i32
        %dma_wait3A_58 = tpu.memref_slice %arg4[%add3A_37, %dma_wait3A_57] : memref<10240x128xf32, #tpu.memory_space<hbm>> -> memref<128x128xf32, #tpu.memory_space<hbm>>
        %dma_wait3A_59 = arith.constant 0 : i32
        %dma_wait3A_60 = arith.constant 0 : i32
        %dma_wait3A_61 = tpu.memref_slice %arg6[%rem3A_20, %dma_wait3A_59, %dma_wait3A_60] : memref<2x128x128xf32, #tpu.memory_space<vmem>> -> memref<1x128x128xf32, #tpu.memory_space<vmem>>
        %dma_wait3A_62 = tpu.memref_squeeze %dma_wait3A_61 : memref<1x128x128xf32, #tpu.memory_space<vmem>> -> memref<128x128xf32, #tpu.memory_space<vmem>>
        tpu.wait_dma2 semaphore(%run_scoped3A_38 : memref<!tpu.dma_semaphore, #tpu.memory_space<semaphore_mem>>) src(%dma_wait3A_62 : memref<128x128xf32, #tpu.memory_space<vmem>>) dst(%dma_wait3A_58 : memref<128x128xf32, #tpu.memory_space<hbm>>)
        tpu.yield
      }) : () -> ()
    }
    %scan3A_18 = arith.constant 2 : i32
    return
  }
}

#map = affine_map<(d0, d1) -> (0, 0)>
#map1 = affine_map<(d0, d1) -> (0)>
module attributes {stable_mosaic.version = 14 : i64} {
  func.func @kfn(%arg0: i32, %arg1: i32, %arg2: memref<8192x128xf32, #tpu.memory_space<hbm>>, %arg3: memref<6144xi32, #tpu.memory_space<hbm>>, %arg4: memref<6144x128xf32, #tpu.memory_space<hbm>>, %arg5: memref<2x128xi32, #tpu.memory_space<vmem>>, %arg6: memref<2x128x128xf32, #tpu.memory_space<vmem>>, %arg7: memref<!tpu.dma_semaphore, #tpu.memory_space<semaphore_mem>>) attributes {dimension_semantics = [#tpu.dimension_semantics<core_parallel>, #tpu.dimension_semantics<subcore_parallel>], iteration_bounds = array<i64: 2, 16>, scalar_prefetch = 0 : i64, scratch_operands = 3 : i64, tpu.core_type = #tpu.core_type<sc_vector_subcore>, window_params = [{transform_indices = #map}, {transform_indices = #map1}, {transform_indices = #map}]} {
    %mul3A = arith.constant 2 : i32
    %mul3A_0 = arith.muli %arg1, %mul3A : i32
    %add3A = arith.addi %mul3A_0, %arg0 : i32
    %mul3A_1 = arith.constant 192 : i32
    %mul3A_2 = arith.muli %add3A, %mul3A_1 : i32
    %run_scoped3A = arith.constant 0 : i32
    "tpu.region"() ({
      %run_scoped3A_34 = tpu.sem_alloc : memref<!tpu.dma_semaphore, #tpu.memory_space<semaphore_mem>>
      %dma_start3A_35 = arith.constant 0 : i32
      %dma_start3A_36 = tpu.memref_slice %arg5[%run_scoped3A, %dma_start3A_35] : memref<2x128xi32, #tpu.memory_space<vmem>> -> memref<1x128xi32, #tpu.memory_space<vmem>>
      %dma_start3A_37 = tpu.memref_squeeze %dma_start3A_36 : memref<1x128xi32, #tpu.memory_space<vmem>> -> memref<128xi32, #tpu.memory_space<vmem>>
      %dma_start3A_38 = tpu.memref_slice %arg3[%mul3A_2] : memref<6144xi32, #tpu.memory_space<hbm>> -> memref<128xi32, #tpu.memory_space<hbm>>
      %dma_start3A_39 = arith.constant 0 : i32
      %dma_start3A_40 = tpu.memref_slice %arg5[%run_scoped3A, %dma_start3A_39] : memref<2x128xi32, #tpu.memory_space<vmem>> -> memref<1x128xi32, #tpu.memory_space<vmem>>
      %dma_start3A_41 = tpu.memref_squeeze %dma_start3A_40 : memref<1x128xi32, #tpu.memory_space<vmem>> -> memref<128xi32, #tpu.memory_space<vmem>>
      %dma_start3A_42 = tpu.memref_slice %arg3[%mul3A_2] : memref<6144xi32, #tpu.memory_space<hbm>> -> memref<128xi32, #tpu.memory_space<hbm>>
      tpu.enqueue_dma source(%dma_start3A_42 : memref<128xi32, #tpu.memory_space<hbm>>) target(%dma_start3A_41 : memref<128xi32, #tpu.memory_space<vmem>>) target_semaphore(%run_scoped3A_34 : memref<!tpu.dma_semaphore, #tpu.memory_space<semaphore_mem>>)
      %dma_wait3A_43 = arith.constant 0 : i32
      %dma_wait3A_44 = tpu.memref_slice %arg5[%run_scoped3A, %dma_wait3A_43] : memref<2x128xi32, #tpu.memory_space<vmem>> -> memref<1x128xi32, #tpu.memory_space<vmem>>
      %dma_wait3A_45 = tpu.memref_squeeze %dma_wait3A_44 : memref<1x128xi32, #tpu.memory_space<vmem>> -> memref<128xi32, #tpu.memory_space<vmem>>
      %dma_wait3A_46 = tpu.memref_slice %arg3[%mul3A_2] : memref<6144xi32, #tpu.memory_space<hbm>> -> memref<128xi32, #tpu.memory_space<hbm>>
      %dma_wait3A_47 = arith.constant 0 : i32
      %dma_wait3A_48 = tpu.memref_slice %arg5[%run_scoped3A, %dma_wait3A_47] : memref<2x128xi32, #tpu.memory_space<vmem>> -> memref<1x128xi32, #tpu.memory_space<vmem>>
      %dma_wait3A_49 = tpu.memref_squeeze %dma_wait3A_48 : memref<1x128xi32, #tpu.memory_space<vmem>> -> memref<128xi32, #tpu.memory_space<vmem>>
      %dma_wait3A_50 = tpu.memref_slice %arg3[%mul3A_2] : memref<6144xi32, #tpu.memory_space<hbm>> -> memref<128xi32, #tpu.memory_space<hbm>>
      tpu.wait_dma2 semaphore(%run_scoped3A_34 : memref<!tpu.dma_semaphore, #tpu.memory_space<semaphore_mem>>) src(%dma_wait3A_50 : memref<128xi32, #tpu.memory_space<hbm>>) dst(%dma_wait3A_49 : memref<128xi32, #tpu.memory_space<vmem>>)
      tpu.yield
    }) : () -> ()
    %dma_start3A = arith.constant 0 : i32
    %dma_start3A_3 = arith.constant 0 : i32
    %dma_start3A_4 = arith.constant 0 : i32
    %dma_start3A_5 = arith.constant 0 : i32
    %dma_start3A_6 = tpu.memref_slice %arg6[%dma_start3A_3, %dma_start3A_4, %dma_start3A_5] : memref<2x128x128xf32, #tpu.memory_space<vmem>> -> memref<1x128x128xf32, #tpu.memory_space<vmem>>
    %dma_start3A_7 = tpu.memref_squeeze %dma_start3A_6 : memref<1x128x128xf32, #tpu.memory_space<vmem>> -> memref<128x128xf32, #tpu.memory_space<vmem>>
    %dma_start3A_8 = arith.constant 0 : i32
    %dma_start3A_9 = tpu.memref_slice %arg5[%dma_start3A, %dma_start3A_8] : memref<2x128xi32, #tpu.memory_space<vmem>> -> memref<1x128xi32, #tpu.memory_space<vmem>>
    %dma_start3A_10 = tpu.memref_squeeze %dma_start3A_9 : memref<1x128xi32, #tpu.memory_space<vmem>> -> memref<128xi32, #tpu.memory_space<vmem>>
    %dma_start3A_11 = arith.constant 0 : i32
    %dma_start3A_12 = arith.constant 0 : i32
    %dma_start3A_13 = tpu.memref_slice %arg2[%dma_start3A_11, %dma_start3A_12] : memref<8192x128xf32, #tpu.memory_space<hbm>> -> memref<8192x128xf32, #tpu.memory_space<hbm>>
    tpu.enqueue_indirect_dma source(%dma_start3A_13 : memref<8192x128xf32, #tpu.memory_space<hbm>>) target(%dma_start3A_7 : memref<128x128xf32, #tpu.memory_space<vmem>>) offsets(%dma_start3A_10 : memref<128xi32, #tpu.memory_space<vmem>>) semaphore(%arg7 : memref<!tpu.dma_semaphore, #tpu.memory_space<semaphore_mem>>)
    %scan3A = arith.constant 0 : i32
    %scan3A_14 = arith.constant 0 : i32
    %rem3A = arith.constant 2 : i32
    %rem3A_15 = arith.remsi %scan3A_14, %rem3A : i32
    %sub3A = arith.constant 1 : i32
    %sub3A_16 = arith.subi %sub3A, %rem3A_15 : i32
    %dma_wait3A = arith.constant 0 : i32
    %dma_wait3A_17 = arith.constant 0 : i32
    %dma_wait3A_18 = tpu.memref_slice %arg6[%rem3A_15, %dma_wait3A, %dma_wait3A_17] : memref<2x128x128xf32, #tpu.memory_space<vmem>> -> memref<1x128x128xf32, #tpu.memory_space<vmem>>
    %dma_wait3A_19 = tpu.memref_squeeze %dma_wait3A_18 : memref<1x128x128xf32, #tpu.memory_space<vmem>> -> memref<128x128xf32, #tpu.memory_space<vmem>>
    %dma_wait3A_20 = arith.constant 0 : i32
    %dma_wait3A_21 = tpu.memref_slice %arg5[%rem3A_15, %dma_wait3A_20] : memref<2x128xi32, #tpu.memory_space<vmem>> -> memref<1x128xi32, #tpu.memory_space<vmem>>
    %dma_wait3A_22 = tpu.memref_squeeze %dma_wait3A_21 : memref<1x128xi32, #tpu.memory_space<vmem>> -> memref<128xi32, #tpu.memory_space<vmem>>
    %dma_wait3A_23 = arith.constant 0 : i32
    %dma_wait3A_24 = arith.constant 0 : i32
    %dma_wait3A_25 = tpu.memref_slice %arg2[%dma_wait3A_23, %dma_wait3A_24] : memref<8192x128xf32, #tpu.memory_space<hbm>> -> memref<8192x128xf32, #tpu.memory_space<hbm>>
    tpu.wait_indirect_dma semaphore(%arg7 : memref<!tpu.dma_semaphore, #tpu.memory_space<semaphore_mem>>) src(%dma_wait3A_25 : memref<8192x128xf32, #tpu.memory_space<hbm>>) dst(%dma_wait3A_19 : memref<128x128xf32, #tpu.memory_space<vmem>>)
    %add3A_26 = arith.constant 1 : i32
    %add3A_27 = arith.addi %scan3A_14, %add3A_26 : i32
    %lt3A = arith.constant 1 : i32
    %lt3A_28 = arith.cmpi slt, %add3A_27, %lt3A : i32
    %convert_element_type3A = arith.extui %lt3A_28 : i1 to i32
    %cond3A = arith.constant 0 : i32
    %cond3A_29 = arith.cmpi ne, %convert_element_type3A, %cond3A : i32
    scf.if %cond3A_29 {
      %add3A_34 = arith.constant 1 : i32
      %add3A_35 = arith.addi %scan3A_14, %add3A_34 : i32
      %mul3A_36 = arith.constant 128 : i32
      %mul3A_37 = arith.muli %add3A_35, %mul3A_36 : i32
      %add3A_38 = arith.addi %mul3A_2, %mul3A_37 : i32
      "tpu.region"() ({
        %run_scoped3A_49 = tpu.sem_alloc : memref<!tpu.dma_semaphore, #tpu.memory_space<semaphore_mem>>
        %dma_start3A_50 = arith.constant 0 : i32
        %dma_start3A_51 = tpu.memref_slice %arg5[%sub3A_16, %dma_start3A_50] : memref<2x128xi32, #tpu.memory_space<vmem>> -> memref<1x128xi32, #tpu.memory_space<vmem>>
        %dma_start3A_52 = tpu.memref_squeeze %dma_start3A_51 : memref<1x128xi32, #tpu.memory_space<vmem>> -> memref<128xi32, #tpu.memory_space<vmem>>
        %dma_start3A_53 = tpu.memref_slice %arg3[%add3A_38] : memref<6144xi32, #tpu.memory_space<hbm>> -> memref<128xi32, #tpu.memory_space<hbm>>
        %dma_start3A_54 = arith.constant 0 : i32
        %dma_start3A_55 = tpu.memref_slice %arg5[%sub3A_16, %dma_start3A_54] : memref<2x128xi32, #tpu.memory_space<vmem>> -> memref<1x128xi32, #tpu.memory_space<vmem>>
        %dma_start3A_56 = tpu.memref_squeeze %dma_start3A_55 : memref<1x128xi32, #tpu.memory_space<vmem>> -> memref<128xi32, #tpu.memory_space<vmem>>
        %dma_start3A_57 = tpu.memref_slice %arg3[%add3A_38] : memref<6144xi32, #tpu.memory_space<hbm>> -> memref<128xi32, #tpu.memory_space<hbm>>
        tpu.enqueue_dma source(%dma_start3A_57 : memref<128xi32, #tpu.memory_space<hbm>>) target(%dma_start3A_56 : memref<128xi32, #tpu.memory_space<vmem>>) target_semaphore(%run_scoped3A_49 : memref<!tpu.dma_semaphore, #tpu.memory_space<semaphore_mem>>)
        %dma_wait3A_58 = arith.constant 0 : i32
        %dma_wait3A_59 = tpu.memref_slice %arg5[%sub3A_16, %dma_wait3A_58] : memref<2x128xi32, #tpu.memory_space<vmem>> -> memref<1x128xi32, #tpu.memory_space<vmem>>
        %dma_wait3A_60 = tpu.memref_squeeze %dma_wait3A_59 : memref<1x128xi32, #tpu.memory_space<vmem>> -> memref<128xi32, #tpu.memory_space<vmem>>
        %dma_wait3A_61 = tpu.memref_slice %arg3[%add3A_38] : memref<6144xi32, #tpu.memory_space<hbm>> -> memref<128xi32, #tpu.memory_space<hbm>>
        %dma_wait3A_62 = arith.constant 0 : i32
        %dma_wait3A_63 = tpu.memref_slice %arg5[%sub3A_16, %dma_wait3A_62] : memref<2x128xi32, #tpu.memory_space<vmem>> -> memref<1x128xi32, #tpu.memory_space<vmem>>
        %dma_wait3A_64 = tpu.memref_squeeze %dma_wait3A_63 : memref<1x128xi32, #tpu.memory_space<vmem>> -> memref<128xi32, #tpu.memory_space<vmem>>
        %dma_wait3A_65 = tpu.memref_slice %arg3[%add3A_38] : memref<6144xi32, #tpu.memory_space<hbm>> -> memref<128xi32, #tpu.memory_space<hbm>>
        tpu.wait_dma2 semaphore(%run_scoped3A_49 : memref<!tpu.dma_semaphore, #tpu.memory_space<semaphore_mem>>) src(%dma_wait3A_65 : memref<128xi32, #tpu.memory_space<hbm>>) dst(%dma_wait3A_64 : memref<128xi32, #tpu.memory_space<vmem>>)
        tpu.yield
      }) : () -> ()
      %dma_start3A_39 = arith.constant 0 : i32
      %dma_start3A_40 = arith.constant 0 : i32
      %dma_start3A_41 = tpu.memref_slice %arg6[%sub3A_16, %dma_start3A_39, %dma_start3A_40] : memref<2x128x128xf32, #tpu.memory_space<vmem>> -> memref<1x128x128xf32, #tpu.memory_space<vmem>>
      %dma_start3A_42 = tpu.memref_squeeze %dma_start3A_41 : memref<1x128x128xf32, #tpu.memory_space<vmem>> -> memref<128x128xf32, #tpu.memory_space<vmem>>
      %dma_start3A_43 = arith.constant 0 : i32
      %dma_start3A_44 = tpu.memref_slice %arg5[%sub3A_16, %dma_start3A_43] : memref<2x128xi32, #tpu.memory_space<vmem>> -> memref<1x128xi32, #tpu.memory_space<vmem>>
      %dma_start3A_45 = tpu.memref_squeeze %dma_start3A_44 : memref<1x128xi32, #tpu.memory_space<vmem>> -> memref<128xi32, #tpu.memory_space<vmem>>
      %dma_start3A_46 = arith.constant 0 : i32
      %dma_start3A_47 = arith.constant 0 : i32
      %dma_start3A_48 = tpu.memref_slice %arg2[%dma_start3A_46, %dma_start3A_47] : memref<8192x128xf32, #tpu.memory_space<hbm>> -> memref<8192x128xf32, #tpu.memory_space<hbm>>
      tpu.enqueue_indirect_dma source(%dma_start3A_48 : memref<8192x128xf32, #tpu.memory_space<hbm>>) target(%dma_start3A_42 : memref<128x128xf32, #tpu.memory_space<vmem>>) offsets(%dma_start3A_45 : memref<128xi32, #tpu.memory_space<vmem>>) semaphore(%arg7 : memref<!tpu.dma_semaphore, #tpu.memory_space<semaphore_mem>>)
    } else {
    }
    %mul3A_30 = arith.constant 128 : i32
    %mul3A_31 = arith.muli %scan3A_14, %mul3A_30 : i32
    %add3A_32 = arith.addi %mul3A_2, %mul3A_31 : i32
    "tpu.region"() ({
      %run_scoped3A_34 = tpu.sem_alloc : memref<!tpu.dma_semaphore, #tpu.memory_space<semaphore_mem>>
      %dma_start3A_35 = arith.constant 0 : i32
      %dma_start3A_36 = arith.constant 0 : i32
      %dma_start3A_37 = tpu.memref_slice %arg6[%rem3A_15, %dma_start3A_35, %dma_start3A_36] : memref<2x128x128xf32, #tpu.memory_space<vmem>> -> memref<1x128x128xf32, #tpu.memory_space<vmem>>
      %dma_start3A_38 = tpu.memref_squeeze %dma_start3A_37 : memref<1x128x128xf32, #tpu.memory_space<vmem>> -> memref<128x128xf32, #tpu.memory_space<vmem>>
      %dma_start3A_39 = arith.constant 0 : i32
      %dma_start3A_40 = tpu.memref_slice %arg4[%add3A_32, %dma_start3A_39] : memref<6144x128xf32, #tpu.memory_space<hbm>> -> memref<128x128xf32, #tpu.memory_space<hbm>>
      %dma_start3A_41 = arith.constant 0 : i32
      %dma_start3A_42 = tpu.memref_slice %arg4[%add3A_32, %dma_start3A_41] : memref<6144x128xf32, #tpu.memory_space<hbm>> -> memref<128x128xf32, #tpu.memory_space<hbm>>
      %dma_start3A_43 = arith.constant 0 : i32
      %dma_start3A_44 = arith.constant 0 : i32
      %dma_start3A_45 = tpu.memref_slice %arg6[%rem3A_15, %dma_start3A_43, %dma_start3A_44] : memref<2x128x128xf32, #tpu.memory_space<vmem>> -> memref<1x128x128xf32, #tpu.memory_space<vmem>>
      %dma_start3A_46 = tpu.memref_squeeze %dma_start3A_45 : memref<1x128x128xf32, #tpu.memory_space<vmem>> -> memref<128x128xf32, #tpu.memory_space<vmem>>
      tpu.enqueue_dma source(%dma_start3A_46 : memref<128x128xf32, #tpu.memory_space<vmem>>) target(%dma_start3A_42 : memref<128x128xf32, #tpu.memory_space<hbm>>) target_semaphore(%run_scoped3A_34 : memref<!tpu.dma_semaphore, #tpu.memory_space<semaphore_mem>>)
      %dma_wait3A_47 = arith.constant 0 : i32
      %dma_wait3A_48 = arith.constant 0 : i32
      %dma_wait3A_49 = tpu.memref_slice %arg6[%rem3A_15, %dma_wait3A_47, %dma_wait3A_48] : memref<2x128x128xf32, #tpu.memory_space<vmem>> -> memref<1x128x128xf32, #tpu.memory_space<vmem>>
      %dma_wait3A_50 = tpu.memref_squeeze %dma_wait3A_49 : memref<1x128x128xf32, #tpu.memory_space<vmem>> -> memref<128x128xf32, #tpu.memory_space<vmem>>
      %dma_wait3A_51 = arith.constant 0 : i32
      %dma_wait3A_52 = tpu.memref_slice %arg4[%add3A_32, %dma_wait3A_51] : memref<6144x128xf32, #tpu.memory_space<hbm>> -> memref<128x128xf32, #tpu.memory_space<hbm>>
      %dma_wait3A_53 = arith.constant 0 : i32
      %dma_wait3A_54 = tpu.memref_slice %arg4[%add3A_32, %dma_wait3A_53] : memref<6144x128xf32, #tpu.memory_space<hbm>> -> memref<128x128xf32, #tpu.memory_space<hbm>>
      %dma_wait3A_55 = arith.constant 0 : i32
      %dma_wait3A_56 = arith.constant 0 : i32
      %dma_wait3A_57 = tpu.memref_slice %arg6[%rem3A_15, %dma_wait3A_55, %dma_wait3A_56] : memref<2x128x128xf32, #tpu.memory_space<vmem>> -> memref<1x128x128xf32, #tpu.memory_space<vmem>>
      %dma_wait3A_58 = tpu.memref_squeeze %dma_wait3A_57 : memref<1x128x128xf32, #tpu.memory_space<vmem>> -> memref<128x128xf32, #tpu.memory_space<vmem>>
      tpu.wait_dma2 semaphore(%run_scoped3A_34 : memref<!tpu.dma_semaphore, #tpu.memory_space<semaphore_mem>>) src(%dma_wait3A_58 : memref<128x128xf32, #tpu.memory_space<vmem>>) dst(%dma_wait3A_54 : memref<128x128xf32, #tpu.memory_space<hbm>>)
      tpu.yield
    }) : () -> ()
    %scan3A_33 = arith.constant 1 : i32
    return
  }
}

#map = affine_map<(d0, d1) -> (0, 0)>
#map1 = affine_map<(d0, d1) -> (0)>
module attributes {stable_mosaic.version = 14 : i64} {
  func.func @kfn(%arg0: i32, %arg1: i32, %arg2: memref<8192x128xf32, #tpu.memory_space<hbm>>, %arg3: memref<10240xi32, #tpu.memory_space<hbm>>, %arg4: memref<10240x128xf32, #tpu.memory_space<hbm>>, %arg5: memref<2x128xi32, #tpu.memory_space<vmem>>, %arg6: memref<2x128x128xf32, #tpu.memory_space<vmem>>, %arg7: memref<!tpu.dma_semaphore, #tpu.memory_space<semaphore_mem>>) attributes {dimension_semantics = [#tpu.dimension_semantics<core_parallel>, #tpu.dimension_semantics<subcore_parallel>], iteration_bounds = array<i64: 2, 16>, scalar_prefetch = 0 : i64, scratch_operands = 3 : i64, tpu.core_type = #tpu.core_type<sc_vector_subcore>, window_params = [{transform_indices = #map}, {transform_indices = #map1}, {transform_indices = #map}]} {
    %mul3A = arith.constant 2 : i32
    %mul3A_0 = arith.muli %arg1, %mul3A : i32
    %add3A = arith.addi %mul3A_0, %arg0 : i32
    %mul3A_1 = arith.constant 320 : i32
    %mul3A_2 = arith.muli %add3A, %mul3A_1 : i32
    %run_scoped3A = arith.constant 0 : i32
    "tpu.region"() ({
      %run_scoped3A_19 = tpu.sem_alloc : memref<!tpu.dma_semaphore, #tpu.memory_space<semaphore_mem>>
      %dma_start3A_20 = arith.constant 0 : i32
      %dma_start3A_21 = tpu.memref_slice %arg5[%run_scoped3A, %dma_start3A_20] : memref<2x128xi32, #tpu.memory_space<vmem>> -> memref<1x128xi32, #tpu.memory_space<vmem>>
      %dma_start3A_22 = tpu.memref_squeeze %dma_start3A_21 : memref<1x128xi32, #tpu.memory_space<vmem>> -> memref<128xi32, #tpu.memory_space<vmem>>
      %dma_start3A_23 = tpu.memref_slice %arg3[%mul3A_2] : memref<10240xi32, #tpu.memory_space<hbm>> -> memref<128xi32, #tpu.memory_space<hbm>>
      %dma_start3A_24 = arith.constant 0 : i32
      %dma_start3A_25 = tpu.memref_slice %arg5[%run_scoped3A, %dma_start3A_24] : memref<2x128xi32, #tpu.memory_space<vmem>> -> memref<1x128xi32, #tpu.memory_space<vmem>>
      %dma_start3A_26 = tpu.memref_squeeze %dma_start3A_25 : memref<1x128xi32, #tpu.memory_space<vmem>> -> memref<128xi32, #tpu.memory_space<vmem>>
      %dma_start3A_27 = tpu.memref_slice %arg3[%mul3A_2] : memref<10240xi32, #tpu.memory_space<hbm>> -> memref<128xi32, #tpu.memory_space<hbm>>
      tpu.enqueue_dma source(%dma_start3A_27 : memref<128xi32, #tpu.memory_space<hbm>>) target(%dma_start3A_26 : memref<128xi32, #tpu.memory_space<vmem>>) target_semaphore(%run_scoped3A_19 : memref<!tpu.dma_semaphore, #tpu.memory_space<semaphore_mem>>)
      %dma_wait3A = arith.constant 0 : i32
      %dma_wait3A_28 = tpu.memref_slice %arg5[%run_scoped3A, %dma_wait3A] : memref<2x128xi32, #tpu.memory_space<vmem>> -> memref<1x128xi32, #tpu.memory_space<vmem>>
      %dma_wait3A_29 = tpu.memref_squeeze %dma_wait3A_28 : memref<1x128xi32, #tpu.memory_space<vmem>> -> memref<128xi32, #tpu.memory_space<vmem>>
      %dma_wait3A_30 = tpu.memref_slice %arg3[%mul3A_2] : memref<10240xi32, #tpu.memory_space<hbm>> -> memref<128xi32, #tpu.memory_space<hbm>>
      %dma_wait3A_31 = arith.constant 0 : i32
      %dma_wait3A_32 = tpu.memref_slice %arg5[%run_scoped3A, %dma_wait3A_31] : memref<2x128xi32, #tpu.memory_space<vmem>> -> memref<1x128xi32, #tpu.memory_space<vmem>>
      %dma_wait3A_33 = tpu.memref_squeeze %dma_wait3A_32 : memref<1x128xi32, #tpu.memory_space<vmem>> -> memref<128xi32, #tpu.memory_space<vmem>>
      %dma_wait3A_34 = tpu.memref_slice %arg3[%mul3A_2] : memref<10240xi32, #tpu.memory_space<hbm>> -> memref<128xi32, #tpu.memory_space<hbm>>
      tpu.wait_dma2 semaphore(%run_scoped3A_19 : memref<!tpu.dma_semaphore, #tpu.memory_space<semaphore_mem>>) src(%dma_wait3A_34 : memref<128xi32, #tpu.memory_space<hbm>>) dst(%dma_wait3A_33 : memref<128xi32, #tpu.memory_space<vmem>>)
      tpu.yield
    }) : () -> ()
    %dma_start3A = arith.constant 0 : i32
    %dma_start3A_3 = arith.constant 0 : i32
    %dma_start3A_4 = arith.constant 0 : i32
    %dma_start3A_5 = arith.constant 0 : i32
    %dma_start3A_6 = tpu.memref_slice %arg6[%dma_start3A_3, %dma_start3A_4, %dma_start3A_5] : memref<2x128x128xf32, #tpu.memory_space<vmem>> -> memref<1x128x128xf32, #tpu.memory_space<vmem>>
    %dma_start3A_7 = tpu.memref_squeeze %dma_start3A_6 : memref<1x128x128xf32, #tpu.memory_space<vmem>> -> memref<128x128xf32, #tpu.memory_space<vmem>>
    %dma_start3A_8 = arith.constant 0 : i32
    %dma_start3A_9 = tpu.memref_slice %arg5[%dma_start3A, %dma_start3A_8] : memref<2x128xi32, #tpu.memory_space<vmem>> -> memref<1x128xi32, #tpu.memory_space<vmem>>
    %dma_start3A_10 = tpu.memref_squeeze %dma_start3A_9 : memref<1x128xi32, #tpu.memory_space<vmem>> -> memref<128xi32, #tpu.memory_space<vmem>>
    %dma_start3A_11 = arith.constant 0 : i32
    %dma_start3A_12 = arith.constant 0 : i32
    %dma_start3A_13 = tpu.memref_slice %arg2[%dma_start3A_11, %dma_start3A_12] : memref<8192x128xf32, #tpu.memory_space<hbm>> -> memref<8192x128xf32, #tpu.memory_space<hbm>>
    tpu.enqueue_indirect_dma source(%dma_start3A_13 : memref<8192x128xf32, #tpu.memory_space<hbm>>) target(%dma_start3A_7 : memref<128x128xf32, #tpu.memory_space<vmem>>) offsets(%dma_start3A_10 : memref<128xi32, #tpu.memory_space<vmem>>) semaphore(%arg7 : memref<!tpu.dma_semaphore, #tpu.memory_space<semaphore_mem>>)
    %scan3A = arith.constant 0 : i32
    %scan3A_14 = arith.constant 0 : i32
    %scan3A_15 = arith.constant 2 : i32
    %scan3A_16 = arith.addi %scan3A_14, %scan3A_15 : i32
    %scan3A_17 = arith.constant 1 : i32
    scf.for %scan3A_19 = %scan3A_14 to %scan3A_16 step %scan3A_17  : i32 {
      %rem3A = arith.constant 2 : i32
      %rem3A_20 = arith.remsi %scan3A_19, %rem3A : i32
      %sub3A = arith.constant 1 : i32
      %sub3A_21 = arith.subi %sub3A, %rem3A_20 : i32
      %dma_wait3A = arith.constant 0 : i32
      %dma_wait3A_22 = arith.constant 0 : i32
      %dma_wait3A_23 = tpu.memref_slice %arg6[%rem3A_20, %dma_wait3A, %dma_wait3A_22] : memref<2x128x128xf32, #tpu.memory_space<vmem>> -> memref<1x128x128xf32, #tpu.memory_space<vmem>>
      %dma_wait3A_24 = tpu.memref_squeeze %dma_wait3A_23 : memref<1x128x128xf32, #tpu.memory_space<vmem>> -> memref<128x128xf32, #tpu.memory_space<vmem>>
      %dma_wait3A_25 = arith.constant 0 : i32
      %dma_wait3A_26 = tpu.memref_slice %arg5[%rem3A_20, %dma_wait3A_25] : memref<2x128xi32, #tpu.memory_space<vmem>> -> memref<1x128xi32, #tpu.memory_space<vmem>>
      %dma_wait3A_27 = tpu.memref_squeeze %dma_wait3A_26 : memref<1x128xi32, #tpu.memory_space<vmem>> -> memref<128xi32, #tpu.memory_space<vmem>>
      %dma_wait3A_28 = arith.constant 0 : i32
      %dma_wait3A_29 = arith.constant 0 : i32
      %dma_wait3A_30 = tpu.memref_slice %arg2[%dma_wait3A_28, %dma_wait3A_29] : memref<8192x128xf32, #tpu.memory_space<hbm>> -> memref<8192x128xf32, #tpu.memory_space<hbm>>
      tpu.wait_indirect_dma semaphore(%arg7 : memref<!tpu.dma_semaphore, #tpu.memory_space<semaphore_mem>>) src(%dma_wait3A_30 : memref<8192x128xf32, #tpu.memory_space<hbm>>) dst(%dma_wait3A_24 : memref<128x128xf32, #tpu.memory_space<vmem>>)
      %add3A_31 = arith.constant 1 : i32
      %add3A_32 = arith.addi %scan3A_19, %add3A_31 : i32
      %lt3A = arith.constant 2 : i32
      %lt3A_33 = arith.cmpi slt, %add3A_32, %lt3A : i32
      %convert_element_type3A = arith.extui %lt3A_33 : i1 to i32
      %cond3A = arith.constant 0 : i32
      %cond3A_34 = arith.cmpi ne, %convert_element_type3A, %cond3A : i32
      scf.if %cond3A_34 {
        %add3A_38 = arith.constant 1 : i32
        %add3A_39 = arith.addi %scan3A_19, %add3A_38 : i32
        %mul3A_40 = arith.constant 128 : i32
        %mul3A_41 = arith.muli %add3A_39, %mul3A_40 : i32
        %add3A_42 = arith.addi %mul3A_2, %mul3A_41 : i32
        "tpu.region"() ({
          %run_scoped3A_53 = tpu.sem_alloc : memref<!tpu.dma_semaphore, #tpu.memory_space<semaphore_mem>>
          %dma_start3A_54 = arith.constant 0 : i32
          %dma_start3A_55 = tpu.memref_slice %arg5[%sub3A_21, %dma_start3A_54] : memref<2x128xi32, #tpu.memory_space<vmem>> -> memref<1x128xi32, #tpu.memory_space<vmem>>
          %dma_start3A_56 = tpu.memref_squeeze %dma_start3A_55 : memref<1x128xi32, #tpu.memory_space<vmem>> -> memref<128xi32, #tpu.memory_space<vmem>>
          %dma_start3A_57 = tpu.memref_slice %arg3[%add3A_42] : memref<10240xi32, #tpu.memory_space<hbm>> -> memref<128xi32, #tpu.memory_space<hbm>>
          %dma_start3A_58 = arith.constant 0 : i32
          %dma_start3A_59 = tpu.memref_slice %arg5[%sub3A_21, %dma_start3A_58] : memref<2x128xi32, #tpu.memory_space<vmem>> -> memref<1x128xi32, #tpu.memory_space<vmem>>
          %dma_start3A_60 = tpu.memref_squeeze %dma_start3A_59 : memref<1x128xi32, #tpu.memory_space<vmem>> -> memref<128xi32, #tpu.memory_space<vmem>>
          %dma_start3A_61 = tpu.memref_slice %arg3[%add3A_42] : memref<10240xi32, #tpu.memory_space<hbm>> -> memref<128xi32, #tpu.memory_space<hbm>>
          tpu.enqueue_dma source(%dma_start3A_61 : memref<128xi32, #tpu.memory_space<hbm>>) target(%dma_start3A_60 : memref<128xi32, #tpu.memory_space<vmem>>) target_semaphore(%run_scoped3A_53 : memref<!tpu.dma_semaphore, #tpu.memory_space<semaphore_mem>>)
          %dma_wait3A_62 = arith.constant 0 : i32
          %dma_wait3A_63 = tpu.memref_slice %arg5[%sub3A_21, %dma_wait3A_62] : memref<2x128xi32, #tpu.memory_space<vmem>> -> memref<1x128xi32, #tpu.memory_space<vmem>>
          %dma_wait3A_64 = tpu.memref_squeeze %dma_wait3A_63 : memref<1x128xi32, #tpu.memory_space<vmem>> -> memref<128xi32, #tpu.memory_space<vmem>>
          %dma_wait3A_65 = tpu.memref_slice %arg3[%add3A_42] : memref<10240xi32, #tpu.memory_space<hbm>> -> memref<128xi32, #tpu.memory_space<hbm>>
          %dma_wait3A_66 = arith.constant 0 : i32
          %dma_wait3A_67 = tpu.memref_slice %arg5[%sub3A_21, %dma_wait3A_66] : memref<2x128xi32, #tpu.memory_space<vmem>> -> memref<1x128xi32, #tpu.memory_space<vmem>>
          %dma_wait3A_68 = tpu.memref_squeeze %dma_wait3A_67 : memref<1x128xi32, #tpu.memory_space<vmem>> -> memref<128xi32, #tpu.memory_space<vmem>>
          %dma_wait3A_69 = tpu.memref_slice %arg3[%add3A_42] : memref<10240xi32, #tpu.memory_space<hbm>> -> memref<128xi32, #tpu.memory_space<hbm>>
          tpu.wait_dma2 semaphore(%run_scoped3A_53 : memref<!tpu.dma_semaphore, #tpu.memory_space<semaphore_mem>>) src(%dma_wait3A_69 : memref<128xi32, #tpu.memory_space<hbm>>) dst(%dma_wait3A_68 : memref<128xi32, #tpu.memory_space<vmem>>)
          tpu.yield
        }) : () -> ()
        %dma_start3A_43 = arith.constant 0 : i32
        %dma_start3A_44 = arith.constant 0 : i32
        %dma_start3A_45 = tpu.memref_slice %arg6[%sub3A_21, %dma_start3A_43, %dma_start3A_44] : memref<2x128x128xf32, #tpu.memory_space<vmem>> -> memref<1x128x128xf32, #tpu.memory_space<vmem>>
        %dma_start3A_46 = tpu.memref_squeeze %dma_start3A_45 : memref<1x128x128xf32, #tpu.memory_space<vmem>> -> memref<128x128xf32, #tpu.memory_space<vmem>>
        %dma_start3A_47 = arith.constant 0 : i32
        %dma_start3A_48 = tpu.memref_slice %arg5[%sub3A_21, %dma_start3A_47] : memref<2x128xi32, #tpu.memory_space<vmem>> -> memref<1x128xi32, #tpu.memory_space<vmem>>
        %dma_start3A_49 = tpu.memref_squeeze %dma_start3A_48 : memref<1x128xi32, #tpu.memory_space<vmem>> -> memref<128xi32, #tpu.memory_space<vmem>>
        %dma_start3A_50 = arith.constant 0 : i32
        %dma_start3A_51 = arith.constant 0 : i32
        %dma_start3A_52 = tpu.memref_slice %arg2[%dma_start3A_50, %dma_start3A_51] : memref<8192x128xf32, #tpu.memory_space<hbm>> -> memref<8192x128xf32, #tpu.memory_space<hbm>>
        tpu.enqueue_indirect_dma source(%dma_start3A_52 : memref<8192x128xf32, #tpu.memory_space<hbm>>) target(%dma_start3A_46 : memref<128x128xf32, #tpu.memory_space<vmem>>) offsets(%dma_start3A_49 : memref<128xi32, #tpu.memory_space<vmem>>) semaphore(%arg7 : memref<!tpu.dma_semaphore, #tpu.memory_space<semaphore_mem>>)
      } else {
      }
      %mul3A_35 = arith.constant 128 : i32
      %mul3A_36 = arith.muli %scan3A_19, %mul3A_35 : i32
      %add3A_37 = arith.addi %mul3A_2, %mul3A_36 : i32
      "tpu.region"() ({
        %run_scoped3A_38 = tpu.sem_alloc : memref<!tpu.dma_semaphore, #tpu.memory_space<semaphore_mem>>
        %dma_start3A_39 = arith.constant 0 : i32
        %dma_start3A_40 = arith.constant 0 : i32
        %dma_start3A_41 = tpu.memref_slice %arg6[%rem3A_20, %dma_start3A_39, %dma_start3A_40] : memref<2x128x128xf32, #tpu.memory_space<vmem>> -> memref<1x128x128xf32, #tpu.memory_space<vmem>>
        %dma_start3A_42 = tpu.memref_squeeze %dma_start3A_41 : memref<1x128x128xf32, #tpu.memory_space<vmem>> -> memref<128x128xf32, #tpu.memory_space<vmem>>
        %dma_start3A_43 = arith.constant 0 : i32
        %dma_start3A_44 = tpu.memref_slice %arg4[%add3A_37, %dma_start3A_43] : memref<10240x128xf32, #tpu.memory_space<hbm>> -> memref<128x128xf32, #tpu.memory_space<hbm>>
        %dma_start3A_45 = arith.constant 0 : i32
        %dma_start3A_46 = tpu.memref_slice %arg4[%add3A_37, %dma_start3A_45] : memref<10240x128xf32, #tpu.memory_space<hbm>> -> memref<128x128xf32, #tpu.memory_space<hbm>>
        %dma_start3A_47 = arith.constant 0 : i32
        %dma_start3A_48 = arith.constant 0 : i32
        %dma_start3A_49 = tpu.memref_slice %arg6[%rem3A_20, %dma_start3A_47, %dma_start3A_48] : memref<2x128x128xf32, #tpu.memory_space<vmem>> -> memref<1x128x128xf32, #tpu.memory_space<vmem>>
        %dma_start3A_50 = tpu.memref_squeeze %dma_start3A_49 : memref<1x128x128xf32, #tpu.memory_space<vmem>> -> memref<128x128xf32, #tpu.memory_space<vmem>>
        tpu.enqueue_dma source(%dma_start3A_50 : memref<128x128xf32, #tpu.memory_space<vmem>>) target(%dma_start3A_46 : memref<128x128xf32, #tpu.memory_space<hbm>>) target_semaphore(%run_scoped3A_38 : memref<!tpu.dma_semaphore, #tpu.memory_space<semaphore_mem>>)
        %dma_wait3A_51 = arith.constant 0 : i32
        %dma_wait3A_52 = arith.constant 0 : i32
        %dma_wait3A_53 = tpu.memref_slice %arg6[%rem3A_20, %dma_wait3A_51, %dma_wait3A_52] : memref<2x128x128xf32, #tpu.memory_space<vmem>> -> memref<1x128x128xf32, #tpu.memory_space<vmem>>
        %dma_wait3A_54 = tpu.memref_squeeze %dma_wait3A_53 : memref<1x128x128xf32, #tpu.memory_space<vmem>> -> memref<128x128xf32, #tpu.memory_space<vmem>>
        %dma_wait3A_55 = arith.constant 0 : i32
        %dma_wait3A_56 = tpu.memref_slice %arg4[%add3A_37, %dma_wait3A_55] : memref<10240x128xf32, #tpu.memory_space<hbm>> -> memref<128x128xf32, #tpu.memory_space<hbm>>
        %dma_wait3A_57 = arith.constant 0 : i32
        %dma_wait3A_58 = tpu.memref_slice %arg4[%add3A_37, %dma_wait3A_57] : memref<10240x128xf32, #tpu.memory_space<hbm>> -> memref<128x128xf32, #tpu.memory_space<hbm>>
        %dma_wait3A_59 = arith.constant 0 : i32
        %dma_wait3A_60 = arith.constant 0 : i32
        %dma_wait3A_61 = tpu.memref_slice %arg6[%rem3A_20, %dma_wait3A_59, %dma_wait3A_60] : memref<2x128x128xf32, #tpu.memory_space<vmem>> -> memref<1x128x128xf32, #tpu.memory_space<vmem>>
        %dma_wait3A_62 = tpu.memref_squeeze %dma_wait3A_61 : memref<1x128x128xf32, #tpu.memory_space<vmem>> -> memref<128x128xf32, #tpu.memory_space<vmem>>
        tpu.wait_dma2 semaphore(%run_scoped3A_38 : memref<!tpu.dma_semaphore, #tpu.memory_space<semaphore_mem>>) src(%dma_wait3A_62 : memref<128x128xf32, #tpu.memory_space<vmem>>) dst(%dma_wait3A_58 : memref<128x128xf32, #tpu.memory_space<hbm>>)
        tpu.yield
      }) : () -> ()
    }
    %scan3A_18 = arith.constant 2 : i32
    return
  }
}

#map = affine_map<(d0, d1) -> (0, 0)>
#map1 = affine_map<(d0, d1) -> (0)>
module attributes {stable_mosaic.version = 14 : i64} {
  func.func @kfn(%arg0: i32, %arg1: i32, %arg2: memref<8192x128xf32, #tpu.memory_space<hbm>>, %arg3: memref<6144xi32, #tpu.memory_space<hbm>>, %arg4: memref<6144x128xf32, #tpu.memory_space<hbm>>, %arg5: memref<2x128xi32, #tpu.memory_space<vmem>>, %arg6: memref<2x128x128xf32, #tpu.memory_space<vmem>>, %arg7: memref<!tpu.dma_semaphore, #tpu.memory_space<semaphore_mem>>) attributes {dimension_semantics = [#tpu.dimension_semantics<core_parallel>, #tpu.dimension_semantics<subcore_parallel>], iteration_bounds = array<i64: 2, 16>, scalar_prefetch = 0 : i64, scratch_operands = 3 : i64, tpu.core_type = #tpu.core_type<sc_vector_subcore>, window_params = [{transform_indices = #map}, {transform_indices = #map1}, {transform_indices = #map}]} {
    %mul3A = arith.constant 2 : i32
    %mul3A_0 = arith.muli %arg1, %mul3A : i32
    %add3A = arith.addi %mul3A_0, %arg0 : i32
    %mul3A_1 = arith.constant 192 : i32
    %mul3A_2 = arith.muli %add3A, %mul3A_1 : i32
    %run_scoped3A = arith.constant 0 : i32
    "tpu.region"() ({
      %run_scoped3A_34 = tpu.sem_alloc : memref<!tpu.dma_semaphore, #tpu.memory_space<semaphore_mem>>
      %dma_start3A_35 = arith.constant 0 : i32
      %dma_start3A_36 = tpu.memref_slice %arg5[%run_scoped3A, %dma_start3A_35] : memref<2x128xi32, #tpu.memory_space<vmem>> -> memref<1x128xi32, #tpu.memory_space<vmem>>
      %dma_start3A_37 = tpu.memref_squeeze %dma_start3A_36 : memref<1x128xi32, #tpu.memory_space<vmem>> -> memref<128xi32, #tpu.memory_space<vmem>>
      %dma_start3A_38 = tpu.memref_slice %arg3[%mul3A_2] : memref<6144xi32, #tpu.memory_space<hbm>> -> memref<128xi32, #tpu.memory_space<hbm>>
      %dma_start3A_39 = arith.constant 0 : i32
      %dma_start3A_40 = tpu.memref_slice %arg5[%run_scoped3A, %dma_start3A_39] : memref<2x128xi32, #tpu.memory_space<vmem>> -> memref<1x128xi32, #tpu.memory_space<vmem>>
      %dma_start3A_41 = tpu.memref_squeeze %dma_start3A_40 : memref<1x128xi32, #tpu.memory_space<vmem>> -> memref<128xi32, #tpu.memory_space<vmem>>
      %dma_start3A_42 = tpu.memref_slice %arg3[%mul3A_2] : memref<6144xi32, #tpu.memory_space<hbm>> -> memref<128xi32, #tpu.memory_space<hbm>>
      tpu.enqueue_dma source(%dma_start3A_42 : memref<128xi32, #tpu.memory_space<hbm>>) target(%dma_start3A_41 : memref<128xi32, #tpu.memory_space<vmem>>) target_semaphore(%run_scoped3A_34 : memref<!tpu.dma_semaphore, #tpu.memory_space<semaphore_mem>>)
      %dma_wait3A_43 = arith.constant 0 : i32
      %dma_wait3A_44 = tpu.memref_slice %arg5[%run_scoped3A, %dma_wait3A_43] : memref<2x128xi32, #tpu.memory_space<vmem>> -> memref<1x128xi32, #tpu.memory_space<vmem>>
      %dma_wait3A_45 = tpu.memref_squeeze %dma_wait3A_44 : memref<1x128xi32, #tpu.memory_space<vmem>> -> memref<128xi32, #tpu.memory_space<vmem>>
      %dma_wait3A_46 = tpu.memref_slice %arg3[%mul3A_2] : memref<6144xi32, #tpu.memory_space<hbm>> -> memref<128xi32, #tpu.memory_space<hbm>>
      %dma_wait3A_47 = arith.constant 0 : i32
      %dma_wait3A_48 = tpu.memref_slice %arg5[%run_scoped3A, %dma_wait3A_47] : memref<2x128xi32, #tpu.memory_space<vmem>> -> memref<1x128xi32, #tpu.memory_space<vmem>>
      %dma_wait3A_49 = tpu.memref_squeeze %dma_wait3A_48 : memref<1x128xi32, #tpu.memory_space<vmem>> -> memref<128xi32, #tpu.memory_space<vmem>>
      %dma_wait3A_50 = tpu.memref_slice %arg3[%mul3A_2] : memref<6144xi32, #tpu.memory_space<hbm>> -> memref<128xi32, #tpu.memory_space<hbm>>
      tpu.wait_dma2 semaphore(%run_scoped3A_34 : memref<!tpu.dma_semaphore, #tpu.memory_space<semaphore_mem>>) src(%dma_wait3A_50 : memref<128xi32, #tpu.memory_space<hbm>>) dst(%dma_wait3A_49 : memref<128xi32, #tpu.memory_space<vmem>>)
      tpu.yield
    }) : () -> ()
    %dma_start3A = arith.constant 0 : i32
    %dma_start3A_3 = arith.constant 0 : i32
    %dma_start3A_4 = arith.constant 0 : i32
    %dma_start3A_5 = arith.constant 0 : i32
    %dma_start3A_6 = tpu.memref_slice %arg6[%dma_start3A_3, %dma_start3A_4, %dma_start3A_5] : memref<2x128x128xf32, #tpu.memory_space<vmem>> -> memref<1x128x128xf32, #tpu.memory_space<vmem>>
    %dma_start3A_7 = tpu.memref_squeeze %dma_start3A_6 : memref<1x128x128xf32, #tpu.memory_space<vmem>> -> memref<128x128xf32, #tpu.memory_space<vmem>>
    %dma_start3A_8 = arith.constant 0 : i32
    %dma_start3A_9 = tpu.memref_slice %arg5[%dma_start3A, %dma_start3A_8] : memref<2x128xi32, #tpu.memory_space<vmem>> -> memref<1x128xi32, #tpu.memory_space<vmem>>
    %dma_start3A_10 = tpu.memref_squeeze %dma_start3A_9 : memref<1x128xi32, #tpu.memory_space<vmem>> -> memref<128xi32, #tpu.memory_space<vmem>>
    %dma_start3A_11 = arith.constant 0 : i32
    %dma_start3A_12 = arith.constant 0 : i32
    %dma_start3A_13 = tpu.memref_slice %arg2[%dma_start3A_11, %dma_start3A_12] : memref<8192x128xf32, #tpu.memory_space<hbm>> -> memref<8192x128xf32, #tpu.memory_space<hbm>>
    tpu.enqueue_indirect_dma source(%dma_start3A_13 : memref<8192x128xf32, #tpu.memory_space<hbm>>) target(%dma_start3A_7 : memref<128x128xf32, #tpu.memory_space<vmem>>) offsets(%dma_start3A_10 : memref<128xi32, #tpu.memory_space<vmem>>) semaphore(%arg7 : memref<!tpu.dma_semaphore, #tpu.memory_space<semaphore_mem>>)
    %scan3A = arith.constant 0 : i32
    %scan3A_14 = arith.constant 0 : i32
    %rem3A = arith.constant 2 : i32
    %rem3A_15 = arith.remsi %scan3A_14, %rem3A : i32
    %sub3A = arith.constant 1 : i32
    %sub3A_16 = arith.subi %sub3A, %rem3A_15 : i32
    %dma_wait3A = arith.constant 0 : i32
    %dma_wait3A_17 = arith.constant 0 : i32
    %dma_wait3A_18 = tpu.memref_slice %arg6[%rem3A_15, %dma_wait3A, %dma_wait3A_17] : memref<2x128x128xf32, #tpu.memory_space<vmem>> -> memref<1x128x128xf32, #tpu.memory_space<vmem>>
    %dma_wait3A_19 = tpu.memref_squeeze %dma_wait3A_18 : memref<1x128x128xf32, #tpu.memory_space<vmem>> -> memref<128x128xf32, #tpu.memory_space<vmem>>
    %dma_wait3A_20 = arith.constant 0 : i32
    %dma_wait3A_21 = tpu.memref_slice %arg5[%rem3A_15, %dma_wait3A_20] : memref<2x128xi32, #tpu.memory_space<vmem>> -> memref<1x128xi32, #tpu.memory_space<vmem>>
    %dma_wait3A_22 = tpu.memref_squeeze %dma_wait3A_21 : memref<1x128xi32, #tpu.memory_space<vmem>> -> memref<128xi32, #tpu.memory_space<vmem>>
    %dma_wait3A_23 = arith.constant 0 : i32
    %dma_wait3A_24 = arith.constant 0 : i32
    %dma_wait3A_25 = tpu.memref_slice %arg2[%dma_wait3A_23, %dma_wait3A_24] : memref<8192x128xf32, #tpu.memory_space<hbm>> -> memref<8192x128xf32, #tpu.memory_space<hbm>>
    tpu.wait_indirect_dma semaphore(%arg7 : memref<!tpu.dma_semaphore, #tpu.memory_space<semaphore_mem>>) src(%dma_wait3A_25 : memref<8192x128xf32, #tpu.memory_space<hbm>>) dst(%dma_wait3A_19 : memref<128x128xf32, #tpu.memory_space<vmem>>)
    %add3A_26 = arith.constant 1 : i32
    %add3A_27 = arith.addi %scan3A_14, %add3A_26 : i32
    %lt3A = arith.constant 1 : i32
    %lt3A_28 = arith.cmpi slt, %add3A_27, %lt3A : i32
    %convert_element_type3A = arith.extui %lt3A_28 : i1 to i32
    %cond3A = arith.constant 0 : i32
    %cond3A_29 = arith.cmpi ne, %convert_element_type3A, %cond3A : i32
    scf.if %cond3A_29 {
      %add3A_34 = arith.constant 1 : i32
      %add3A_35 = arith.addi %scan3A_14, %add3A_34 : i32
      %mul3A_36 = arith.constant 128 : i32
      %mul3A_37 = arith.muli %add3A_35, %mul3A_36 : i32
      %add3A_38 = arith.addi %mul3A_2, %mul3A_37 : i32
      "tpu.region"() ({
        %run_scoped3A_49 = tpu.sem_alloc : memref<!tpu.dma_semaphore, #tpu.memory_space<semaphore_mem>>
        %dma_start3A_50 = arith.constant 0 : i32
        %dma_start3A_51 = tpu.memref_slice %arg5[%sub3A_16, %dma_start3A_50] : memref<2x128xi32, #tpu.memory_space<vmem>> -> memref<1x128xi32, #tpu.memory_space<vmem>>
        %dma_start3A_52 = tpu.memref_squeeze %dma_start3A_51 : memref<1x128xi32, #tpu.memory_space<vmem>> -> memref<128xi32, #tpu.memory_space<vmem>>
        %dma_start3A_53 = tpu.memref_slice %arg3[%add3A_38] : memref<6144xi32, #tpu.memory_space<hbm>> -> memref<128xi32, #tpu.memory_space<hbm>>
        %dma_start3A_54 = arith.constant 0 : i32
        %dma_start3A_55 = tpu.memref_slice %arg5[%sub3A_16, %dma_start3A_54] : memref<2x128xi32, #tpu.memory_space<vmem>> -> memref<1x128xi32, #tpu.memory_space<vmem>>
        %dma_start3A_56 = tpu.memref_squeeze %dma_start3A_55 : memref<1x128xi32, #tpu.memory_space<vmem>> -> memref<128xi32, #tpu.memory_space<vmem>>
        %dma_start3A_57 = tpu.memref_slice %arg3[%add3A_38] : memref<6144xi32, #tpu.memory_space<hbm>> -> memref<128xi32, #tpu.memory_space<hbm>>
        tpu.enqueue_dma source(%dma_start3A_57 : memref<128xi32, #tpu.memory_space<hbm>>) target(%dma_start3A_56 : memref<128xi32, #tpu.memory_space<vmem>>) target_semaphore(%run_scoped3A_49 : memref<!tpu.dma_semaphore, #tpu.memory_space<semaphore_mem>>)
        %dma_wait3A_58 = arith.constant 0 : i32
        %dma_wait3A_59 = tpu.memref_slice %arg5[%sub3A_16, %dma_wait3A_58] : memref<2x128xi32, #tpu.memory_space<vmem>> -> memref<1x128xi32, #tpu.memory_space<vmem>>
        %dma_wait3A_60 = tpu.memref_squeeze %dma_wait3A_59 : memref<1x128xi32, #tpu.memory_space<vmem>> -> memref<128xi32, #tpu.memory_space<vmem>>
        %dma_wait3A_61 = tpu.memref_slice %arg3[%add3A_38] : memref<6144xi32, #tpu.memory_space<hbm>> -> memref<128xi32, #tpu.memory_space<hbm>>
        %dma_wait3A_62 = arith.constant 0 : i32
        %dma_wait3A_63 = tpu.memref_slice %arg5[%sub3A_16, %dma_wait3A_62] : memref<2x128xi32, #tpu.memory_space<vmem>> -> memref<1x128xi32, #tpu.memory_space<vmem>>
        %dma_wait3A_64 = tpu.memref_squeeze %dma_wait3A_63 : memref<1x128xi32, #tpu.memory_space<vmem>> -> memref<128xi32, #tpu.memory_space<vmem>>
        %dma_wait3A_65 = tpu.memref_slice %arg3[%add3A_38] : memref<6144xi32, #tpu.memory_space<hbm>> -> memref<128xi32, #tpu.memory_space<hbm>>
        tpu.wait_dma2 semaphore(%run_scoped3A_49 : memref<!tpu.dma_semaphore, #tpu.memory_space<semaphore_mem>>) src(%dma_wait3A_65 : memref<128xi32, #tpu.memory_space<hbm>>) dst(%dma_wait3A_64 : memref<128xi32, #tpu.memory_space<vmem>>)
        tpu.yield
      }) : () -> ()
      %dma_start3A_39 = arith.constant 0 : i32
      %dma_start3A_40 = arith.constant 0 : i32
      %dma_start3A_41 = tpu.memref_slice %arg6[%sub3A_16, %dma_start3A_39, %dma_start3A_40] : memref<2x128x128xf32, #tpu.memory_space<vmem>> -> memref<1x128x128xf32, #tpu.memory_space<vmem>>
      %dma_start3A_42 = tpu.memref_squeeze %dma_start3A_41 : memref<1x128x128xf32, #tpu.memory_space<vmem>> -> memref<128x128xf32, #tpu.memory_space<vmem>>
      %dma_start3A_43 = arith.constant 0 : i32
      %dma_start3A_44 = tpu.memref_slice %arg5[%sub3A_16, %dma_start3A_43] : memref<2x128xi32, #tpu.memory_space<vmem>> -> memref<1x128xi32, #tpu.memory_space<vmem>>
      %dma_start3A_45 = tpu.memref_squeeze %dma_start3A_44 : memref<1x128xi32, #tpu.memory_space<vmem>> -> memref<128xi32, #tpu.memory_space<vmem>>
      %dma_start3A_46 = arith.constant 0 : i32
      %dma_start3A_47 = arith.constant 0 : i32
      %dma_start3A_48 = tpu.memref_slice %arg2[%dma_start3A_46, %dma_start3A_47] : memref<8192x128xf32, #tpu.memory_space<hbm>> -> memref<8192x128xf32, #tpu.memory_space<hbm>>
      tpu.enqueue_indirect_dma source(%dma_start3A_48 : memref<8192x128xf32, #tpu.memory_space<hbm>>) target(%dma_start3A_42 : memref<128x128xf32, #tpu.memory_space<vmem>>) offsets(%dma_start3A_45 : memref<128xi32, #tpu.memory_space<vmem>>) semaphore(%arg7 : memref<!tpu.dma_semaphore, #tpu.memory_space<semaphore_mem>>)
    } else {
    }
    %mul3A_30 = arith.constant 128 : i32
    %mul3A_31 = arith.muli %scan3A_14, %mul3A_30 : i32
    %add3A_32 = arith.addi %mul3A_2, %mul3A_31 : i32
    "tpu.region"() ({
      %run_scoped3A_34 = tpu.sem_alloc : memref<!tpu.dma_semaphore, #tpu.memory_space<semaphore_mem>>
      %dma_start3A_35 = arith.constant 0 : i32
      %dma_start3A_36 = arith.constant 0 : i32
      %dma_start3A_37 = tpu.memref_slice %arg6[%rem3A_15, %dma_start3A_35, %dma_start3A_36] : memref<2x128x128xf32, #tpu.memory_space<vmem>> -> memref<1x128x128xf32, #tpu.memory_space<vmem>>
      %dma_start3A_38 = tpu.memref_squeeze %dma_start3A_37 : memref<1x128x128xf32, #tpu.memory_space<vmem>> -> memref<128x128xf32, #tpu.memory_space<vmem>>
      %dma_start3A_39 = arith.constant 0 : i32
      %dma_start3A_40 = tpu.memref_slice %arg4[%add3A_32, %dma_start3A_39] : memref<6144x128xf32, #tpu.memory_space<hbm>> -> memref<128x128xf32, #tpu.memory_space<hbm>>
      %dma_start3A_41 = arith.constant 0 : i32
      %dma_start3A_42 = tpu.memref_slice %arg4[%add3A_32, %dma_start3A_41] : memref<6144x128xf32, #tpu.memory_space<hbm>> -> memref<128x128xf32, #tpu.memory_space<hbm>>
      %dma_start3A_43 = arith.constant 0 : i32
      %dma_start3A_44 = arith.constant 0 : i32
      %dma_start3A_45 = tpu.memref_slice %arg6[%rem3A_15, %dma_start3A_43, %dma_start3A_44] : memref<2x128x128xf32, #tpu.memory_space<vmem>> -> memref<1x128x128xf32, #tpu.memory_space<vmem>>
      %dma_start3A_46 = tpu.memref_squeeze %dma_start3A_45 : memref<1x128x128xf32, #tpu.memory_space<vmem>> -> memref<128x128xf32, #tpu.memory_space<vmem>>
      tpu.enqueue_dma source(%dma_start3A_46 : memref<128x128xf32, #tpu.memory_space<vmem>>) target(%dma_start3A_42 : memref<128x128xf32, #tpu.memory_space<hbm>>) target_semaphore(%run_scoped3A_34 : memref<!tpu.dma_semaphore, #tpu.memory_space<semaphore_mem>>)
      %dma_wait3A_47 = arith.constant 0 : i32
      %dma_wait3A_48 = arith.constant 0 : i32
      %dma_wait3A_49 = tpu.memref_slice %arg6[%rem3A_15, %dma_wait3A_47, %dma_wait3A_48] : memref<2x128x128xf32, #tpu.memory_space<vmem>> -> memref<1x128x128xf32, #tpu.memory_space<vmem>>
      %dma_wait3A_50 = tpu.memref_squeeze %dma_wait3A_49 : memref<1x128x128xf32, #tpu.memory_space<vmem>> -> memref<128x128xf32, #tpu.memory_space<vmem>>
      %dma_wait3A_51 = arith.constant 0 : i32
      %dma_wait3A_52 = tpu.memref_slice %arg4[%add3A_32, %dma_wait3A_51] : memref<6144x128xf32, #tpu.memory_space<hbm>> -> memref<128x128xf32, #tpu.memory_space<hbm>>
      %dma_wait3A_53 = arith.constant 0 : i32
      %dma_wait3A_54 = tpu.memref_slice %arg4[%add3A_32, %dma_wait3A_53] : memref<6144x128xf32, #tpu.memory_space<hbm>> -> memref<128x128xf32, #tpu.memory_space<hbm>>
      %dma_wait3A_55 = arith.constant 0 : i32
      %dma_wait3A_56 = arith.constant 0 : i32
      %dma_wait3A_57 = tpu.memref_slice %arg6[%rem3A_15, %dma_wait3A_55, %dma_wait3A_56] : memref<2x128x128xf32, #tpu.memory_space<vmem>> -> memref<1x128x128xf32, #tpu.memory_space<vmem>>
      %dma_wait3A_58 = tpu.memref_squeeze %dma_wait3A_57 : memref<1x128x128xf32, #tpu.memory_space<vmem>> -> memref<128x128xf32, #tpu.memory_space<vmem>>
      tpu.wait_dma2 semaphore(%run_scoped3A_34 : memref<!tpu.dma_semaphore, #tpu.memory_space<semaphore_mem>>) src(%dma_wait3A_58 : memref<128x128xf32, #tpu.memory_space<vmem>>) dst(%dma_wait3A_54 : memref<128x128xf32, #tpu.memory_space<hbm>>)
      tpu.yield
    }) : () -> ()
    %scan3A_33 = arith.constant 1 : i32
    return
  }
}

#map = affine_map<(d0, d1) -> (0, 0)>
#map1 = affine_map<(d0, d1) -> (0)>
module attributes {stable_mosaic.version = 14 : i64} {
  func.func @kfn(%arg0: i32, %arg1: i32, %arg2: memref<8192x128xf32, #tpu.memory_space<hbm>>, %arg3: memref<2048xi32, #tpu.memory_space<hbm>>, %arg4: memref<2048x128xf32, #tpu.memory_space<hbm>>, %arg5: memref<2x128xi32, #tpu.memory_space<vmem>>, %arg6: memref<2x128x128xf32, #tpu.memory_space<vmem>>, %arg7: memref<!tpu.dma_semaphore, #tpu.memory_space<semaphore_mem>>) attributes {dimension_semantics = [#tpu.dimension_semantics<core_parallel>, #tpu.dimension_semantics<subcore_parallel>], iteration_bounds = array<i64: 2, 16>, scalar_prefetch = 0 : i64, scratch_operands = 3 : i64, tpu.core_type = #tpu.core_type<sc_vector_subcore>, window_params = [{transform_indices = #map}, {transform_indices = #map1}, {transform_indices = #map}]} {
    %mul3A = arith.constant 2 : i32
    %mul3A_0 = arith.muli %arg1, %mul3A : i32
    %add3A = arith.addi %mul3A_0, %arg0 : i32
    %mul3A_1 = arith.constant 64 : i32
    %mul3A_2 = arith.muli %add3A, %mul3A_1 : i32
    %run_scoped3A = arith.constant 0 : i32
    "tpu.region"() ({
      %run_scoped3A_18 = tpu.sem_alloc : memref<!tpu.dma_semaphore, #tpu.memory_space<semaphore_mem>>
      %dma_start3A_19 = arith.constant 0 : i32
      %dma_start3A_20 = tpu.memref_slice %arg5[%run_scoped3A, %dma_start3A_19] : memref<2x128xi32, #tpu.memory_space<vmem>> -> memref<1x128xi32, #tpu.memory_space<vmem>>
      %dma_start3A_21 = tpu.memref_squeeze %dma_start3A_20 : memref<1x128xi32, #tpu.memory_space<vmem>> -> memref<128xi32, #tpu.memory_space<vmem>>
      %dma_start3A_22 = tpu.memref_slice %arg3[%mul3A_2] : memref<2048xi32, #tpu.memory_space<hbm>> -> memref<128xi32, #tpu.memory_space<hbm>>
      %dma_start3A_23 = arith.constant 0 : i32
      %dma_start3A_24 = tpu.memref_slice %arg5[%run_scoped3A, %dma_start3A_23] : memref<2x128xi32, #tpu.memory_space<vmem>> -> memref<1x128xi32, #tpu.memory_space<vmem>>
      %dma_start3A_25 = tpu.memref_squeeze %dma_start3A_24 : memref<1x128xi32, #tpu.memory_space<vmem>> -> memref<128xi32, #tpu.memory_space<vmem>>
      %dma_start3A_26 = tpu.memref_slice %arg3[%mul3A_2] : memref<2048xi32, #tpu.memory_space<hbm>> -> memref<128xi32, #tpu.memory_space<hbm>>
      tpu.enqueue_dma source(%dma_start3A_26 : memref<128xi32, #tpu.memory_space<hbm>>) target(%dma_start3A_25 : memref<128xi32, #tpu.memory_space<vmem>>) target_semaphore(%run_scoped3A_18 : memref<!tpu.dma_semaphore, #tpu.memory_space<semaphore_mem>>)
      %dma_wait3A = arith.constant 0 : i32
      %dma_wait3A_27 = tpu.memref_slice %arg5[%run_scoped3A, %dma_wait3A] : memref<2x128xi32, #tpu.memory_space<vmem>> -> memref<1x128xi32, #tpu.memory_space<vmem>>
      %dma_wait3A_28 = tpu.memref_squeeze %dma_wait3A_27 : memref<1x128xi32, #tpu.memory_space<vmem>> -> memref<128xi32, #tpu.memory_space<vmem>>
      %dma_wait3A_29 = tpu.memref_slice %arg3[%mul3A_2] : memref<2048xi32, #tpu.memory_space<hbm>> -> memref<128xi32, #tpu.memory_space<hbm>>
      %dma_wait3A_30 = arith.constant 0 : i32
      %dma_wait3A_31 = tpu.memref_slice %arg5[%run_scoped3A, %dma_wait3A_30] : memref<2x128xi32, #tpu.memory_space<vmem>> -> memref<1x128xi32, #tpu.memory_space<vmem>>
      %dma_wait3A_32 = tpu.memref_squeeze %dma_wait3A_31 : memref<1x128xi32, #tpu.memory_space<vmem>> -> memref<128xi32, #tpu.memory_space<vmem>>
      %dma_wait3A_33 = tpu.memref_slice %arg3[%mul3A_2] : memref<2048xi32, #tpu.memory_space<hbm>> -> memref<128xi32, #tpu.memory_space<hbm>>
      tpu.wait_dma2 semaphore(%run_scoped3A_18 : memref<!tpu.dma_semaphore, #tpu.memory_space<semaphore_mem>>) src(%dma_wait3A_33 : memref<128xi32, #tpu.memory_space<hbm>>) dst(%dma_wait3A_32 : memref<128xi32, #tpu.memory_space<vmem>>)
      tpu.yield
    }) : () -> ()
    %dma_start3A = arith.constant 0 : i32
    %dma_start3A_3 = arith.constant 0 : i32
    %dma_start3A_4 = arith.constant 0 : i32
    %dma_start3A_5 = arith.constant 0 : i32
    %dma_start3A_6 = tpu.memref_slice %arg6[%dma_start3A_3, %dma_start3A_4, %dma_start3A_5] : memref<2x128x128xf32, #tpu.memory_space<vmem>> -> memref<1x128x128xf32, #tpu.memory_space<vmem>>
    %dma_start3A_7 = tpu.memref_squeeze %dma_start3A_6 : memref<1x128x128xf32, #tpu.memory_space<vmem>> -> memref<128x128xf32, #tpu.memory_space<vmem>>
    %dma_start3A_8 = arith.constant 0 : i32
    %dma_start3A_9 = tpu.memref_slice %arg5[%dma_start3A, %dma_start3A_8] : memref<2x128xi32, #tpu.memory_space<vmem>> -> memref<1x128xi32, #tpu.memory_space<vmem>>
    %dma_start3A_10 = tpu.memref_squeeze %dma_start3A_9 : memref<1x128xi32, #tpu.memory_space<vmem>> -> memref<128xi32, #tpu.memory_space<vmem>>
    %dma_start3A_11 = arith.constant 0 : i32
    %dma_start3A_12 = arith.constant 0 : i32
    %dma_start3A_13 = tpu.memref_slice %arg2[%dma_start3A_11, %dma_start3A_12] : memref<8192x128xf32, #tpu.memory_space<hbm>> -> memref<8192x128xf32, #tpu.memory_space<hbm>>
    tpu.enqueue_indirect_dma source(%dma_start3A_13 : memref<8192x128xf32, #tpu.memory_space<hbm>>) target(%dma_start3A_7 : memref<128x128xf32, #tpu.memory_space<vmem>>) offsets(%dma_start3A_10 : memref<128xi32, #tpu.memory_space<vmem>>) semaphore(%arg7 : memref<!tpu.dma_semaphore, #tpu.memory_space<semaphore_mem>>)
    %scan3A = arith.constant 0 : i32
    %scan3A_14 = arith.constant 0 : i32
    %scan3A_15 = arith.constant 0 : i32
    %scan3A_16 = arith.addi %scan3A_14, %scan3A_15 : i32
    %scan3A_17 = arith.constant 0 : i32
    return
  }
}

#map = affine_map<(d0, d1) -> (0, 0)>
#map1 = affine_map<(d0, d1) -> (0)>
module attributes {stable_mosaic.version = 14 : i64} {
  func.func @kfn(%arg0: i32, %arg1: i32, %arg2: memref<8192x128xf32, #tpu.memory_space<hbm>>, %arg3: memref<4096xi32, #tpu.memory_space<hbm>>, %arg4: memref<4096x128xf32, #tpu.memory_space<hbm>>, %arg5: memref<2x128xi32, #tpu.memory_space<vmem>>, %arg6: memref<2x128x128xf32, #tpu.memory_space<vmem>>, %arg7: memref<!tpu.dma_semaphore, #tpu.memory_space<semaphore_mem>>) attributes {dimension_semantics = [#tpu.dimension_semantics<core_parallel>, #tpu.dimension_semantics<subcore_parallel>], iteration_bounds = array<i64: 2, 16>, scalar_prefetch = 0 : i64, scratch_operands = 3 : i64, tpu.core_type = #tpu.core_type<sc_vector_subcore>, window_params = [{transform_indices = #map}, {transform_indices = #map1}, {transform_indices = #map}]} {
    %mul3A = arith.constant 2 : i32
    %mul3A_0 = arith.muli %arg1, %mul3A : i32
    %add3A = arith.addi %mul3A_0, %arg0 : i32
    %mul3A_1 = arith.constant 128 : i32
    %mul3A_2 = arith.muli %add3A, %mul3A_1 : i32
    %run_scoped3A = arith.constant 0 : i32
    "tpu.region"() ({
      %run_scoped3A_34 = tpu.sem_alloc : memref<!tpu.dma_semaphore, #tpu.memory_space<semaphore_mem>>
      %dma_start3A_35 = arith.constant 0 : i32
      %dma_start3A_36 = tpu.memref_slice %arg5[%run_scoped3A, %dma_start3A_35] : memref<2x128xi32, #tpu.memory_space<vmem>> -> memref<1x128xi32, #tpu.memory_space<vmem>>
      %dma_start3A_37 = tpu.memref_squeeze %dma_start3A_36 : memref<1x128xi32, #tpu.memory_space<vmem>> -> memref<128xi32, #tpu.memory_space<vmem>>
      %dma_start3A_38 = tpu.memref_slice %arg3[%mul3A_2] : memref<4096xi32, #tpu.memory_space<hbm>> -> memref<128xi32, #tpu.memory_space<hbm>>
      %dma_start3A_39 = arith.constant 0 : i32
      %dma_start3A_40 = tpu.memref_slice %arg5[%run_scoped3A, %dma_start3A_39] : memref<2x128xi32, #tpu.memory_space<vmem>> -> memref<1x128xi32, #tpu.memory_space<vmem>>
      %dma_start3A_41 = tpu.memref_squeeze %dma_start3A_40 : memref<1x128xi32, #tpu.memory_space<vmem>> -> memref<128xi32, #tpu.memory_space<vmem>>
      %dma_start3A_42 = tpu.memref_slice %arg3[%mul3A_2] : memref<4096xi32, #tpu.memory_space<hbm>> -> memref<128xi32, #tpu.memory_space<hbm>>
      tpu.enqueue_dma source(%dma_start3A_42 : memref<128xi32, #tpu.memory_space<hbm>>) target(%dma_start3A_41 : memref<128xi32, #tpu.memory_space<vmem>>) target_semaphore(%run_scoped3A_34 : memref<!tpu.dma_semaphore, #tpu.memory_space<semaphore_mem>>)
      %dma_wait3A_43 = arith.constant 0 : i32
      %dma_wait3A_44 = tpu.memref_slice %arg5[%run_scoped3A, %dma_wait3A_43] : memref<2x128xi32, #tpu.memory_space<vmem>> -> memref<1x128xi32, #tpu.memory_space<vmem>>
      %dma_wait3A_45 = tpu.memref_squeeze %dma_wait3A_44 : memref<1x128xi32, #tpu.memory_space<vmem>> -> memref<128xi32, #tpu.memory_space<vmem>>
      %dma_wait3A_46 = tpu.memref_slice %arg3[%mul3A_2] : memref<4096xi32, #tpu.memory_space<hbm>> -> memref<128xi32, #tpu.memory_space<hbm>>
      %dma_wait3A_47 = arith.constant 0 : i32
      %dma_wait3A_48 = tpu.memref_slice %arg5[%run_scoped3A, %dma_wait3A_47] : memref<2x128xi32, #tpu.memory_space<vmem>> -> memref<1x128xi32, #tpu.memory_space<vmem>>
      %dma_wait3A_49 = tpu.memref_squeeze %dma_wait3A_48 : memref<1x128xi32, #tpu.memory_space<vmem>> -> memref<128xi32, #tpu.memory_space<vmem>>
      %dma_wait3A_50 = tpu.memref_slice %arg3[%mul3A_2] : memref<4096xi32, #tpu.memory_space<hbm>> -> memref<128xi32, #tpu.memory_space<hbm>>
      tpu.wait_dma2 semaphore(%run_scoped3A_34 : memref<!tpu.dma_semaphore, #tpu.memory_space<semaphore_mem>>) src(%dma_wait3A_50 : memref<128xi32, #tpu.memory_space<hbm>>) dst(%dma_wait3A_49 : memref<128xi32, #tpu.memory_space<vmem>>)
      tpu.yield
    }) : () -> ()
    %dma_start3A = arith.constant 0 : i32
    %dma_start3A_3 = arith.constant 0 : i32
    %dma_start3A_4 = arith.constant 0 : i32
    %dma_start3A_5 = arith.constant 0 : i32
    %dma_start3A_6 = tpu.memref_slice %arg6[%dma_start3A_3, %dma_start3A_4, %dma_start3A_5] : memref<2x128x128xf32, #tpu.memory_space<vmem>> -> memref<1x128x128xf32, #tpu.memory_space<vmem>>
    %dma_start3A_7 = tpu.memref_squeeze %dma_start3A_6 : memref<1x128x128xf32, #tpu.memory_space<vmem>> -> memref<128x128xf32, #tpu.memory_space<vmem>>
    %dma_start3A_8 = arith.constant 0 : i32
    %dma_start3A_9 = tpu.memref_slice %arg5[%dma_start3A, %dma_start3A_8] : memref<2x128xi32, #tpu.memory_space<vmem>> -> memref<1x128xi32, #tpu.memory_space<vmem>>
    %dma_start3A_10 = tpu.memref_squeeze %dma_start3A_9 : memref<1x128xi32, #tpu.memory_space<vmem>> -> memref<128xi32, #tpu.memory_space<vmem>>
    %dma_start3A_11 = arith.constant 0 : i32
    %dma_start3A_12 = arith.constant 0 : i32
    %dma_start3A_13 = tpu.memref_slice %arg2[%dma_start3A_11, %dma_start3A_12] : memref<8192x128xf32, #tpu.memory_space<hbm>> -> memref<8192x128xf32, #tpu.memory_space<hbm>>
    tpu.enqueue_indirect_dma source(%dma_start3A_13 : memref<8192x128xf32, #tpu.memory_space<hbm>>) target(%dma_start3A_7 : memref<128x128xf32, #tpu.memory_space<vmem>>) offsets(%dma_start3A_10 : memref<128xi32, #tpu.memory_space<vmem>>) semaphore(%arg7 : memref<!tpu.dma_semaphore, #tpu.memory_space<semaphore_mem>>)
    %scan3A = arith.constant 0 : i32
    %scan3A_14 = arith.constant 0 : i32
    %rem3A = arith.constant 2 : i32
    %rem3A_15 = arith.remsi %scan3A_14, %rem3A : i32
    %sub3A = arith.constant 1 : i32
    %sub3A_16 = arith.subi %sub3A, %rem3A_15 : i32
    %dma_wait3A = arith.constant 0 : i32
    %dma_wait3A_17 = arith.constant 0 : i32
    %dma_wait3A_18 = tpu.memref_slice %arg6[%rem3A_15, %dma_wait3A, %dma_wait3A_17] : memref<2x128x128xf32, #tpu.memory_space<vmem>> -> memref<1x128x128xf32, #tpu.memory_space<vmem>>
    %dma_wait3A_19 = tpu.memref_squeeze %dma_wait3A_18 : memref<1x128x128xf32, #tpu.memory_space<vmem>> -> memref<128x128xf32, #tpu.memory_space<vmem>>
    %dma_wait3A_20 = arith.constant 0 : i32
    %dma_wait3A_21 = tpu.memref_slice %arg5[%rem3A_15, %dma_wait3A_20] : memref<2x128xi32, #tpu.memory_space<vmem>> -> memref<1x128xi32, #tpu.memory_space<vmem>>
    %dma_wait3A_22 = tpu.memref_squeeze %dma_wait3A_21 : memref<1x128xi32, #tpu.memory_space<vmem>> -> memref<128xi32, #tpu.memory_space<vmem>>
    %dma_wait3A_23 = arith.constant 0 : i32
    %dma_wait3A_24 = arith.constant 0 : i32
    %dma_wait3A_25 = tpu.memref_slice %arg2[%dma_wait3A_23, %dma_wait3A_24] : memref<8192x128xf32, #tpu.memory_space<hbm>> -> memref<8192x128xf32, #tpu.memory_space<hbm>>
    tpu.wait_indirect_dma semaphore(%arg7 : memref<!tpu.dma_semaphore, #tpu.memory_space<semaphore_mem>>) src(%dma_wait3A_25 : memref<8192x128xf32, #tpu.memory_space<hbm>>) dst(%dma_wait3A_19 : memref<128x128xf32, #tpu.memory_space<vmem>>)
    %add3A_26 = arith.constant 1 : i32
    %add3A_27 = arith.addi %scan3A_14, %add3A_26 : i32
    %lt3A = arith.constant 1 : i32
    %lt3A_28 = arith.cmpi slt, %add3A_27, %lt3A : i32
    %convert_element_type3A = arith.extui %lt3A_28 : i1 to i32
    %cond3A = arith.constant 0 : i32
    %cond3A_29 = arith.cmpi ne, %convert_element_type3A, %cond3A : i32
    scf.if %cond3A_29 {
      %add3A_34 = arith.constant 1 : i32
      %add3A_35 = arith.addi %scan3A_14, %add3A_34 : i32
      %mul3A_36 = arith.constant 128 : i32
      %mul3A_37 = arith.muli %add3A_35, %mul3A_36 : i32
      %add3A_38 = arith.addi %mul3A_2, %mul3A_37 : i32
      "tpu.region"() ({
        %run_scoped3A_49 = tpu.sem_alloc : memref<!tpu.dma_semaphore, #tpu.memory_space<semaphore_mem>>
        %dma_start3A_50 = arith.constant 0 : i32
        %dma_start3A_51 = tpu.memref_slice %arg5[%sub3A_16, %dma_start3A_50] : memref<2x128xi32, #tpu.memory_space<vmem>> -> memref<1x128xi32, #tpu.memory_space<vmem>>
        %dma_start3A_52 = tpu.memref_squeeze %dma_start3A_51 : memref<1x128xi32, #tpu.memory_space<vmem>> -> memref<128xi32, #tpu.memory_space<vmem>>
        %dma_start3A_53 = tpu.memref_slice %arg3[%add3A_38] : memref<4096xi32, #tpu.memory_space<hbm>> -> memref<128xi32, #tpu.memory_space<hbm>>
        %dma_start3A_54 = arith.constant 0 : i32
        %dma_start3A_55 = tpu.memref_slice %arg5[%sub3A_16, %dma_start3A_54] : memref<2x128xi32, #tpu.memory_space<vmem>> -> memref<1x128xi32, #tpu.memory_space<vmem>>
        %dma_start3A_56 = tpu.memref_squeeze %dma_start3A_55 : memref<1x128xi32, #tpu.memory_space<vmem>> -> memref<128xi32, #tpu.memory_space<vmem>>
        %dma_start3A_57 = tpu.memref_slice %arg3[%add3A_38] : memref<4096xi32, #tpu.memory_space<hbm>> -> memref<128xi32, #tpu.memory_space<hbm>>
        tpu.enqueue_dma source(%dma_start3A_57 : memref<128xi32, #tpu.memory_space<hbm>>) target(%dma_start3A_56 : memref<128xi32, #tpu.memory_space<vmem>>) target_semaphore(%run_scoped3A_49 : memref<!tpu.dma_semaphore, #tpu.memory_space<semaphore_mem>>)
        %dma_wait3A_58 = arith.constant 0 : i32
        %dma_wait3A_59 = tpu.memref_slice %arg5[%sub3A_16, %dma_wait3A_58] : memref<2x128xi32, #tpu.memory_space<vmem>> -> memref<1x128xi32, #tpu.memory_space<vmem>>
        %dma_wait3A_60 = tpu.memref_squeeze %dma_wait3A_59 : memref<1x128xi32, #tpu.memory_space<vmem>> -> memref<128xi32, #tpu.memory_space<vmem>>
        %dma_wait3A_61 = tpu.memref_slice %arg3[%add3A_38] : memref<4096xi32, #tpu.memory_space<hbm>> -> memref<128xi32, #tpu.memory_space<hbm>>
        %dma_wait3A_62 = arith.constant 0 : i32
        %dma_wait3A_63 = tpu.memref_slice %arg5[%sub3A_16, %dma_wait3A_62] : memref<2x128xi32, #tpu.memory_space<vmem>> -> memref<1x128xi32, #tpu.memory_space<vmem>>
        %dma_wait3A_64 = tpu.memref_squeeze %dma_wait3A_63 : memref<1x128xi32, #tpu.memory_space<vmem>> -> memref<128xi32, #tpu.memory_space<vmem>>
        %dma_wait3A_65 = tpu.memref_slice %arg3[%add3A_38] : memref<4096xi32, #tpu.memory_space<hbm>> -> memref<128xi32, #tpu.memory_space<hbm>>
        tpu.wait_dma2 semaphore(%run_scoped3A_49 : memref<!tpu.dma_semaphore, #tpu.memory_space<semaphore_mem>>) src(%dma_wait3A_65 : memref<128xi32, #tpu.memory_space<hbm>>) dst(%dma_wait3A_64 : memref<128xi32, #tpu.memory_space<vmem>>)
        tpu.yield
      }) : () -> ()
      %dma_start3A_39 = arith.constant 0 : i32
      %dma_start3A_40 = arith.constant 0 : i32
      %dma_start3A_41 = tpu.memref_slice %arg6[%sub3A_16, %dma_start3A_39, %dma_start3A_40] : memref<2x128x128xf32, #tpu.memory_space<vmem>> -> memref<1x128x128xf32, #tpu.memory_space<vmem>>
      %dma_start3A_42 = tpu.memref_squeeze %dma_start3A_41 : memref<1x128x128xf32, #tpu.memory_space<vmem>> -> memref<128x128xf32, #tpu.memory_space<vmem>>
      %dma_start3A_43 = arith.constant 0 : i32
      %dma_start3A_44 = tpu.memref_slice %arg5[%sub3A_16, %dma_start3A_43] : memref<2x128xi32, #tpu.memory_space<vmem>> -> memref<1x128xi32, #tpu.memory_space<vmem>>
      %dma_start3A_45 = tpu.memref_squeeze %dma_start3A_44 : memref<1x128xi32, #tpu.memory_space<vmem>> -> memref<128xi32, #tpu.memory_space<vmem>>
      %dma_start3A_46 = arith.constant 0 : i32
      %dma_start3A_47 = arith.constant 0 : i32
      %dma_start3A_48 = tpu.memref_slice %arg2[%dma_start3A_46, %dma_start3A_47] : memref<8192x128xf32, #tpu.memory_space<hbm>> -> memref<8192x128xf32, #tpu.memory_space<hbm>>
      tpu.enqueue_indirect_dma source(%dma_start3A_48 : memref<8192x128xf32, #tpu.memory_space<hbm>>) target(%dma_start3A_42 : memref<128x128xf32, #tpu.memory_space<vmem>>) offsets(%dma_start3A_45 : memref<128xi32, #tpu.memory_space<vmem>>) semaphore(%arg7 : memref<!tpu.dma_semaphore, #tpu.memory_space<semaphore_mem>>)
    } else {
    }
    %mul3A_30 = arith.constant 128 : i32
    %mul3A_31 = arith.muli %scan3A_14, %mul3A_30 : i32
    %add3A_32 = arith.addi %mul3A_2, %mul3A_31 : i32
    "tpu.region"() ({
      %run_scoped3A_34 = tpu.sem_alloc : memref<!tpu.dma_semaphore, #tpu.memory_space<semaphore_mem>>
      %dma_start3A_35 = arith.constant 0 : i32
      %dma_start3A_36 = arith.constant 0 : i32
      %dma_start3A_37 = tpu.memref_slice %arg6[%rem3A_15, %dma_start3A_35, %dma_start3A_36] : memref<2x128x128xf32, #tpu.memory_space<vmem>> -> memref<1x128x128xf32, #tpu.memory_space<vmem>>
      %dma_start3A_38 = tpu.memref_squeeze %dma_start3A_37 : memref<1x128x128xf32, #tpu.memory_space<vmem>> -> memref<128x128xf32, #tpu.memory_space<vmem>>
      %dma_start3A_39 = arith.constant 0 : i32
      %dma_start3A_40 = tpu.memref_slice %arg4[%add3A_32, %dma_start3A_39] : memref<4096x128xf32, #tpu.memory_space<hbm>> -> memref<128x128xf32, #tpu.memory_space<hbm>>
      %dma_start3A_41 = arith.constant 0 : i32
      %dma_start3A_42 = tpu.memref_slice %arg4[%add3A_32, %dma_start3A_41] : memref<4096x128xf32, #tpu.memory_space<hbm>> -> memref<128x128xf32, #tpu.memory_space<hbm>>
      %dma_start3A_43 = arith.constant 0 : i32
      %dma_start3A_44 = arith.constant 0 : i32
      %dma_start3A_45 = tpu.memref_slice %arg6[%rem3A_15, %dma_start3A_43, %dma_start3A_44] : memref<2x128x128xf32, #tpu.memory_space<vmem>> -> memref<1x128x128xf32, #tpu.memory_space<vmem>>
      %dma_start3A_46 = tpu.memref_squeeze %dma_start3A_45 : memref<1x128x128xf32, #tpu.memory_space<vmem>> -> memref<128x128xf32, #tpu.memory_space<vmem>>
      tpu.enqueue_dma source(%dma_start3A_46 : memref<128x128xf32, #tpu.memory_space<vmem>>) target(%dma_start3A_42 : memref<128x128xf32, #tpu.memory_space<hbm>>) target_semaphore(%run_scoped3A_34 : memref<!tpu.dma_semaphore, #tpu.memory_space<semaphore_mem>>)
      %dma_wait3A_47 = arith.constant 0 : i32
      %dma_wait3A_48 = arith.constant 0 : i32
      %dma_wait3A_49 = tpu.memref_slice %arg6[%rem3A_15, %dma_wait3A_47, %dma_wait3A_48] : memref<2x128x128xf32, #tpu.memory_space<vmem>> -> memref<1x128x128xf32, #tpu.memory_space<vmem>>
      %dma_wait3A_50 = tpu.memref_squeeze %dma_wait3A_49 : memref<1x128x128xf32, #tpu.memory_space<vmem>> -> memref<128x128xf32, #tpu.memory_space<vmem>>
      %dma_wait3A_51 = arith.constant 0 : i32
      %dma_wait3A_52 = tpu.memref_slice %arg4[%add3A_32, %dma_wait3A_51] : memref<4096x128xf32, #tpu.memory_space<hbm>> -> memref<128x128xf32, #tpu.memory_space<hbm>>
      %dma_wait3A_53 = arith.constant 0 : i32
      %dma_wait3A_54 = tpu.memref_slice %arg4[%add3A_32, %dma_wait3A_53] : memref<4096x128xf32, #tpu.memory_space<hbm>> -> memref<128x128xf32, #tpu.memory_space<hbm>>
      %dma_wait3A_55 = arith.constant 0 : i32
      %dma_wait3A_56 = arith.constant 0 : i32
      %dma_wait3A_57 = tpu.memref_slice %arg6[%rem3A_15, %dma_wait3A_55, %dma_wait3A_56] : memref<2x128x128xf32, #tpu.memory_space<vmem>> -> memref<1x128x128xf32, #tpu.memory_space<vmem>>
      %dma_wait3A_58 = tpu.memref_squeeze %dma_wait3A_57 : memref<1x128x128xf32, #tpu.memory_space<vmem>> -> memref<128x128xf32, #tpu.memory_space<vmem>>
      tpu.wait_dma2 semaphore(%run_scoped3A_34 : memref<!tpu.dma_semaphore, #tpu.memory_space<semaphore_mem>>) src(%dma_wait3A_58 : memref<128x128xf32, #tpu.memory_space<vmem>>) dst(%dma_wait3A_54 : memref<128x128xf32, #tpu.memory_space<hbm>>)
      tpu.yield
    }) : () -> ()
    %scan3A_33 = arith.constant 1 : i32
    return
  }
}

module attributes {stable_mosaic.version = 14 : i64} {
  func.func @_edgek_body(%arg0: i32, %arg1: memref<10240x128xf32, #tpu.memory_space<vmem>>, %arg2: memref<512x128xf32, #tpu.memory_space<vmem>>, %arg3: memref<256x128xf32, #tpu.memory_space<vmem>>, %arg4: memref<1x128xf32, #tpu.memory_space<vmem>>, %arg5: memref<128x128xf32, #tpu.memory_space<vmem>>, %arg6: memref<1x128xf32, #tpu.memory_space<vmem>>, %arg7: memref<512x128xf32, #tpu.memory_space<vmem>>) attributes {dimension_semantics = [#tpu.dimension_semantics<arbitrary>], iteration_bounds = array<i64: 16>, scalar_prefetch = 0 : i64, scratch_operands = 0 : i64, tpu.core_type = #tpu.core_type<tc>, window_params = [{transform_indices = @transform_0, window_bounds = array<i64: 10240, 128>}, {transform_indices = @transform_1, window_bounds = array<i64: 512, 128>}, {pipeline_mode = #tpu.pipeline_mode<synchronous>, transform_indices = @transform_2, window_bounds = array<i64: 256, 128>}, {pipeline_mode = #tpu.pipeline_mode<synchronous>, transform_indices = @transform_3, window_bounds = array<i64: 1, 128>}, {pipeline_mode = #tpu.pipeline_mode<synchronous>, transform_indices = @transform_4, window_bounds = array<i64: 128, 128>}, {pipeline_mode = #tpu.pipeline_mode<synchronous>, transform_indices = @transform_5, window_bounds = array<i64: 1, 128>}, {transform_indices = @transform_6, window_bounds = array<i64: 512, 128>}]} {
    %get3A = arith.constant 0 : index
    %get3A_0 = arith.constant 0 : index
    %get3A_1 = vector.load %arg2[%get3A, %get3A_0] : memref<512x128xf32, #tpu.memory_space<vmem>>, vector<512x128xf32>
    %get3A_2 = arith.constant 0 : index
    %get3A_3 = arith.constant 0 : index
    %get3A_4 = vector.load %arg1[%get3A_2, %get3A_3] : memref<10240x128xf32, #tpu.memory_space<vmem>>, vector<10240x128xf32>
    %reshape3A = vector.shape_cast %get3A_4 : vector<10240x128xf32> to vector<512x20x128xf32>
    %reshape3A_5 = vector.shape_cast %get3A_1 : vector<512x128xf32> to vector<512x1x128xf32>
    %sub3A = vector.broadcast %reshape3A_5 : vector<512x1x128xf32> to vector<512x20x128xf32>
    %sub3A_6 = arith.subf %reshape3A, %sub3A : vector<512x20x128xf32>
    %reshape3A_7 = vector.shape_cast %sub3A_6 : vector<512x20x128xf32> to vector<10240x128xf32>
    %broadcast_in_dim3A = vector.shape_cast %reshape3A_5 : vector<512x1x128xf32> to vector<512x1x128xf32>
    %broadcast_in_dim3A_8 = vector.broadcast %broadcast_in_dim3A : vector<512x1x128xf32> to vector<512x20x128xf32>
    %reshape3A_9 = vector.shape_cast %broadcast_in_dim3A_8 : vector<512x20x128xf32> to vector<10240x128xf32>
    %concatenate3A = tpu.concatenate %reshape3A_7, %reshape3A_9 in 1 : vector<10240x128xf32>, vector<10240x128xf32> -> vector<10240x256xf32>
    %get3A_10 = arith.constant 0 : index
    %get3A_11 = arith.constant 0 : index
    %get3A_12 = vector.load %arg3[%get3A_10, %get3A_11] : memref<256x128xf32, #tpu.memory_space<vmem>>, vector<256x128xf32>
    %dot_general3A = arith.constant dense<0.000000e+00> : vector<10240x128xf32>
    %dot_general3A_13 = tpu.matmul %concatenate3A, %get3A_12, %dot_general3A {dimension_numbers = #tpu.dot_dimension_numbers<[1], [0], [0], [1], [0, 0, 1, 1], [], []>, transpose_lhs_hint = false} : vector<10240x256xf32>, vector<256x128xf32>, vector<10240x128xf32> -> vector<10240x128xf32>
    %get3A_14 = arith.constant 0 : index
    %get3A_15 = arith.constant 0 : index
    %get3A_16 = vector.load %arg4[%get3A_14, %get3A_15] : memref<1x128xf32, #tpu.memory_space<vmem>>, vector<1x128xf32>
    %add3A = vector.broadcast %get3A_16 : vector<1x128xf32> to vector<10240x128xf32>
    %add3A_17 = arith.addf %dot_general3A_13, %add3A : vector<10240x128xf32>
    %max3A = arith.constant 0.000000e+00 : f32
    %max3A_18 = vector.broadcast %max3A : f32 to vector<10240x128xf32>
    %max3A_19 = arith.maximumf %add3A_17, %max3A_18 : vector<10240x128xf32>
    %get3A_20 = arith.constant 0 : index
    %get3A_21 = arith.constant 0 : index
    %get3A_22 = vector.load %arg5[%get3A_20, %get3A_21] : memref<128x128xf32, #tpu.memory_space<vmem>>, vector<128x128xf32>
    %dot_general3A_23 = arith.constant dense<0.000000e+00> : vector<10240x128xf32>
    %dot_general3A_24 = tpu.matmul %max3A_19, %get3A_22, %dot_general3A_23 {dimension_numbers = #tpu.dot_dimension_numbers<[1], [0], [0], [1], [0, 0, 1, 1], [], []>, transpose_lhs_hint = false} : vector<10240x128xf32>, vector<128x128xf32>, vector<10240x128xf32> -> vector<10240x128xf32>
    %get3A_25 = arith.constant 0 : index
    %get3A_26 = arith.constant 0 : index
    %get3A_27 = vector.load %arg6[%get3A_25, %get3A_26] : memref<1x128xf32, #tpu.memory_space<vmem>>, vector<1x128xf32>
    %add3A_28 = vector.broadcast %get3A_27 : vector<1x128xf32> to vector<10240x128xf32>
    %add3A_29 = arith.addf %dot_general3A_24, %add3A_28 : vector<10240x128xf32>
    %max3A_30 = arith.constant 0.000000e+00 : f32
    %max3A_31 = vector.broadcast %max3A_30 : f32 to vector<10240x128xf32>
    %max3A_32 = arith.maximumf %add3A_29, %max3A_31 : vector<10240x128xf32>
    %reshape3A_33 = vector.shape_cast %max3A_32 : vector<10240x128xf32> to vector<512x20x128xf32>
    %reduce_max3A = arith.constant dense<0xFF800000> : vector<512x128xf32>
    %reduce_max3A_34 = vector.multi_reduction <maximumf>, %reshape3A_33, %reduce_max3A [1] : vector<512x20x128xf32> to vector<512x128xf32>
    %swap3A = arith.constant 0 : index
    %swap3A_35 = arith.constant 0 : index
    %swap3A_36 = vector.load %arg7[%swap3A, %swap3A_35] : memref<512x128xf32, #tpu.memory_space<vmem>>, vector<512x128xf32>
    tpu.vector_store %arg7[%swap3A, %swap3A_35], %reduce_max3A_34 {strides = array<i32>} : memref<512x128xf32, #tpu.memory_space<vmem>>, vector<512x128xf32>,
    return
  }
  func.func @transform_0(%arg0: i32) -> (i32, i32) {
    %c0_i32 = arith.constant 0 : i32
    %c0_i32_0 = arith.constant 0 : i32
    return %arg0, %c0_i32 : i32, i32
  }
  func.func @transform_1(%arg0: i32) -> (i32, i32) {
    %c0_i32 = arith.constant 0 : i32
    %c0_i32_0 = arith.constant 0 : i32
    return %arg0, %c0_i32 : i32, i32
  }
  func.func @transform_2(%arg0: i32) -> (i32, i32) {
    %c0_i32 = arith.constant 0 : i32
    %c0_i32_0 = arith.constant 0 : i32
    %c0_i32_1 = arith.constant 0 : i32
    return %c0_i32, %c0_i32_0 : i32, i32
  }
  func.func @transform_3(%arg0: i32) -> (i32, i32) {
    %c0_i32 = arith.constant 0 : i32
    %c0_i32_0 = arith.constant 0 : i32
    %c0_i32_1 = arith.constant 0 : i32
    return %c0_i32, %c0_i32_0 : i32, i32
  }
  func.func @transform_4(%arg0: i32) -> (i32, i32) {
    %c0_i32 = arith.constant 0 : i32
    %c0_i32_0 = arith.constant 0 : i32
    %c0_i32_1 = arith.constant 0 : i32
    return %c0_i32, %c0_i32_0 : i32, i32
  }
  func.func @transform_5(%arg0: i32) -> (i32, i32) {
    %c0_i32 = arith.constant 0 : i32
    %c0_i32_0 = arith.constant 0 : i32
    %c0_i32_1 = arith.constant 0 : i32
    return %c0_i32, %c0_i32_0 : i32, i32
  }
  func.func @transform_6(%arg0: i32) -> (i32, i32) {
    %c0_i32 = arith.constant 0 : i32
    %c0_i32_0 = arith.constant 0 : i32
    return %arg0, %c0_i32 : i32, i32
  }
}

module attributes {stable_mosaic.version = 14 : i64} {
  func.func @_lambda_(%arg0: i32, %arg1: memref<10240x128xf32, #tpu.memory_space<vmem>>, %arg2: memref<512x128xf32, #tpu.memory_space<vmem>>, %arg3: memref<256x128xf32, #tpu.memory_space<vmem>>, %arg4: memref<1x128xf32, #tpu.memory_space<vmem>>, %arg5: memref<512x128xf32, #tpu.memory_space<vmem>>) attributes {dimension_semantics = [#tpu.dimension_semantics<arbitrary>], iteration_bounds = array<i64: 16>, scalar_prefetch = 0 : i64, scratch_operands = 0 : i64, tpu.core_type = #tpu.core_type<tc>, window_params = [{transform_indices = @transform_0, window_bounds = array<i64: 10240, 128>}, {transform_indices = @transform_1, window_bounds = array<i64: 512, 128>}, {pipeline_mode = #tpu.pipeline_mode<synchronous>, transform_indices = @transform_2, window_bounds = array<i64: 256, 128>}, {pipeline_mode = #tpu.pipeline_mode<synchronous>, transform_indices = @transform_3, window_bounds = array<i64: 1, 128>}, {transform_indices = @transform_4, window_bounds = array<i64: 512, 128>}]} {
    %get3A = arith.constant 0 : index
    %get3A_0 = arith.constant 0 : index
    %get3A_1 = vector.load %arg2[%get3A, %get3A_0] : memref<512x128xf32, #tpu.memory_space<vmem>>, vector<512x128xf32>
    %get3A_2 = arith.constant 0 : index
    %get3A_3 = arith.constant 0 : index
    %get3A_4 = vector.load %arg1[%get3A_2, %get3A_3] : memref<10240x128xf32, #tpu.memory_space<vmem>>, vector<10240x128xf32>
    %reshape3A = vector.shape_cast %get3A_4 : vector<10240x128xf32> to vector<512x20x128xf32>
    %reshape3A_5 = vector.shape_cast %get3A_1 : vector<512x128xf32> to vector<512x1x128xf32>
    %sub3A = vector.broadcast %reshape3A_5 : vector<512x1x128xf32> to vector<512x20x128xf32>
    %sub3A_6 = arith.subf %reshape3A, %sub3A : vector<512x20x128xf32>
    %reshape3A_7 = vector.shape_cast %sub3A_6 : vector<512x20x128xf32> to vector<10240x128xf32>
    %broadcast_in_dim3A = vector.shape_cast %reshape3A_5 : vector<512x1x128xf32> to vector<512x1x128xf32>
    %broadcast_in_dim3A_8 = vector.broadcast %broadcast_in_dim3A : vector<512x1x128xf32> to vector<512x20x128xf32>
    %reshape3A_9 = vector.shape_cast %broadcast_in_dim3A_8 : vector<512x20x128xf32> to vector<10240x128xf32>
    %concatenate3A = tpu.concatenate %reshape3A_7, %reshape3A_9 in 1 : vector<10240x128xf32>, vector<10240x128xf32> -> vector<10240x256xf32>
    %get3A_10 = arith.constant 0 : index
    %get3A_11 = arith.constant 0 : index
    %get3A_12 = vector.load %arg3[%get3A_10, %get3A_11] : memref<256x128xf32, #tpu.memory_space<vmem>>, vector<256x128xf32>
    %dot_general3A = arith.constant dense<0.000000e+00> : vector<10240x128xf32>
    %dot_general3A_13 = tpu.matmul %concatenate3A, %get3A_12, %dot_general3A {dimension_numbers = #tpu.dot_dimension_numbers<[1], [0], [0], [1], [0, 0, 1, 1], [], []>, transpose_lhs_hint = false} : vector<10240x256xf32>, vector<256x128xf32>, vector<10240x128xf32> -> vector<10240x128xf32>
    %get3A_14 = arith.constant 0 : index
    %get3A_15 = arith.constant 0 : index
    %get3A_16 = vector.load %arg4[%get3A_14, %get3A_15] : memref<1x128xf32, #tpu.memory_space<vmem>>, vector<1x128xf32>
    %add3A = vector.broadcast %get3A_16 : vector<1x128xf32> to vector<10240x128xf32>
    %add3A_17 = arith.addf %dot_general3A_13, %add3A : vector<10240x128xf32>
    %max3A = arith.constant 0.000000e+00 : f32
    %max3A_18 = vector.broadcast %max3A : f32 to vector<10240x128xf32>
    %max3A_19 = arith.maximumf %add3A_17, %max3A_18 : vector<10240x128xf32>
    %reshape3A_20 = vector.shape_cast %max3A_19 : vector<10240x128xf32> to vector<512x20x128xf32>
    %reduce_max3A = arith.constant dense<0xFF800000> : vector<512x128xf32>
    %reduce_max3A_21 = vector.multi_reduction <maximumf>, %reshape3A_20, %reduce_max3A [1] : vector<512x20x128xf32> to vector<512x128xf32>
    %add3A_22 = arith.addf %reduce_max3A_21, %get3A_1 : vector<512x128xf32>
    %swap3A = arith.constant 0 : index
    %swap3A_23 = arith.constant 0 : index
    %swap3A_24 = vector.load %arg5[%swap3A, %swap3A_23] : memref<512x128xf32, #tpu.memory_space<vmem>>, vector<512x128xf32>
    tpu.vector_store %arg5[%swap3A, %swap3A_23], %add3A_22 {strides = array<i32>} : memref<512x128xf32, #tpu.memory_space<vmem>>, vector<512x128xf32>,
    return
  }
  func.func @transform_0(%arg0: i32) -> (i32, i32) {
    %c0_i32 = arith.constant 0 : i32
    %c0_i32_0 = arith.constant 0 : i32
    return %arg0, %c0_i32 : i32, i32
  }
  func.func @transform_1(%arg0: i32) -> (i32, i32) {
    %c0_i32 = arith.constant 0 : i32
    %c0_i32_0 = arith.constant 0 : i32
    return %arg0, %c0_i32 : i32, i32
  }
  func.func @transform_2(%arg0: i32) -> (i32, i32) {
    %c0_i32 = arith.constant 0 : i32
    %c0_i32_0 = arith.constant 0 : i32
    %c0_i32_1 = arith.constant 0 : i32
    return %c0_i32, %c0_i32_0 : i32, i32
  }
  func.func @transform_3(%arg0: i32) -> (i32, i32) {
    %c0_i32 = arith.constant 0 : i32
    %c0_i32_0 = arith.constant 0 : i32
    %c0_i32_1 = arith.constant 0 : i32
    return %c0_i32, %c0_i32_0 : i32, i32
  }
  func.func @transform_4(%arg0: i32) -> (i32, i32) {
    %c0_i32 = arith.constant 0 : i32
    %c0_i32_0 = arith.constant 0 : i32
    return %arg0, %c0_i32 : i32, i32
  }
}

module attributes {stable_mosaic.version = 14 : i64} {
  func.func @_mm_body(%arg0: i32, %arg1: memref<1024x256xf32, #tpu.memory_space<vmem>>, %arg2: memref<256x128xf32, #tpu.memory_space<vmem>>, %arg3: memref<1x128xf32, #tpu.memory_space<vmem>>, %arg4: memref<1024x128xf32, #tpu.memory_space<vmem>>) attributes {dimension_semantics = [#tpu.dimension_semantics<arbitrary>], iteration_bounds = array<i64: 8>, scalar_prefetch = 0 : i64, scratch_operands = 0 : i64, tpu.core_type = #tpu.core_type<tc>, window_params = [{transform_indices = @transform_0, window_bounds = array<i64: 1024, 256>}, {pipeline_mode = #tpu.pipeline_mode<synchronous>, transform_indices = @transform_1, window_bounds = array<i64: 256, 128>}, {pipeline_mode = #tpu.pipeline_mode<synchronous>, transform_indices = @transform_2, window_bounds = array<i64: 1, 128>}, {transform_indices = @transform_3, window_bounds = array<i64: 1024, 128>}]} {
    %get3A = arith.constant 0 : index
    %get3A_0 = arith.constant 0 : index
    %get3A_1 = vector.load %arg1[%get3A, %get3A_0] : memref<1024x256xf32, #tpu.memory_space<vmem>>, vector<1024x256xf32>
    %get3A_2 = arith.constant 0 : index
    %get3A_3 = arith.constant 0 : index
    %get3A_4 = vector.load %arg2[%get3A_2, %get3A_3] : memref<256x128xf32, #tpu.memory_space<vmem>>, vector<256x128xf32>
    %dot_general3A = arith.constant dense<0.000000e+00> : vector<1024x128xf32>
    %dot_general3A_5 = tpu.matmul %get3A_1, %get3A_4, %dot_general3A {dimension_numbers = #tpu.dot_dimension_numbers<[1], [0], [0], [1], [0, 0, 1, 1], [], []>, transpose_lhs_hint = false} : vector<1024x256xf32>, vector<256x128xf32>, vector<1024x128xf32> -> vector<1024x128xf32>
    %get3A_6 = arith.constant 0 : index
    %get3A_7 = arith.constant 0 : index
    %get3A_8 = vector.load %arg3[%get3A_6, %get3A_7] : memref<1x128xf32, #tpu.memory_space<vmem>>, vector<1x128xf32>
    %add3A = vector.broadcast %get3A_8 : vector<1x128xf32> to vector<1024x128xf32>
    %add3A_9 = arith.addf %dot_general3A_5, %add3A : vector<1024x128xf32>
    %max3A = arith.constant 0.000000e+00 : f32
    %max3A_10 = vector.broadcast %max3A : f32 to vector<1024x128xf32>
    %max3A_11 = arith.maximumf %add3A_9, %max3A_10 : vector<1024x128xf32>
    %swap3A = arith.constant 0 : index
    %swap3A_12 = arith.constant 0 : index
    %swap3A_13 = vector.load %arg4[%swap3A, %swap3A_12] : memref<1024x128xf32, #tpu.memory_space<vmem>>, vector<1024x128xf32>
    tpu.vector_store %arg4[%swap3A, %swap3A_12], %max3A_11 {strides = array<i32>} : memref<1024x128xf32, #tpu.memory_space<vmem>>, vector<1024x128xf32>,
    return
  }
  func.func @transform_0(%arg0: i32) -> (i32, i32) {
    %c0_i32 = arith.constant 0 : i32
    %c0_i32_0 = arith.constant 0 : i32
    return %arg0, %c0_i32 : i32, i32
  }
  func.func @transform_1(%arg0: i32) -> (i32, i32) {
    %c0_i32 = arith.constant 0 : i32
    %c0_i32_0 = arith.constant 0 : i32
    %c0_i32_1 = arith.constant 0 : i32
    return %c0_i32, %c0_i32_0 : i32, i32
  }
  func.func @transform_2(%arg0: i32) -> (i32, i32) {
    %c0_i32 = arith.constant 0 : i32
    %c0_i32_0 = arith.constant 0 : i32
    %c0_i32_1 = arith.constant 0 : i32
    return %c0_i32, %c0_i32_0 : i32, i32
  }
  func.func @transform_3(%arg0: i32) -> (i32, i32) {
    %c0_i32 = arith.constant 0 : i32
    %c0_i32_0 = arith.constant 0 : i32
    return %arg0, %c0_i32 : i32, i32
  }
}

module attributes {stable_mosaic.version = 14 : i64} {
  func.func @_edgek_body(%arg0: i32, %arg1: memref<6144x128xf32, #tpu.memory_space<vmem>>, %arg2: memref<512x128xf32, #tpu.memory_space<vmem>>, %arg3: memref<256x256xf32, #tpu.memory_space<vmem>>, %arg4: memref<1x256xf32, #tpu.memory_space<vmem>>, %arg5: memref<256x256xf32, #tpu.memory_space<vmem>>, %arg6: memref<1x256xf32, #tpu.memory_space<vmem>>, %arg7: memref<512x256xf32, #tpu.memory_space<vmem>>) attributes {dimension_semantics = [#tpu.dimension_semantics<arbitrary>], iteration_bounds = array<i64: 16>, scalar_prefetch = 0 : i64, scratch_operands = 0 : i64, tpu.core_type = #tpu.core_type<tc>, window_params = [{transform_indices = @transform_0, window_bounds = array<i64: 6144, 128>}, {transform_indices = @transform_1, window_bounds = array<i64: 512, 128>}, {pipeline_mode = #tpu.pipeline_mode<synchronous>, transform_indices = @transform_2, window_bounds = array<i64: 256, 256>}, {pipeline_mode = #tpu.pipeline_mode<synchronous>, transform_indices = @transform_3, window_bounds = array<i64: 1, 256>}, {pipeline_mode = #tpu.pipeline_mode<synchronous>, transform_indices = @transform_4, window_bounds = array<i64: 256, 256>}, {pipeline_mode = #tpu.pipeline_mode<synchronous>, transform_indices = @transform_5, window_bounds = array<i64: 1, 256>}, {transform_indices = @transform_6, window_bounds = array<i64: 512, 256>}]} {
    %get3A = arith.constant 0 : index
    %get3A_0 = arith.constant 0 : index
    %get3A_1 = vector.load %arg2[%get3A, %get3A_0] : memref<512x128xf32, #tpu.memory_space<vmem>>, vector<512x128xf32>
    %get3A_2 = arith.constant 0 : index
    %get3A_3 = arith.constant 0 : index
    %get3A_4 = vector.load %arg1[%get3A_2, %get3A_3] : memref<6144x128xf32, #tpu.memory_space<vmem>>, vector<6144x128xf32>
    %reshape3A = vector.shape_cast %get3A_4 : vector<6144x128xf32> to vector<512x12x128xf32>
    %reshape3A_5 = vector.shape_cast %get3A_1 : vector<512x128xf32> to vector<512x1x128xf32>
    %sub3A = vector.broadcast %reshape3A_5 : vector<512x1x128xf32> to vector<512x12x128xf32>
    %sub3A_6 = arith.subf %reshape3A, %sub3A : vector<512x12x128xf32>
    %reshape3A_7 = vector.shape_cast %sub3A_6 : vector<512x12x128xf32> to vector<6144x128xf32>
    %broadcast_in_dim3A = vector.shape_cast %reshape3A_5 : vector<512x1x128xf32> to vector<512x1x128xf32>
    %broadcast_in_dim3A_8 = vector.broadcast %broadcast_in_dim3A : vector<512x1x128xf32> to vector<512x12x128xf32>
    %reshape3A_9 = vector.shape_cast %broadcast_in_dim3A_8 : vector<512x12x128xf32> to vector<6144x128xf32>
    %concatenate3A = tpu.concatenate %reshape3A_7, %reshape3A_9 in 1 : vector<6144x128xf32>, vector<6144x128xf32> -> vector<6144x256xf32>
    %get3A_10 = arith.constant 0 : index
    %get3A_11 = arith.constant 0 : index
    %get3A_12 = vector.load %arg3[%get3A_10, %get3A_11] : memref<256x256xf32, #tpu.memory_space<vmem>>, vector<256x256xf32>
    %dot_general3A = arith.constant dense<0.000000e+00> : vector<6144x256xf32>
    %dot_general3A_13 = tpu.matmul %concatenate3A, %get3A_12, %dot_general3A {dimension_numbers = #tpu.dot_dimension_numbers<[1], [0], [0], [1], [0, 0, 1, 1], [], []>, transpose_lhs_hint = false} : vector<6144x256xf32>, vector<256x256xf32>, vector<6144x256xf32> -> vector<6144x256xf32>
    %get3A_14 = arith.constant 0 : index
    %get3A_15 = arith.constant 0 : index
    %get3A_16 = vector.load %arg4[%get3A_14, %get3A_15] : memref<1x256xf32, #tpu.memory_space<vmem>>, vector<1x256xf32>
    %add3A = vector.broadcast %get3A_16 : vector<1x256xf32> to vector<6144x256xf32>
    %add3A_17 = arith.addf %dot_general3A_13, %add3A : vector<6144x256xf32>
    %max3A = arith.constant 0.000000e+00 : f32
    %max3A_18 = vector.broadcast %max3A : f32 to vector<6144x256xf32>
    %max3A_19 = arith.maximumf %add3A_17, %max3A_18 : vector<6144x256xf32>
    %get3A_20 = arith.constant 0 : index
    %get3A_21 = arith.constant 0 : index
    %get3A_22 = vector.load %arg5[%get3A_20, %get3A_21] : memref<256x256xf32, #tpu.memory_space<vmem>>, vector<256x256xf32>
    %dot_general3A_23 = arith.constant dense<0.000000e+00> : vector<6144x256xf32>
    %dot_general3A_24 = tpu.matmul %max3A_19, %get3A_22, %dot_general3A_23 {dimension_numbers = #tpu.dot_dimension_numbers<[1], [0], [0], [1], [0, 0, 1, 1], [], []>, transpose_lhs_hint = false} : vector<6144x256xf32>, vector<256x256xf32>, vector<6144x256xf32> -> vector<6144x256xf32>
    %get3A_25 = arith.constant 0 : index
    %get3A_26 = arith.constant 0 : index
    %get3A_27 = vector.load %arg6[%get3A_25, %get3A_26] : memref<1x256xf32, #tpu.memory_space<vmem>>, vector<1x256xf32>
    %add3A_28 = vector.broadcast %get3A_27 : vector<1x256xf32> to vector<6144x256xf32>
    %add3A_29 = arith.addf %dot_general3A_24, %add3A_28 : vector<6144x256xf32>
    %max3A_30 = arith.constant 0.000000e+00 : f32
    %max3A_31 = vector.broadcast %max3A_30 : f32 to vector<6144x256xf32>
    %max3A_32 = arith.maximumf %add3A_29, %max3A_31 : vector<6144x256xf32>
    %reshape3A_33 = vector.shape_cast %max3A_32 : vector<6144x256xf32> to vector<512x12x256xf32>
    %reduce_max3A = arith.constant dense<0xFF800000> : vector<512x256xf32>
    %reduce_max3A_34 = vector.multi_reduction <maximumf>, %reshape3A_33, %reduce_max3A [1] : vector<512x12x256xf32> to vector<512x256xf32>
    %swap3A = arith.constant 0 : index
    %swap3A_35 = arith.constant 0 : index
    %swap3A_36 = vector.load %arg7[%swap3A, %swap3A_35] : memref<512x256xf32, #tpu.memory_space<vmem>>, vector<512x256xf32>
    tpu.vector_store %arg7[%swap3A, %swap3A_35], %reduce_max3A_34 {strides = array<i32>} : memref<512x256xf32, #tpu.memory_space<vmem>>, vector<512x256xf32>,
    return
  }
  func.func @transform_0(%arg0: i32) -> (i32, i32) {
    %c0_i32 = arith.constant 0 : i32
    %c0_i32_0 = arith.constant 0 : i32
    return %arg0, %c0_i32 : i32, i32
  }
  func.func @transform_1(%arg0: i32) -> (i32, i32) {
    %c0_i32 = arith.constant 0 : i32
    %c0_i32_0 = arith.constant 0 : i32
    return %arg0, %c0_i32 : i32, i32
  }
  func.func @transform_2(%arg0: i32) -> (i32, i32) {
    %c0_i32 = arith.constant 0 : i32
    %c0_i32_0 = arith.constant 0 : i32
    %c0_i32_1 = arith.constant 0 : i32
    return %c0_i32, %c0_i32_0 : i32, i32
  }
  func.func @transform_3(%arg0: i32) -> (i32, i32) {
    %c0_i32 = arith.constant 0 : i32
    %c0_i32_0 = arith.constant 0 : i32
    %c0_i32_1 = arith.constant 0 : i32
    return %c0_i32, %c0_i32_0 : i32, i32
  }
  func.func @transform_4(%arg0: i32) -> (i32, i32) {
    %c0_i32 = arith.constant 0 : i32
    %c0_i32_0 = arith.constant 0 : i32
    %c0_i32_1 = arith.constant 0 : i32
    return %c0_i32, %c0_i32_0 : i32, i32
  }
  func.func @transform_5(%arg0: i32) -> (i32, i32) {
    %c0_i32 = arith.constant 0 : i32
    %c0_i32_0 = arith.constant 0 : i32
    %c0_i32_1 = arith.constant 0 : i32
    return %c0_i32, %c0_i32_0 : i32, i32
  }
  func.func @transform_6(%arg0: i32) -> (i32, i32) {
    %c0_i32 = arith.constant 0 : i32
    %c0_i32_0 = arith.constant 0 : i32
    return %arg0, %c0_i32 : i32, i32
  }
}

module attributes {stable_mosaic.version = 14 : i64} {
  func.func @_edgek_body(%arg0: i32, %arg1: memref<2048x128xf32, #tpu.memory_space<vmem>>, %arg2: memref<512x128xf32, #tpu.memory_space<vmem>>, %arg3: memref<256x256xf32, #tpu.memory_space<vmem>>, %arg4: memref<1x256xf32, #tpu.memory_space<vmem>>, %arg5: memref<256x256xf32, #tpu.memory_space<vmem>>, %arg6: memref<1x256xf32, #tpu.memory_space<vmem>>, %arg7: memref<512x256xf32, #tpu.memory_space<vmem>>) attributes {dimension_semantics = [#tpu.dimension_semantics<arbitrary>], iteration_bounds = array<i64: 16>, scalar_prefetch = 0 : i64, scratch_operands = 0 : i64, tpu.core_type = #tpu.core_type<tc>, window_params = [{transform_indices = @transform_0, window_bounds = array<i64: 2048, 128>}, {transform_indices = @transform_1, window_bounds = array<i64: 512, 128>}, {pipeline_mode = #tpu.pipeline_mode<synchronous>, transform_indices = @transform_2, window_bounds = array<i64: 256, 256>}, {pipeline_mode = #tpu.pipeline_mode<synchronous>, transform_indices = @transform_3, window_bounds = array<i64: 1, 256>}, {pipeline_mode = #tpu.pipeline_mode<synchronous>, transform_indices = @transform_4, window_bounds = array<i64: 256, 256>}, {pipeline_mode = #tpu.pipeline_mode<synchronous>, transform_indices = @transform_5, window_bounds = array<i64: 1, 256>}, {transform_indices = @transform_6, window_bounds = array<i64: 512, 256>}]} {
    %get3A = arith.constant 0 : index
    %get3A_0 = arith.constant 0 : index
    %get3A_1 = vector.load %arg2[%get3A, %get3A_0] : memref<512x128xf32, #tpu.memory_space<vmem>>, vector<512x128xf32>
    %get3A_2 = arith.constant 0 : index
    %get3A_3 = arith.constant 0 : index
    %get3A_4 = vector.load %arg1[%get3A_2, %get3A_3] : memref<2048x128xf32, #tpu.memory_space<vmem>>, vector<2048x128xf32>
    %reshape3A = vector.shape_cast %get3A_4 : vector<2048x128xf32> to vector<512x4x128xf32>
    %reshape3A_5 = vector.shape_cast %get3A_1 : vector<512x128xf32> to vector<512x1x128xf32>
    %sub3A = vector.broadcast %reshape3A_5 : vector<512x1x128xf32> to vector<512x4x128xf32>
    %sub3A_6 = arith.subf %reshape3A, %sub3A : vector<512x4x128xf32>
    %reshape3A_7 = vector.shape_cast %sub3A_6 : vector<512x4x128xf32> to vector<2048x128xf32>
    %broadcast_in_dim3A = vector.shape_cast %reshape3A_5 : vector<512x1x128xf32> to vector<512x1x128xf32>
    %broadcast_in_dim3A_8 = vector.broadcast %broadcast_in_dim3A : vector<512x1x128xf32> to vector<512x4x128xf32>
    %reshape3A_9 = vector.shape_cast %broadcast_in_dim3A_8 : vector<512x4x128xf32> to vector<2048x128xf32>
    %concatenate3A = tpu.concatenate %reshape3A_7, %reshape3A_9 in 1 : vector<2048x128xf32>, vector<2048x128xf32> -> vector<2048x256xf32>
    %get3A_10 = arith.constant 0 : index
    %get3A_11 = arith.constant 0 : index
    %get3A_12 = vector.load %arg3[%get3A_10, %get3A_11] : memref<256x256xf32, #tpu.memory_space<vmem>>, vector<256x256xf32>
    %dot_general3A = arith.constant dense<0.000000e+00> : vector<2048x256xf32>
    %dot_general3A_13 = tpu.matmul %concatenate3A, %get3A_12, %dot_general3A {dimension_numbers = #tpu.dot_dimension_numbers<[1], [0], [0], [1], [0, 0, 1, 1], [], []>, transpose_lhs_hint = false} : vector<2048x256xf32>, vector<256x256xf32>, vector<2048x256xf32> -> vector<2048x256xf32>
    %get3A_14 = arith.constant 0 : index
    %get3A_15 = arith.constant 0 : index
    %get3A_16 = vector.load %arg4[%get3A_14, %get3A_15] : memref<1x256xf32, #tpu.memory_space<vmem>>, vector<1x256xf32>
    %add3A = vector.broadcast %get3A_16 : vector<1x256xf32> to vector<2048x256xf32>
    %add3A_17 = arith.addf %dot_general3A_13, %add3A : vector<2048x256xf32>
    %max3A = arith.constant 0.000000e+00 : f32
    %max3A_18 = vector.broadcast %max3A : f32 to vector<2048x256xf32>
    %max3A_19 = arith.maximumf %add3A_17, %max3A_18 : vector<2048x256xf32>
    %get3A_20 = arith.constant 0 : index
    %get3A_21 = arith.constant 0 : index
    %get3A_22 = vector.load %arg5[%get3A_20, %get3A_21] : memref<256x256xf32, #tpu.memory_space<vmem>>, vector<256x256xf32>
    %dot_general3A_23 = arith.constant dense<0.000000e+00> : vector<2048x256xf32>
    %dot_general3A_24 = tpu.matmul %max3A_19, %get3A_22, %dot_general3A_23 {dimension_numbers = #tpu.dot_dimension_numbers<[1], [0], [0], [1], [0, 0, 1, 1], [], []>, transpose_lhs_hint = false} : vector<2048x256xf32>, vector<256x256xf32>, vector<2048x256xf32> -> vector<2048x256xf32>
    %get3A_25 = arith.constant 0 : index
    %get3A_26 = arith.constant 0 : index
    %get3A_27 = vector.load %arg6[%get3A_25, %get3A_26] : memref<1x256xf32, #tpu.memory_space<vmem>>, vector<1x256xf32>
    %add3A_28 = vector.broadcast %get3A_27 : vector<1x256xf32> to vector<2048x256xf32>
    %add3A_29 = arith.addf %dot_general3A_24, %add3A_28 : vector<2048x256xf32>
    %max3A_30 = arith.constant 0.000000e+00 : f32
    %max3A_31 = vector.broadcast %max3A_30 : f32 to vector<2048x256xf32>
    %max3A_32 = arith.maximumf %add3A_29, %max3A_31 : vector<2048x256xf32>
    %reshape3A_33 = vector.shape_cast %max3A_32 : vector<2048x256xf32> to vector<512x4x256xf32>
    %reduce_max3A = arith.constant dense<0xFF800000> : vector<512x256xf32>
    %reduce_max3A_34 = vector.multi_reduction <maximumf>, %reshape3A_33, %reduce_max3A [1] : vector<512x4x256xf32> to vector<512x256xf32>
    %swap3A = arith.constant 0 : index
    %swap3A_35 = arith.constant 0 : index
    %swap3A_36 = vector.load %arg7[%swap3A, %swap3A_35] : memref<512x256xf32, #tpu.memory_space<vmem>>, vector<512x256xf32>
    tpu.vector_store %arg7[%swap3A, %swap3A_35], %reduce_max3A_34 {strides = array<i32>} : memref<512x256xf32, #tpu.memory_space<vmem>>, vector<512x256xf32>,
    return
  }
  func.func @transform_0(%arg0: i32) -> (i32, i32) {
    %c0_i32 = arith.constant 0 : i32
    %c0_i32_0 = arith.constant 0 : i32
    return %arg0, %c0_i32 : i32, i32
  }
  func.func @transform_1(%arg0: i32) -> (i32, i32) {
    %c0_i32 = arith.constant 0 : i32
    %c0_i32_0 = arith.constant 0 : i32
    return %arg0, %c0_i32 : i32, i32
  }
  func.func @transform_2(%arg0: i32) -> (i32, i32) {
    %c0_i32 = arith.constant 0 : i32
    %c0_i32_0 = arith.constant 0 : i32
    %c0_i32_1 = arith.constant 0 : i32
    return %c0_i32, %c0_i32_0 : i32, i32
  }
  func.func @transform_3(%arg0: i32) -> (i32, i32) {
    %c0_i32 = arith.constant 0 : i32
    %c0_i32_0 = arith.constant 0 : i32
    %c0_i32_1 = arith.constant 0 : i32
    return %c0_i32, %c0_i32_0 : i32, i32
  }
  func.func @transform_4(%arg0: i32) -> (i32, i32) {
    %c0_i32 = arith.constant 0 : i32
    %c0_i32_0 = arith.constant 0 : i32
    %c0_i32_1 = arith.constant 0 : i32
    return %c0_i32, %c0_i32_0 : i32, i32
  }
  func.func @transform_5(%arg0: i32) -> (i32, i32) {
    %c0_i32 = arith.constant 0 : i32
    %c0_i32_0 = arith.constant 0 : i32
    %c0_i32_1 = arith.constant 0 : i32
    return %c0_i32, %c0_i32_0 : i32, i32
  }
  func.func @transform_6(%arg0: i32) -> (i32, i32) {
    %c0_i32 = arith.constant 0 : i32
    %c0_i32_0 = arith.constant 0 : i32
    return %arg0, %c0_i32 : i32, i32
  }
}

module attributes {stable_mosaic.version = 14 : i64} {
  func.func @_mlp3_body(%arg0: i32, %arg1: memref<1024x256xf32, #tpu.memory_space<vmem>>, %arg2: memref<256x12xf32, #tpu.memory_space<vmem>>, %arg3: memref<1x12xf32, #tpu.memory_space<vmem>>, %arg4: memref<12x24xf32, #tpu.memory_space<vmem>>, %arg5: memref<1x24xf32, #tpu.memory_space<vmem>>, %arg6: memref<24x24xf32, #tpu.memory_space<vmem>>, %arg7: memref<1x24xf32, #tpu.memory_space<vmem>>, %arg8: memref<1024x24xf32, #tpu.memory_space<vmem>>) attributes {dimension_semantics = [#tpu.dimension_semantics<arbitrary>], iteration_bounds = array<i64: 8>, scalar_prefetch = 0 : i64, scratch_operands = 0 : i64, tpu.core_type = #tpu.core_type<tc>, window_params = [{transform_indices = @transform_0, window_bounds = array<i64: 1024, 256>}, {pipeline_mode = #tpu.pipeline_mode<synchronous>, transform_indices = @transform_1, window_bounds = array<i64: 256, 12>}, {pipeline_mode = #tpu.pipeline_mode<synchronous>, transform_indices = @transform_2, window_bounds = array<i64: 1, 12>}, {pipeline_mode = #tpu.pipeline_mode<synchronous>, transform_indices = @transform_3, window_bounds = array<i64: 12, 24>}, {pipeline_mode = #tpu.pipeline_mode<synchronous>, transform_indices = @transform_4, window_bounds = array<i64: 1, 24>}, {pipeline_mode = #tpu.pipeline_mode<synchronous>, transform_indices = @transform_5, window_bounds = array<i64: 24, 24>}, {pipeline_mode = #tpu.pipeline_mode<synchronous>, transform_indices = @transform_6, window_bounds = array<i64: 1, 24>}, {transform_indices = @transform_7, window_bounds = array<i64: 1024, 24>}]} {
    %get3A = arith.constant 0 : index
    %get3A_0 = arith.constant 0 : index
    %get3A_1 = vector.load %arg1[%get3A, %get3A_0] : memref<1024x256xf32, #tpu.memory_space<vmem>>, vector<1024x256xf32>
    %get3A_2 = arith.constant 0 : index
    %get3A_3 = arith.constant 0 : index
    %get3A_4 = vector.load %arg2[%get3A_2, %get3A_3] : memref<256x12xf32, #tpu.memory_space<vmem>>, vector<256x12xf32>
    %dot_general3A = arith.constant dense<0.000000e+00> : vector<1024x12xf32>
    %dot_general3A_5 = tpu.matmul %get3A_1, %get3A_4, %dot_general3A {dimension_numbers = #tpu.dot_dimension_numbers<[1], [0], [0], [1], [0, 0, 1, 1], [], []>, transpose_lhs_hint = false} : vector<1024x256xf32>, vector<256x12xf32>, vector<1024x12xf32> -> vector<1024x12xf32>
    %get3A_6 = arith.constant 0 : index
    %get3A_7 = arith.constant 0 : index
    %get3A_8 = vector.load %arg3[%get3A_6, %get3A_7] : memref<1x12xf32, #tpu.memory_space<vmem>>, vector<1x12xf32>
    %add3A = vector.broadcast %get3A_8 : vector<1x12xf32> to vector<1024x12xf32>
    %add3A_9 = arith.addf %dot_general3A_5, %add3A : vector<1024x12xf32>
    %max3A = arith.constant 0.000000e+00 : f32
    %max3A_10 = vector.broadcast %max3A : f32 to vector<1024x12xf32>
    %max3A_11 = arith.maximumf %add3A_9, %max3A_10 : vector<1024x12xf32>
    %get3A_12 = arith.constant 0 : index
    %get3A_13 = arith.constant 0 : index
    %get3A_14 = vector.load %arg4[%get3A_12, %get3A_13] : memref<12x24xf32, #tpu.memory_space<vmem>>, vector<12x24xf32>
    %dot_general3A_15 = arith.constant dense<0.000000e+00> : vector<1024x24xf32>
    %dot_general3A_16 = tpu.matmul %max3A_11, %get3A_14, %dot_general3A_15 {dimension_numbers = #tpu.dot_dimension_numbers<[1], [0], [0], [1], [0, 0, 1, 1], [], []>, transpose_lhs_hint = false} : vector<1024x12xf32>, vector<12x24xf32>, vector<1024x24xf32> -> vector<1024x24xf32>
    %get3A_17 = arith.constant 0 : index
    %get3A_18 = arith.constant 0 : index
    %get3A_19 = vector.load %arg5[%get3A_17, %get3A_18] : memref<1x24xf32, #tpu.memory_space<vmem>>, vector<1x24xf32>
    %add3A_20 = vector.broadcast %get3A_19 : vector<1x24xf32> to vector<1024x24xf32>
    %add3A_21 = arith.addf %dot_general3A_16, %add3A_20 : vector<1024x24xf32>
    %max3A_22 = arith.constant 0.000000e+00 : f32
    %max3A_23 = vector.broadcast %max3A_22 : f32 to vector<1024x24xf32>
    %max3A_24 = arith.maximumf %add3A_21, %max3A_23 : vector<1024x24xf32>
    %get3A_25 = arith.constant 0 : index
    %get3A_26 = arith.constant 0 : index
    %get3A_27 = vector.load %arg6[%get3A_25, %get3A_26] : memref<24x24xf32, #tpu.memory_space<vmem>>, vector<24x24xf32>
    %dot_general3A_28 = arith.constant dense<0.000000e+00> : vector<1024x24xf32>
    %dot_general3A_29 = tpu.matmul %max3A_24, %get3A_27, %dot_general3A_28 {dimension_numbers = #tpu.dot_dimension_numbers<[1], [0], [0], [1], [0, 0, 1, 1], [], []>, transpose_lhs_hint = false} : vector<1024x24xf32>, vector<24x24xf32>, vector<1024x24xf32> -> vector<1024x24xf32>
    %get3A_30 = arith.constant 0 : index
    %get3A_31 = arith.constant 0 : index
    %get3A_32 = vector.load %arg7[%get3A_30, %get3A_31] : memref<1x24xf32, #tpu.memory_space<vmem>>, vector<1x24xf32>
    %add3A_33 = vector.broadcast %get3A_32 : vector<1x24xf32> to vector<1024x24xf32>
    %add3A_34 = arith.addf %dot_general3A_29, %add3A_33 : vector<1024x24xf32>
    %swap3A = arith.constant 0 : index
    %swap3A_35 = arith.constant 0 : index
    %swap3A_36 = vector.load %arg8[%swap3A, %swap3A_35] : memref<1024x24xf32, #tpu.memory_space<vmem>>, vector<1024x24xf32>
    tpu.vector_store %arg8[%swap3A, %swap3A_35], %add3A_34 {strides = array<i32>} : memref<1024x24xf32, #tpu.memory_space<vmem>>, vector<1024x24xf32>,
    return
  }
  func.func @transform_0(%arg0: i32) -> (i32, i32) {
    %c0_i32 = arith.constant 0 : i32
    %c0_i32_0 = arith.constant 0 : i32
    return %arg0, %c0_i32 : i32, i32
  }
  func.func @transform_1(%arg0: i32) -> (i32, i32) {
    %c0_i32 = arith.constant 0 : i32
    %c0_i32_0 = arith.constant 0 : i32
    %c0_i32_1 = arith.constant 0 : i32
    return %c0_i32, %c0_i32_0 : i32, i32
  }
  func.func @transform_2(%arg0: i32) -> (i32, i32) {
    %c0_i32 = arith.constant 0 : i32
    %c0_i32_0 = arith.constant 0 : i32
    %c0_i32_1 = arith.constant 0 : i32
    return %c0_i32, %c0_i32_0 : i32, i32
  }
  func.func @transform_3(%arg0: i32) -> (i32, i32) {
    %c0_i32 = arith.constant 0 : i32
    %c0_i32_0 = arith.constant 0 : i32
    %c0_i32_1 = arith.constant 0 : i32
    return %c0_i32, %c0_i32_0 : i32, i32
  }
  func.func @transform_4(%arg0: i32) -> (i32, i32) {
    %c0_i32 = arith.constant 0 : i32
    %c0_i32_0 = arith.constant 0 : i32
    %c0_i32_1 = arith.constant 0 : i32
    return %c0_i32, %c0_i32_0 : i32, i32
  }
  func.func @transform_5(%arg0: i32) -> (i32, i32) {
    %c0_i32 = arith.constant 0 : i32
    %c0_i32_0 = arith.constant 0 : i32
    %c0_i32_1 = arith.constant 0 : i32
    return %c0_i32, %c0_i32_0 : i32, i32
  }
  func.func @transform_6(%arg0: i32) -> (i32, i32) {
    %c0_i32 = arith.constant 0 : i32
    %c0_i32_0 = arith.constant 0 : i32
    %c0_i32_1 = arith.constant 0 : i32
    return %c0_i32, %c0_i32_0 : i32, i32
  }
  func.func @transform_7(%arg0: i32) -> (i32, i32) {
    %c0_i32 = arith.constant 0 : i32
    %c0_i32_0 = arith.constant 0 : i32
    return %arg0, %c0_i32 : i32, i32
  }
}

module attributes {stable_mosaic.version = 14 : i64} {
  func.func @_lambda_(%arg0: i32, %arg1: memref<4096x128xf32, #tpu.memory_space<vmem>>, %arg2: memref<512x128xf32, #tpu.memory_space<vmem>>, %arg3: memref<256x256xf32, #tpu.memory_space<vmem>>, %arg4: memref<1x256xf32, #tpu.memory_space<vmem>>, %arg5: memref<512x256xf32, #tpu.memory_space<vmem>>) attributes {dimension_semantics = [#tpu.dimension_semantics<arbitrary>], iteration_bounds = array<i64: 16>, scalar_prefetch = 0 : i64, scratch_operands = 0 : i64, tpu.core_type = #tpu.core_type<tc>, window_params = [{transform_indices = @transform_0, window_bounds = array<i64: 4096, 128>}, {transform_indices = @transform_1, window_bounds = array<i64: 512, 128>}, {pipeline_mode = #tpu.pipeline_mode<synchronous>, transform_indices = @transform_2, window_bounds = array<i64: 256, 256>}, {pipeline_mode = #tpu.pipeline_mode<synchronous>, transform_indices = @transform_3, window_bounds = array<i64: 1, 256>}, {transform_indices = @transform_4, window_bounds = array<i64: 512, 256>}]} {
    %get3A = arith.constant 0 : index
    %get3A_0 = arith.constant 0 : index
    %get3A_1 = vector.load %arg2[%get3A, %get3A_0] : memref<512x128xf32, #tpu.memory_space<vmem>>, vector<512x128xf32>
    %get3A_2 = arith.constant 0 : index
    %get3A_3 = arith.constant 0 : index
    %get3A_4 = vector.load %arg1[%get3A_2, %get3A_3] : memref<4096x128xf32, #tpu.memory_space<vmem>>, vector<4096x128xf32>
    %reshape3A = vector.shape_cast %get3A_4 : vector<4096x128xf32> to vector<512x8x128xf32>
    %reshape3A_5 = vector.shape_cast %get3A_1 : vector<512x128xf32> to vector<512x1x128xf32>
    %sub3A = vector.broadcast %reshape3A_5 : vector<512x1x128xf32> to vector<512x8x128xf32>
    %sub3A_6 = arith.subf %reshape3A, %sub3A : vector<512x8x128xf32>
    %reshape3A_7 = vector.shape_cast %sub3A_6 : vector<512x8x128xf32> to vector<4096x128xf32>
    %broadcast_in_dim3A = vector.shape_cast %reshape3A_5 : vector<512x1x128xf32> to vector<512x1x128xf32>
    %broadcast_in_dim3A_8 = vector.broadcast %broadcast_in_dim3A : vector<512x1x128xf32> to vector<512x8x128xf32>
    %reshape3A_9 = vector.shape_cast %broadcast_in_dim3A_8 : vector<512x8x128xf32> to vector<4096x128xf32>
    %concatenate3A = tpu.concatenate %reshape3A_7, %reshape3A_9 in 1 : vector<4096x128xf32>, vector<4096x128xf32> -> vector<4096x256xf32>
    %get3A_10 = arith.constant 0 : index
    %get3A_11 = arith.constant 0 : index
    %get3A_12 = vector.load %arg3[%get3A_10, %get3A_11] : memref<256x256xf32, #tpu.memory_space<vmem>>, vector<256x256xf32>
    %dot_general3A = arith.constant dense<0.000000e+00> : vector<4096x256xf32>
    %dot_general3A_13 = tpu.matmul %concatenate3A, %get3A_12, %dot_general3A {dimension_numbers = #tpu.dot_dimension_numbers<[1], [0], [0], [1], [0, 0, 1, 1], [], []>, transpose_lhs_hint = false} : vector<4096x256xf32>, vector<256x256xf32>, vector<4096x256xf32> -> vector<4096x256xf32>
    %get3A_14 = arith.constant 0 : index
    %get3A_15 = arith.constant 0 : index
    %get3A_16 = vector.load %arg4[%get3A_14, %get3A_15] : memref<1x256xf32, #tpu.memory_space<vmem>>, vector<1x256xf32>
    %add3A = vector.broadcast %get3A_16 : vector<1x256xf32> to vector<4096x256xf32>
    %add3A_17 = arith.addf %dot_general3A_13, %add3A : vector<4096x256xf32>
    %max3A = arith.constant 0.000000e+00 : f32
    %max3A_18 = vector.broadcast %max3A : f32 to vector<4096x256xf32>
    %max3A_19 = arith.maximumf %add3A_17, %max3A_18 : vector<4096x256xf32>
    %reshape3A_20 = vector.shape_cast %max3A_19 : vector<4096x256xf32> to vector<512x8x256xf32>
    %reduce_sum3A = arith.constant dense<0.000000e+00> : vector<512x256xf32>
    %reduce_sum3A_21 = vector.multi_reduction <add>, %reshape3A_20, %reduce_sum3A [1] : vector<512x8x256xf32> to vector<512x256xf32>
    %swap3A = arith.constant 0 : index
    %swap3A_22 = arith.constant 0 : index
    %swap3A_23 = vector.load %arg5[%swap3A, %swap3A_22] : memref<512x256xf32, #tpu.memory_space<vmem>>, vector<512x256xf32>
    tpu.vector_store %arg5[%swap3A, %swap3A_22], %reduce_sum3A_21 {strides = array<i32>} : memref<512x256xf32, #tpu.memory_space<vmem>>, vector<512x256xf32>,
    return
  }
  func.func @transform_0(%arg0: i32) -> (i32, i32) {
    %c0_i32 = arith.constant 0 : i32
    %c0_i32_0 = arith.constant 0 : i32
    return %arg0, %c0_i32 : i32, i32
  }
  func.func @transform_1(%arg0: i32) -> (i32, i32) {
    %c0_i32 = arith.constant 0 : i32
    %c0_i32_0 = arith.constant 0 : i32
    return %arg0, %c0_i32 : i32, i32
  }
  func.func @transform_2(%arg0: i32) -> (i32, i32) {
    %c0_i32 = arith.constant 0 : i32
    %c0_i32_0 = arith.constant 0 : i32
    %c0_i32_1 = arith.constant 0 : i32
    return %c0_i32, %c0_i32_0 : i32, i32
  }
  func.func @transform_3(%arg0: i32) -> (i32, i32) {
    %c0_i32 = arith.constant 0 : i32
    %c0_i32_0 = arith.constant 0 : i32
    %c0_i32_1 = arith.constant 0 : i32
    return %c0_i32, %c0_i32_0 : i32, i32
  }
  func.func @transform_4(%arg0: i32) -> (i32, i32) {
    %c0_i32 = arith.constant 0 : i32
    %c0_i32_0 = arith.constant 0 : i32
    return %arg0, %c0_i32 : i32, i32
  }
}

module attributes {stable_mosaic.version = 14 : i64} {
  func.func @_mlp3_body(%arg0: i32, %arg1: memref<1024x256xf32, #tpu.memory_space<vmem>>, %arg2: memref<256x128xf32, #tpu.memory_space<vmem>>, %arg3: memref<1x128xf32, #tpu.memory_space<vmem>>, %arg4: memref<128x64xf32, #tpu.memory_space<vmem>>, %arg5: memref<1x64xf32, #tpu.memory_space<vmem>>, %arg6: memref<64x1xf32, #tpu.memory_space<vmem>>, %arg7: memref<1x1xf32, #tpu.memory_space<vmem>>, %arg8: memref<1024x1xf32, #tpu.memory_space<vmem>>) attributes {dimension_semantics = [#tpu.dimension_semantics<arbitrary>], iteration_bounds = array<i64: 8>, scalar_prefetch = 0 : i64, scratch_operands = 0 : i64, tpu.core_type = #tpu.core_type<tc>, window_params = [{transform_indices = @transform_0, window_bounds = array<i64: 1024, 256>}, {pipeline_mode = #tpu.pipeline_mode<synchronous>, transform_indices = @transform_1, window_bounds = array<i64: 256, 128>}, {pipeline_mode = #tpu.pipeline_mode<synchronous>, transform_indices = @transform_2, window_bounds = array<i64: 1, 128>}, {pipeline_mode = #tpu.pipeline_mode<synchronous>, transform_indices = @transform_3, window_bounds = array<i64: 128, 64>}, {pipeline_mode = #tpu.pipeline_mode<synchronous>, transform_indices = @transform_4, window_bounds = array<i64: 1, 64>}, {pipeline_mode = #tpu.pipeline_mode<synchronous>, transform_indices = @transform_5, window_bounds = array<i64: 64, 1>}, {pipeline_mode = #tpu.pipeline_mode<synchronous>, transform_indices = @transform_6, window_bounds = array<i64: 1, 1>}, {transform_indices = @transform_7, window_bounds = array<i64: 1024, 1>}]} {
    %get3A = arith.constant 0 : index
    %get3A_0 = arith.constant 0 : index
    %get3A_1 = vector.load %arg1[%get3A, %get3A_0] : memref<1024x256xf32, #tpu.memory_space<vmem>>, vector<1024x256xf32>
    %get3A_2 = arith.constant 0 : index
    %get3A_3 = arith.constant 0 : index
    %get3A_4 = vector.load %arg2[%get3A_2, %get3A_3] : memref<256x128xf32, #tpu.memory_space<vmem>>, vector<256x128xf32>
    %dot_general3A = arith.constant dense<0.000000e+00> : vector<1024x128xf32>
    %dot_general3A_5 = tpu.matmul %get3A_1, %get3A_4, %dot_general3A {dimension_numbers = #tpu.dot_dimension_numbers<[1], [0], [0], [1], [0, 0, 1, 1], [], []>, transpose_lhs_hint = false} : vector<1024x256xf32>, vector<256x128xf32>, vector<1024x128xf32> -> vector<1024x128xf32>
    %get3A_6 = arith.constant 0 : index
    %get3A_7 = arith.constant 0 : index
    %get3A_8 = vector.load %arg3[%get3A_6, %get3A_7] : memref<1x128xf32, #tpu.memory_space<vmem>>, vector<1x128xf32>
    %add3A = vector.broadcast %get3A_8 : vector<1x128xf32> to vector<1024x128xf32>
    %add3A_9 = arith.addf %dot_general3A_5, %add3A : vector<1024x128xf32>
    %max3A = arith.constant 0.000000e+00 : f32
    %max3A_10 = vector.broadcast %max3A : f32 to vector<1024x128xf32>
    %max3A_11 = arith.maximumf %add3A_9, %max3A_10 : vector<1024x128xf32>
    %get3A_12 = arith.constant 0 : index
    %get3A_13 = arith.constant 0 : index
    %get3A_14 = vector.load %arg4[%get3A_12, %get3A_13] : memref<128x64xf32, #tpu.memory_space<vmem>>, vector<128x64xf32>
    %dot_general3A_15 = arith.constant dense<0.000000e+00> : vector<1024x64xf32>
    %dot_general3A_16 = tpu.matmul %max3A_11, %get3A_14, %dot_general3A_15 {dimension_numbers = #tpu.dot_dimension_numbers<[1], [0], [0], [1], [0, 0, 1, 1], [], []>, transpose_lhs_hint = false} : vector<1024x128xf32>, vector<128x64xf32>, vector<1024x64xf32> -> vector<1024x64xf32>
    %get3A_17 = arith.constant 0 : index
    %get3A_18 = arith.constant 0 : index
    %get3A_19 = vector.load %arg5[%get3A_17, %get3A_18] : memref<1x64xf32, #tpu.memory_space<vmem>>, vector<1x64xf32>
    %add3A_20 = vector.broadcast %get3A_19 : vector<1x64xf32> to vector<1024x64xf32>
    %add3A_21 = arith.addf %dot_general3A_16, %add3A_20 : vector<1024x64xf32>
    %max3A_22 = arith.constant 0.000000e+00 : f32
    %max3A_23 = vector.broadcast %max3A_22 : f32 to vector<1024x64xf32>
    %max3A_24 = arith.maximumf %add3A_21, %max3A_23 : vector<1024x64xf32>
    %get3A_25 = arith.constant 0 : index
    %get3A_26 = arith.constant 0 : index
    %get3A_27 = vector.load %arg6[%get3A_25, %get3A_26] : memref<64x1xf32, #tpu.memory_space<vmem>>, vector<64x1xf32>
    %dot_general3A_28 = arith.constant dense<0.000000e+00> : vector<1024x1xf32>
    %dot_general3A_29 = tpu.matmul %max3A_24, %get3A_27, %dot_general3A_28 {dimension_numbers = #tpu.dot_dimension_numbers<[1], [0], [0], [1], [0, 0, 1, 1], [], []>, transpose_lhs_hint = false} : vector<1024x64xf32>, vector<64x1xf32>, vector<1024x1xf32> -> vector<1024x1xf32>
    %get3A_30 = arith.constant 0 : index
    %get3A_31 = arith.constant 0 : index
    %get3A_32 = vector.load %arg7[%get3A_30, %get3A_31] : memref<1x1xf32, #tpu.memory_space<vmem>>, vector<1x1xf32>
    %add3A_33 = vector.broadcast %get3A_32 : vector<1x1xf32> to vector<1024x1xf32>
    %add3A_34 = arith.addf %dot_general3A_29, %add3A_33 : vector<1024x1xf32>
    %swap3A = arith.constant 0 : index
    %swap3A_35 = arith.constant 0 : index
    %swap3A_36 = vector.load %arg8[%swap3A, %swap3A_35] : memref<1024x1xf32, #tpu.memory_space<vmem>>, vector<1024x1xf32>
    tpu.vector_store %arg8[%swap3A, %swap3A_35], %add3A_34 {strides = array<i32>} : memref<1024x1xf32, #tpu.memory_space<vmem>>, vector<1024x1xf32>,
    return
  }
  func.func @transform_0(%arg0: i32) -> (i32, i32) {
    %c0_i32 = arith.constant 0 : i32
    %c0_i32_0 = arith.constant 0 : i32
    return %arg0, %c0_i32 : i32, i32
  }
  func.func @transform_1(%arg0: i32) -> (i32, i32) {
    %c0_i32 = arith.constant 0 : i32
    %c0_i32_0 = arith.constant 0 : i32
    %c0_i32_1 = arith.constant 0 : i32
    return %c0_i32, %c0_i32_0 : i32, i32
  }
  func.func @transform_2(%arg0: i32) -> (i32, i32) {
    %c0_i32 = arith.constant 0 : i32
    %c0_i32_0 = arith.constant 0 : i32
    %c0_i32_1 = arith.constant 0 : i32
    return %c0_i32, %c0_i32_0 : i32, i32
  }
  func.func @transform_3(%arg0: i32) -> (i32, i32) {
    %c0_i32 = arith.constant 0 : i32
    %c0_i32_0 = arith.constant 0 : i32
    %c0_i32_1 = arith.constant 0 : i32
    return %c0_i32, %c0_i32_0 : i32, i32
  }
  func.func @transform_4(%arg0: i32) -> (i32, i32) {
    %c0_i32 = arith.constant 0 : i32
    %c0_i32_0 = arith.constant 0 : i32
    %c0_i32_1 = arith.constant 0 : i32
    return %c0_i32, %c0_i32_0 : i32, i32
  }
  func.func @transform_5(%arg0: i32) -> (i32, i32) {
    %c0_i32 = arith.constant 0 : i32
    %c0_i32_0 = arith.constant 0 : i32
    %c0_i32_1 = arith.constant 0 : i32
    return %c0_i32, %c0_i32_0 : i32, i32
  }
  func.func @transform_6(%arg0: i32) -> (i32, i32) {
    %c0_i32 = arith.constant 0 : i32
    %c0_i32_0 = arith.constant 0 : i32
    %c0_i32_1 = arith.constant 0 : i32
    return %c0_i32, %c0_i32_0 : i32, i32
  }
  func.func @transform_7(%arg0: i32) -> (i32, i32) {
    %c0_i32 = arith.constant 0 : i32
    %c0_i32_0 = arith.constant 0 : i32
    return %arg0, %c0_i32 : i32, i32
  }
}

module attributes {stable_mosaic.version = 14 : i64} {
  func.func @_final_body(%arg0: i32, %arg1: memref<1024x1xf32, #tpu.memory_space<vmem>>, %arg2: memref<1024x24xf32, #tpu.memory_space<vmem>>, %arg3: memref<1024x24xf32, #tpu.memory_space<vmem>>, %arg4: memref<1024x24xf32, #tpu.memory_space<vmem>>, %arg5: memref<1024x1xf32, #tpu.memory_space<vmem>>) attributes {dimension_semantics = [#tpu.dimension_semantics<arbitrary>], iteration_bounds = array<i64: 8>, scalar_prefetch = 0 : i64, scratch_operands = 0 : i64, tpu.core_type = #tpu.core_type<tc>, window_params = [{transform_indices = @transform_0, window_bounds = array<i64: 1024, 1>}, {transform_indices = @transform_1, window_bounds = array<i64: 1024, 24>}, {transform_indices = @transform_2, window_bounds = array<i64: 1024, 24>}, {transform_indices = @transform_3, window_bounds = array<i64: 1024, 24>}, {transform_indices = @transform_4, window_bounds = array<i64: 1024, 1>}]} {
    %get3A = arith.constant 0 : index
    %get3A_0 = arith.constant 0 : index
    %get3A_1 = vector.load %arg1[%get3A, %get3A_0] : memref<1024x1xf32, #tpu.memory_space<vmem>>, vector<1024x1xf32>
    %max3A = arith.constant 0.000000e+00 : f32
    %max3A_2 = vector.broadcast %max3A : f32 to vector<1024x1xf32>
    %max3A_3 = arith.maximumf %get3A_1, %max3A_2 : vector<1024x1xf32>
    %swap3A = arith.constant 0 : index
    %swap3A_4 = arith.constant 0 : index
    %swap3A_5 = vector.load %arg5[%swap3A, %swap3A_4] : memref<1024x1xf32, #tpu.memory_space<vmem>>, vector<1024x1xf32>
    tpu.vector_store %arg5[%swap3A, %swap3A_4], %max3A_3 {strides = array<i32>} : memref<1024x1xf32, #tpu.memory_space<vmem>>, vector<1024x1xf32>,
    %gt3A = arith.constant 0.00999999977 : f32
    %gt3A_6 = vector.broadcast %gt3A : f32 to vector<1024x1xf32>
    %gt3A_7 = arith.cmpf ogt, %get3A_1, %gt3A_6 : vector<1024x1xf32>
    %convert_element_type3A = arith.extui %gt3A_7 : vector<1024x1xi1> to vector<1024x1xi32>
    %convert_element_type3A_8 = arith.sitofp %convert_element_type3A : vector<1024x1xi32> to vector<1024x1xf32>
    %get3A_9 = arith.constant 0 : index
    %get3A_10 = arith.constant 0 : index
    %get3A_11 = vector.load %arg3[%get3A_9, %get3A_10] : memref<1024x24xf32, #tpu.memory_space<vmem>>, vector<1024x24xf32>
    %get3A_12 = arith.constant 0 : index
    %get3A_13 = arith.constant 0 : index
    %get3A_14 = vector.load %arg2[%get3A_12, %get3A_13] : memref<1024x24xf32, #tpu.memory_space<vmem>>, vector<1024x24xf32>
    %mul3A = vector.broadcast %convert_element_type3A_8 : vector<1024x1xf32> to vector<1024x24xf32>
    %mul3A_15 = arith.mulf %get3A_14, %mul3A : vector<1024x24xf32>
    %add3A = arith.addf %get3A_11, %mul3A_15 : vector<1024x24xf32>
    %swap3A_16 = arith.constant 0 : index
    %swap3A_17 = arith.constant 0 : index
    %swap3A_18 = vector.load %arg4[%swap3A_16, %swap3A_17] : memref<1024x24xf32, #tpu.memory_space<vmem>>, vector<1024x24xf32>
    tpu.vector_store %arg4[%swap3A_16, %swap3A_17], %add3A {strides = array<i32>} : memref<1024x24xf32, #tpu.memory_space<vmem>>, vector<1024x24xf32>,
    return
  }
  func.func @transform_0(%arg0: i32) -> (i32, i32) {
    %c0_i32 = arith.constant 0 : i32
    %c0_i32_0 = arith.constant 0 : i32
    return %arg0, %c0_i32 : i32, i32
  }
  func.func @transform_1(%arg0: i32) -> (i32, i32) {
    %c0_i32 = arith.constant 0 : i32
    %c0_i32_0 = arith.constant 0 : i32
    return %arg0, %c0_i32 : i32, i32
  }
  func.func @transform_2(%arg0: i32) -> (i32, i32) {
    %c0_i32 = arith.constant 0 : i32
    %c0_i32_0 = arith.constant 0 : i32
    return %arg0, %c0_i32 : i32, i32
  }
  func.func @transform_3(%arg0: i32) -> (i32, i32) {
    %c0_i32 = arith.constant 0 : i32
    %c0_i32_0 = arith.constant 0 : i32
    return %arg0, %c0_i32 : i32, i32
  }
  func.func @transform_4(%arg0: i32) -> (i32, i32) {
    %c0_i32 = arith.constant 0 : i32
    %c0_i32_0 = arith.constant 0 : i32
    return %arg0, %c0_i32 : i32, i32
  }
}

</mosaic_0001>

<sc_bundles>
// kernel: kernel.23.cloned.1.call-start
scs
__scs_entry_jumppad:
0x0: {  	(pc) =	sbr.rel $0x88, $3  }
0x1: {  	(tag) =	ssettag $0x0;
	lr =	simm.s32 $0x1  }
0x2: {  	[smem:$0x3F75] =	sst lr;
	_ =	strace $0xD0000000  }
0x3: {  	_ = 	snop  }
0x4: {  	_ = 	snop  }
0x5: {  	_ = 	snop  }
0x6: {  	_ = 	snop  }
0x7: {  	_ = 	snop  }
__scs_overlays_trampoline_lowered:
0x8: {  	[smem:$0x3F84] =	sst s0  }
0x9: {  	[smem:$0x3F85] =	sst s1  }
0xa: {  	[smem:$0x3F86] =	sst s2  }
0xb: {  	[smem:$0x3F87] =	sst s3  }
0xc: {  	[smem:$0x3F88] =	sst s4  }
0xd: {  	[smem:$0x3F89] =	sst s5  }
0xe: {  	[smem:$0x3F8A] =	sst s6  }
0xf: {  	[smem:$0x3F8B] =	sst s7  }
0x10: {  	[smem:$0x3F8C] =	sst s8  }
0x11: {  	[smem:$0x3F8D] =	sst s9;
	s0 =	simm.s32 @!p0 $0x0  }
0x12: {  	s1 =	sld [smem:$0x3F73];
	s0 =	simm.s32 @p0 $0x1  }
0x13: {  	[smem:$0x3F8E] =	sst s0;
	s0 =	simm.s32 @!p1 $0x0  }
0x14: {  	s2 =	sld [smem:$0x3F72];
	s0 =	simm.s32 @p1 $0x1  }
0x15: {  	[smem:$0x3F8F] =	sst s0;
	s0 =	simm.s32 @!p2 $0x0  }
0x16: {  	s3 =	sld [smem:$0x3FDB];
	s0 =	simm.s32 @p2 $0x1  }
0x17: {  	s4 =	simm.s32 $0x1BF5;
	[smem:$0x3F91] =	sst s0  }
0x18: {  	s0 =	sld [smem:$0x3F74];
	_ =	swait.ge [sflag:s4], $0x0  }
0x19: {  	s7 =	sld [smem:$0x3F75]  }
0x1a: {  	s8 =	sadd.s32 $0xFFFFE003, lr  }
0x1b: {  	s9 =	sadd.s32 $0xFFFFFEF7, lr;
	s5 =	simm.s32 $0xFFFFFFFF;
	p2 =	slt.u32 s8, $0xFFFFF086  }
0x1c: {  	p1 =	slt.u32 s9, $0xF7A;
	s5 =	simm.s32 @!p2 $0x0  }
0x1d: {  	s5 =	simm.s32 @p1 $0x1;
	p0 =	seq.s32 s7, s2  }
0x1e: {  	s7 =	smul.u32 @!p0 $0xF7A, s2;
	p2 =	seq.s32 @!p0 s5, $0x0  }
0x1f: {  	s9 =	smul.u32 $0xF7A, s1;
	s8 =	simm.s32 @!p0 $0x1BF5;
	p2 =	por !p2, p0  }
0x20: {  	[sflag:s8] =	ssyncset.s32 @!p0 $0xFFFFF086;
	s6 =	sadd.s32 @!p0 s3, s7;
	s7 =	simm.s32 @!p0 $0x108  }
0x21: {  	s3 =	sadd.s32 s3, s9;
	s6 =	sadd.s32 @!p0 $0x88, s6;
	s7 =	simm.s32 @p2 $0x1082  }
0x22: {  	[simem:s7], [sflag:s8] =	dma.local @!p0 [hbm:s6], $0xF7A  }
0x23: {  	s9 =	sor.u32 $0xD0000000, s2;
	s6 =	simm.s32 $0x108;
	_ =	swait.ge @!p0 [sflag:s8], $0x0  }
0x24: {  	s3 =	sadd.s32 $0x88, s3;
	s6 =	simm.s32 @!p1 $0x1082;
	[sflag:s4] =	ssyncset.s32 $0xFFFFF086  }
0x25: {  	[simem:s6], [sflag:s4] =	dma.local [hbm:s3], $0xF7A  }
0x26: {  	[smem:$0x3F75] =	sst s1;
	(tag) =	ssettag s2;
	_ =	strace s9  }
0x27: {  	s1 =	sld [smem:$0x3F85]  }
0x28: {  	s2 =	sld [smem:$0x3F86]  }
0x29: {  	s4 =	sld [smem:$0x3F88]  }
0x2a: {  	p0 =	seq.s32 s5, $0x0;
	s5 =	sld [smem:$0x3F89]  }
0x2b: {  	s6 =	sld [smem:$0x3F8A]  }
0x2c: {  	s7 =	sld [smem:$0x3F8B]  }
0x2d: {  	s3 =	simm.s32 $0x108;
	s8 =	sld [smem:$0x3F8C]  }
0x2e: {  	s3 =	simm.s32 @!p0 $0x1082;
	s9 =	sld [smem:$0x3F8D]  }
0x2f: {  	lr =	sadd.s32 s0, s3;
	s0 =	sld [smem:$0x3F84]  }
0x30: {  	s3 =	sld [smem:$0x3F87]  }
0x31: {  	[smem:$0x3F90] =	sst s10  }
0x32: {  	s10 =	sld [smem:$0x3F8E];
	_ =	sdelay $0x3  }
0x33: {  	p0 =	seq.s32 s10, $0x1;
	s10 =	sld [smem:$0x3F90];
	_ =	sdelay $0x3  }
0x34: {  	[smem:$0x3F90] =	sst s10  }
0x35: {  	s10 =	sld [smem:$0x3F8F];
	_ =	sdelay $0x3  }
0x36: {  	p1 =	seq.s32 s10, $0x1;
	s10 =	sld [smem:$0x3F90];
	_ =	sdelay $0x3  }
0x37: {  	[smem:$0x3F90] =	sst s10  }
0x38: {  	s10 =	sld [smem:$0x3F91]  }
0x39: {  	_ = 	snop;
	(pc) =	sbr.ind lr, $3  }
0x3a: {  	_ = 	snop  }
0x3b: {  	_ = 	snop  }
0x3c: {  	p2 =	seq.s32 s10, $0x1;
	s10 =	sld [smem:$0x3F90]  }
0x3d: {  	_ =	shalt  }
0x3e: {  	_ =	shalt  }
0x3f: {  	_ =	shalt  }
0x40: {  	_ =	shalt  }
0x41: {  	_ =	shalt  }
0x42: {  	_ =	shalt  }
0x43: {  	_ =	shalt  }
0x44: {  	_ =	shalt  }
0x45: {  	_ =	shalt  }
0x46: {  	_ =	shalt  }
0x47: {  	_ =	shalt  }
0x48: {  	_ =	shalt  }
0x49: {  	_ =	shalt  }
0x4a: {  	_ =	shalt  }
0x4b: {  	_ =	shalt  }
0x4c: {  	_ =	shalt  }
0x4d: {  	_ =	shalt  }
0x4e: {  	_ =	shalt  }
0x4f: {  	_ =	shalt  }
0x50: {  	_ =	shalt  }
0x51: {  	_ =	shalt  }
0x52: {  	_ =	shalt  }
0x53: {  	_ =	shalt  }
0x54: {  	_ =	shalt  }
0x55: {  	_ =	shalt  }
0x56: {  	_ =	shalt  }
0x57: {  	_ =	shalt  }
0x58: {  	_ =	shalt  }
0x59: {  	_ =	shalt  }
0x5a: {  	_ =	shalt  }
0x5b: {  	_ =	shalt  }
0x5c: {  	_ =	shalt  }
0x5d: {  	_ =	shalt  }
0x5e: {  	_ =	shalt  }
0x5f: {  	_ =	shalt  }
0x60: {  	_ =	shalt  }
0x61: {  	_ =	shalt  }
0x62: {  	_ =	shalt  }
0x63: {  	_ =	shalt  }
0x64: {  	_ =	shalt  }
0x65: {  	_ =	shalt  }
0x66: {  	_ =	shalt  }
0x67: {  	_ =	shalt  }
0x68: {  	_ =	shalt  }
0x69: {  	_ =	shalt  }
0x6a: {  	_ =	shalt  }
0x6b: {  	_ =	shalt  }
0x6c: {  	_ =	shalt  }
0x6d: {  	_ =	shalt  }
0x6e: {  	_ =	shalt  }
0x6f: {  	_ =	shalt  }
0x70: {  	_ =	shalt  }
0x71: {  	_ =	shalt  }
0x72: {  	_ =	shalt  }
0x73: {  	_ =	shalt  }
0x74: {  	_ =	shalt  }
0x75: {  	_ =	shalt  }
0x76: {  	_ =	shalt  }
0x77: {  	_ =	shalt  }
0x78: {  	_ =	shalt  }
0x79: {  	_ =	shalt  }
0x7a: {  	_ =	shalt  }
0x7b: {  	_ =	shalt  }
0x7c: {  	_ =	shalt  }
0x7d: {  	_ =	shalt  }
0x7e: {  	_ =	shalt  }
0x7f: {  	_ =	shalt  }
0x80: {  	_ =	shalt  }
0x81: {  	_ =	shalt  }
0x82: {  	_ =	shalt  }
0x83: {  	_ =	shalt  }
0x84: {  	_ =	shalt  }
0x85: {  	_ =	shalt  }
0x86: {  	_ =	shalt  }
0x87: {  	_ =	shalt  }
.Lfunc_end0:
.L_simem_size_0:
called_computation_lowered:
.L_overlay_start_0:
0x88: {  	s2 =	sld [smem:$0x3FD9]  }
0x89: {  	s3 =	sld [smem:$0x3FFE];
	_ =	sdelay $0x1  }
0x8a: {  	s1 =	srdreg.scid  }
0x8b: {  	s0 =	sand.u32 $0x1, s1  }
0x8c: {  	s14 =	sshll.u32 s0, $0xA;
	s2 =	sadd.s32 s3, s2  }
0x8d: {  	s2 =	sadd.s32 s2, s14  }
0x8e: {  	[smem:$0x3F9C] =	sst s2  }
0x8f: {  	_ = 	snop  }
0x90: {  	s2 =	sld [smem:$0x3FD0];
	_ =	sdelay $0x2  }
0x91: {  	s15 =	simm.s32 $0xB;
	s4 =	simm.s32 $0x10  }
0x92: {  	[smem:s4], [sflag:s15] =	dma.local [hbm:s2], $0x1  }
0x93: {  	_ =	swait.eq [sflag:s15], $0x1  }
0x94: {  	[sflag:s15] =	ssyncset.done $0x0  }
0x95: {  	[sflag:s15] =	ssyncadd.s32 $0xFFFFFFFF  }
0x96: {  	s16 =	sld [smem:$0x10];
	(tm) =	ssettm $0x1  }
0x97: {  	s17 =	sld [smem:$0x3FFB];
	_ =	sdelay $0x3  }
0x98: {  	_ =	strace s17  }
0x99: {  	s3 =	sld [smem:$0x3FFC];
	_ =	sdelay $0x3  }
0x9a: {  	_ =	strace s3  }
0x9b: {  	s3 =	sld [smem:$0x3FFD];
	_ =	sdelay $0x3  }
0x9c: {  	_ =	strace s3  }
0x9d: {  	_ =	strace $0x8FFFFFFF  }
0x9e: {  	s18 =	sld [smem:$0x3FDB];
	_ =	sdelay $0x1  }
0x9f: {  	s19 =	simm.s32 $_scs_section_size  }
0xa0: {  	s5 =	simm.s32 $_size__tile_overlayer_lowered;
	s6 =	simm.s32 $_tile_overlayer_lowered  }
0xa1: {  	s22 =	simm.s32 $0x1BFF;
	s21 =	sshll.u32 s6, $0x1;
	s3 =	sadd.s32 s19, s18  }
0xa2: {  	s7 =	simm.s32 $0x0;
	s20 =	sshll.u32 s5, $0x1;
	s5 =	sadd.s32 s21, s3  }
0xa3: {  	[timem:s7], [sflag:s22] =	dma.local [hbm:s5], s20  }
0xa4: {  	_ =	swait.ge [sflag:s22], s20  }
0xa5: {  	s4 =	ssub.s32 $0x0, s20;
	[sflag:s22] =	ssyncset.done $0x0  }
0xa6: {  	[sflag:s22] =	ssyncadd.s32 s4;
	_ =	sdelay $0x1  }
0xa7: {  	s23 =	simm.s32 $0x1B8B  }
0xa8: {  	_ =	swait.ge [sflag:s23], $0x1  }
0xa9: {  	[sflag:s23] =	ssyncset.done $0x0  }
0xaa: {  	s25 =	simm.s32 $0x1B8E;
	s24 =	sld [smem:$0x3FFE];
	[sflag:s23] =	ssyncadd.s32 $0xFFFFFFFF  }
0xab: {  	s26 =	simm.s32 $execute0_lowered;
	[smem:$0x3FD2] =	sst s25  }
0xac: {  	s5 =	sshll.u32 s26, $0x1;
	_ =	strace $0x80000046;
	[dreg:$0x1] =	wrdreg $0xFFFFFFFF  }
0xad: {  	s28 =	simm.s32 $_size_execute0_lowered;
	s3 =	sadd.s32 s3, s5;
	[dreg:$0x0] =	wrdreg $0x0  }
0xae: {  	s5 =	sshll.u32 s28, $0x1;
	[dreg:$0x2] =	wrdreg s3  }
0xaf: {  	[dreg:$0x3] =	wrdreg s5  }
0xb0: {  	[dreg:$0x4] =	wrdreg $0xC0  }
0xb1: {  	_ =	task [dreg:s7], $0x5FFFF  }
0xb2: {  	[dreg:$0x1] =	wrdreg $0xFFFFFFFF  }
0xb3: {  	[dreg:$0x0] =	wrdreg $0x60  }
0xb4: {  	[dreg:$0x2] =	wrdreg s24  }
0xb5: {  	[dreg:$0x3] =	wrdreg s16  }
0xb6: {  	[dreg:$0x4] =	wrdreg $0x9  }
0xb7: {  	_ =	task.clear_ibuf [dreg:s7], $0x5FFFF;
	_ =	strace $0x90000046  }
0xb8: {  	s29 =	simm.s32 $0x9;
	_ =	strace $0x80000048  }
0xb9: {  	_ =	swait.ge [sflag:s29], $0x1  }
0xba: {  	[sflag:s29] =	ssyncadd.s32 $0xFFFFFFFF  }
0xbb: {  	_ =	strace $0x90000048  }
0xbc: {  	_ =	sfence  }
0xbd: {  	s30 =	sld [smem:$0x0];
	_ =	sdelay $0x2  }
0xbe: {  	s31 =	sshll.u32 s1, $0xD;
	s1 =	sshrl.u32 s1, $0x2  }
0xbf: {  	s3 =	sand.u32 $0x4000, s31;
	s1 =	sadd.s32 s1, s30  }
0xc0: {  	s0 =	sor.u32 s3, s0;
	s1 =	sshll.u32 s1, $0x11  }
0xc1: {  	s0 =	sor.u32 s1, s0  }
0xc2: {  	s0 =	sadd.s32 $0x8F2B, s0  }
0xc3: {  	[sflag:s0] =	ssyncadd.remote.s32 $0x1  }
0xc4: {  	_ =	sfence.sel $0xFFFF  }
0xc5: {  	[dreg:$0x0] =	wrdreg $0xFFFFFFFF;
	(pc) =	sbr.abs _section_cstart, $3  }
0xc6: {  	[dreg:$0x1] =	wrdreg $0xFFFFFFFF  }
0xc7: {  	_ =	task.clear_ibuf [dreg:s7], $0x2FFFF;
	_ =	strace $0x9FFFFFFF  }
0xc8: {  	(tm) =	ssettm $0x7FFFFFFF  }
0xc9: {  	_ =	shalt  }
tec
execute0_lowered:
.L_overlay_start_1:
0x0: {  	(tag) =	ssettag $0x1  }
0x1: {  	s1 =	srdreg.scid;
	s0 =	stileid.u32  }
0x2: {  	s12 =	sand.u32 $0x1, s1;
	s31 =	sshll.u32 s0, $0x1  }
0x3: {  	s2 =	rddreg [dreg:$0x0];
	s9 =	sor.u32 s12, s31  }
0x4: {  	s4 =	rddreg [dreg:$0x1];
	s5 =	smul.u32 $0x140, s9  }
0x5: {  	s3 =	simm.s32 $0x0;
	s1 =	rddreg [dreg:$0x2]  }
0x6: {  	[smem:$0x7FF] =	sst s3;
	s5 =	sshrl.u32 s5, $0x3  }
0x7: {  	_ =	strace $0x80000047;
	s5 =	sadd.s32 s4, s5;
	s4 =	simm.s32 $0x2  }
0x8: {  	[tilespmem:s3], [sflag:$0x2] =	stream.linear.gather [hbm4b:s5+s3], $0x80, $0x38;
	[tilespmem:$0x8100] =	vst v63  }
0x9: {  	_ =	swait.ge [sflag:s4], $0x80  }
0xa: {  	s6 =	simm.s32 $0x80;
	[sflag:s4] =	ssyncset.done $0x0  }
0xb: {  	s7 =	simm.s32 $0x100;
	s8 =	simm.s32 $0x1;
	[sflag:s4] =	ssyncadd.s32 $0xFFFFFF80  }
0xc: {  	[tilespmem:s7], [sflag:$0x1] =	stream.indirect.gather [hbm4b:s2+s6], $0x80, s3, s6, $0xb8;
	[tilespmem:$0x8100] =	vst v63  }
0xd: {  	_ =	swait.ge [sflag:s8], $0x4000  }
0xe: {  	[sflag:s8] =	ssyncset.done $0x0  }
0xf: {  	s10 =	smul.u32 $0xA000, s9;
	s9 =	sadd.s32 $0x10, s5;
	[sflag:s8] =	ssyncadd.s32 $0xFFFFC000  }
0x10: {  	[tilespmem:s6], [sflag:$0x2] =	stream.linear.gather [hbm4b:s9+s3], $0x80, $0x38;
	[tilespmem:$0x8100] =	vst v63  }
0x11: {  	_ =	swait.ge [sflag:s4], $0x80  }
0x12: {  	s10 =	sshrl.u32 s10, $0x3;
	[sflag:s4] =	ssyncset.done $0x0  }
0x13: {  	s13 =	sadd.s32 s10, s2;
	s10 =	simm.s32 $0x4100;
	[sflag:s4] =	ssyncadd.s32 $0xFFFFFF80  }
0x14: {  	[tilespmem:s10], [sflag:$0x1] =	stream.indirect.gather [hbm4b:s2+s6], $0x80, s6, s6, $0xb8;
	[tilespmem:$0x8100] =	vst v63  }
0x15: {  	s12 =	ssub.s32 $0x2, s12;
	s11 =	sadd.s32 $0x20000, s13  }
0x16: {  	[hbm4b:s11+s3] =	stream.linear.scatter [tilespmem:s7], [sflag:$0x2], $0x4000, $0x38;
	[tilespmem:$0x8100] =	vst v63  }
0x17: {  	s14 =	sshrl.u32 s12, $0x1;
	_ =	swait.ge [sflag:s4], $0x4000  }
0x18: {  	s12 =	ssub.s32 s12, s14;
	[sflag:s4] =	ssyncset.done $0x0  }
0x19: {  	s14 =	smax.u32 s12, $0x1;
	[sflag:s4] =	ssyncadd.s32 $0xFFFFC000  }
0x1a: {  	p0 =	sne.s32 s14, $0x1;
	_ =	swait.ge [sflag:s8], $0x4000  }
.Ltmp0:
0x1b: {  	[sflag:s8] =	ssyncset.done $0x0;
	(pc) =	sbr.rel @!p0 .LBB2_2-.Ltmp0, $4  }
0x1c: {  	s12 =	sadd.s32 $0x20800, s13;
	[sflag:s8] =	ssyncadd.s32 $0xFFFFC000  }
0x1d: {  	[hbm4b:s12+s3] =	stream.linear.scatter [tilespmem:s10], [sflag:$0x2], $0x4000, $0x38;
	[tilespmem:$0x8100] =	vst v63  }
0x1e: {  	_ =	swait.ge [sflag:s4], $0x4000  }
0x1f: {  	s13 =	sadd.s32 $0xFFFFFFFF, s14;
	[sflag:s4] =	ssyncset.done $0x0  }
.LBB2_1:
0x20: {  	p0 =	sne.s32 s13, $0x1;
	s13 =	sadd.s32 $0xFFFFFFFF, s13;
	[sflag:s4] =	ssyncadd.s32 $0xFFFFC000  }
0x21: {  	[tilespmem:s3], [sflag:$0x2] =	stream.linear.gather [hbm4b:s5+s3], $0x80, $0x38;
	[tilespmem:$0x8100] =	vst v63  }
0x22: {  	_ =	swait.ge [sflag:s4], $0x80  }
0x23: {  	[sflag:s4] =	ssyncset.done $0x0  }
0x24: {  	[sflag:s4] =	ssyncadd.s32 $0xFFFFFF80  }
0x25: {  	[tilespmem:s7], [sflag:$0x1] =	stream.indirect.gather [hbm4b:s2+s6], $0x80, s3, s6, $0xb8;
	[tilespmem:$0x8100] =	vst v63  }
0x26: {  	_ =	swait.ge [sflag:s8], $0x4000  }
0x27: {  	[sflag:s8] =	ssyncset.done $0x0  }
0x28: {  	[sflag:s8] =	ssyncadd.s32 $0xFFFFC000  }
0x29: {  	[tilespmem:s6], [sflag:$0x2] =	stream.linear.gather [hbm4b:s9+s3], $0x80, $0x38;
	[tilespmem:$0x8100] =	vst v63  }
0x2a: {  	_ =	swait.ge [sflag:s4], $0x80  }
0x2b: {  	[sflag:s4] =	ssyncset.done $0x0  }
0x2c: {  	[sflag:s4] =	ssyncadd.s32 $0xFFFFFF80  }
0x2d: {  	[tilespmem:s10], [sflag:$0x1] =	stream.indirect.gather [hbm4b:s2+s6], $0x80, s6, s6, $0xb8;
	[tilespmem:$0x8100] =	vst v63  }
0x2e: {  	_ = 	snop  }
0x2f: {  	[hbm4b:s11+s3] =	stream.linear.scatter [tilespmem:s7], [sflag:$0x2], $0x4000, $0x38;
	[tilespmem:$0x8100] =	vst v63  }
0x30: {  	_ =	swait.ge [sflag:s4], $0x4000  }
0x31: {  	[sflag:s4] =	ssyncset.done $0x0  }
0x32: {  	[sflag:s4] =	ssyncadd.s32 $0xFFFFC000  }
0x33: {  	_ =	swait.ge [sflag:s8], $0x4000  }
.Ltmp1:
0x34: {  	[sflag:s8] =	ssyncset.done $0x0;
	(pc) =	sbr.rel @p0 .LBB2_1-.Ltmp1, $4  }
0x35: {  	[sflag:s8] =	ssyncadd.s32 $0xFFFFC000  }
0x36: {  	[hbm4b:s12+s3] =	stream.linear.scatter [tilespmem:s10], [sflag:$0x2], $0x4000, $0x38;
	[tilespmem:$0x8100] =	vst v63  }
0x37: {  	_ =	swait.ge [sflag:s4], $0x4000  }
0x38: {  	[sflag:s4] =	ssyncset.done $0x0  }
.LBB2_2:
0x39: {  	[sflag:s4] =	ssyncadd.s32 $0xFFFFC000  }
0x3a: {  	_ =	sfence.sel $0x180000  }
0x3b: {  	[bflag:$0x0] =	sbarrier.arrive $0xFFFF  }
0x3c: {  	p0 =	sne.s32 s0, $0x0;
	_ =	strace $0x90000047  }
0x3d: {  	s0 =	sadd.s32 @!p0 $0x100000, s1;
	[bflag:$0x2] =	sbarrier.arrive $0xFFFF  }
0x3e: {  	[sflag:s0] =	ssyncadd.tile.s32 @!p0 $0x1;
	_ =	shalt  }
.Lfunc_end2:
_tile_overlayer_lowered:
.L_overlay_start_2:
0x3f: {  	(tag) =	ssettag $0x2  }
0x40: {  	s0 =	rddreg [dreg:$0x0];
	s2 =	stileid.u32  }
0x41: {  	s1 =	rddreg [dreg:$0x1];
	p0 =	sne.s32 s2, $0x0  }
0x42: {  	s3 =	rddreg [dreg:$0x2];
	[bflag:$0x3] =	sbarrier.arrive $0xFFFF;
	s2 =	simm.s32 @!p0 $0x1C02  }
0x43: {  	[timem:s3], [sflag:s2] =	dma.local @!p0 [hbm:s0], s1  }
0x44: {  	s0 =	simm.s32 @!p0 $0x2  }
0x45: {  	_ =	swait.ge @!p0 [sflag:s0], s1  }
0x46: {  	s1 =	ssub.s32 @!p0 $0x0, s1;
	[sflag:s0] =	ssyncset.done @!p0 $0x0  }
0x47: {  	[sflag:s0] =	ssyncadd.s32 @!p0 s1  }
0x48: {  	[bflag:$0x3] =	sbarrier.arrive $0xFFFF  }
0x49: {  	_ =	shalt  }

// kernel: kernel.26.cloned.1.call-start
scs
__scs_entry_jumppad:
0x0: {  	(pc) =	sbr.rel $0x88, $3  }
0x1: {  	(tag) =	ssettag $0x0;
	lr =	simm.s32 $0x1  }
0x2: {  	[smem:$0x3F75] =	sst lr;
	_ =	strace $0xD0000000  }
0x3: {  	_ = 	snop  }
0x4: {  	_ = 	snop  }
0x5: {  	_ = 	snop  }
0x6: {  	_ = 	snop  }
0x7: {  	_ = 	snop  }
__scs_overlays_trampoline_lowered:
0x8: {  	[smem:$0x3F84] =	sst s0  }
0x9: {  	[smem:$0x3F85] =	sst s1  }
0xa: {  	[smem:$0x3F86] =	sst s2  }
0xb: {  	[smem:$0x3F87] =	sst s3  }
0xc: {  	[smem:$0x3F88] =	sst s4  }
0xd: {  	[smem:$0x3F89] =	sst s5  }
0xe: {  	[smem:$0x3F8A] =	sst s6  }
0xf: {  	[smem:$0x3F8B] =	sst s7  }
0x10: {  	[smem:$0x3F8C] =	sst s8  }
0x11: {  	[smem:$0x3F8D] =	sst s9;
	s0 =	simm.s32 @!p0 $0x0  }
0x12: {  	s1 =	sld [smem:$0x3F73];
	s0 =	simm.s32 @p0 $0x1  }
0x13: {  	[smem:$0x3F8E] =	sst s0;
	s0 =	simm.s32 @!p1 $0x0  }
0x14: {  	s2 =	sld [smem:$0x3F72];
	s0 =	simm.s32 @p1 $0x1  }
0x15: {  	[smem:$0x3F8F] =	sst s0;
	s0 =	simm.s32 @!p2 $0x0  }
0x16: {  	s3 =	sld [smem:$0x3FDB];
	s0 =	simm.s32 @p2 $0x1  }
0x17: {  	s4 =	simm.s32 $0x1BF5;
	[smem:$0x3F91] =	sst s0  }
0x18: {  	s0 =	sld [smem:$0x3F74];
	_ =	swait.ge [sflag:s4], $0x0  }
0x19: {  	s7 =	sld [smem:$0x3F75]  }
0x1a: {  	s8 =	sadd.s32 $0xFFFFE003, lr  }
0x1b: {  	s9 =	sadd.s32 $0xFFFFFEF7, lr;
	s5 =	simm.s32 $0xFFFFFFFF;
	p2 =	slt.u32 s8, $0xFFFFF086  }
0x1c: {  	p1 =	slt.u32 s9, $0xF7A;
	s5 =	simm.s32 @!p2 $0x0  }
0x1d: {  	s5 =	simm.s32 @p1 $0x1;
	p0 =	seq.s32 s7, s2  }
0x1e: {  	s7 =	smul.u32 @!p0 $0xF7A, s2;
	p2 =	seq.s32 @!p0 s5, $0x0  }
0x1f: {  	s9 =	smul.u32 $0xF7A, s1;
	s8 =	simm.s32 @!p0 $0x1BF5;
	p2 =	por !p2, p0  }
0x20: {  	[sflag:s8] =	ssyncset.s32 @!p0 $0xFFFFF086;
	s6 =	sadd.s32 @!p0 s3, s7;
	s7 =	simm.s32 @!p0 $0x108  }
0x21: {  	s3 =	sadd.s32 s3, s9;
	s6 =	sadd.s32 @!p0 $0x88, s6;
	s7 =	simm.s32 @p2 $0x1082  }
0x22: {  	[simem:s7], [sflag:s8] =	dma.local @!p0 [hbm:s6], $0xF7A  }
0x23: {  	s9 =	sor.u32 $0xD0000000, s2;
	s6 =	simm.s32 $0x108;
	_ =	swait.ge @!p0 [sflag:s8], $0x0  }
0x24: {  	s3 =	sadd.s32 $0x88, s3;
	s6 =	simm.s32 @!p1 $0x1082;
	[sflag:s4] =	ssyncset.s32 $0xFFFFF086  }
0x25: {  	[simem:s6], [sflag:s4] =	dma.local [hbm:s3], $0xF7A  }
0x26: {  	[smem:$0x3F75] =	sst s1;
	(tag) =	ssettag s2;
	_ =	strace s9  }
0x27: {  	s1 =	sld [smem:$0x3F85]  }
0x28: {  	s2 =	sld [smem:$0x3F86]  }
0x29: {  	s4 =	sld [smem:$0x3F88]  }
0x2a: {  	p0 =	seq.s32 s5, $0x0;
	s5 =	sld [smem:$0x3F89]  }
0x2b: {  	s6 =	sld [smem:$0x3F8A]  }
0x2c: {  	s7 =	sld [smem:$0x3F8B]  }
0x2d: {  	s3 =	simm.s32 $0x108;
	s8 =	sld [smem:$0x3F8C]  }
0x2e: {  	s3 =	simm.s32 @!p0 $0x1082;
	s9 =	sld [smem:$0x3F8D]  }
0x2f: {  	lr =	sadd.s32 s0, s3;
	s0 =	sld [smem:$0x3F84]  }
0x30: {  	s3 =	sld [smem:$0x3F87]  }
0x31: {  	[smem:$0x3F90] =	sst s10  }
0x32: {  	s10 =	sld [smem:$0x3F8E];
	_ =	sdelay $0x3  }
0x33: {  	p0 =	seq.s32 s10, $0x1;
	s10 =	sld [smem:$0x3F90];
	_ =	sdelay $0x3  }
0x34: {  	[smem:$0x3F90] =	sst s10  }
0x35: {  	s10 =	sld [smem:$0x3F8F];
	_ =	sdelay $0x3  }
0x36: {  	p1 =	seq.s32 s10, $0x1;
	s10 =	sld [smem:$0x3F90];
	_ =	sdelay $0x3  }
0x37: {  	[smem:$0x3F90] =	sst s10  }
0x38: {  	s10 =	sld [smem:$0x3F91]  }
0x39: {  	_ = 	snop;
	(pc) =	sbr.ind lr, $3  }
0x3a: {  	_ = 	snop  }
0x3b: {  	_ = 	snop  }
0x3c: {  	p2 =	seq.s32 s10, $0x1;
	s10 =	sld [smem:$0x3F90]  }
0x3d: {  	_ =	shalt  }
0x3e: {  	_ =	shalt  }
0x3f: {  	_ =	shalt  }
0x40: {  	_ =	shalt  }
0x41: {  	_ =	shalt  }
0x42: {  	_ =	shalt  }
0x43: {  	_ =	shalt  }
0x44: {  	_ =	shalt  }
0x45: {  	_ =	shalt  }
0x46: {  	_ =	shalt  }
0x47: {  	_ =	shalt  }
0x48: {  	_ =	shalt  }
0x49: {  	_ =	shalt  }
0x4a: {  	_ =	shalt  }
0x4b: {  	_ =	shalt  }
0x4c: {  	_ =	shalt  }
0x4d: {  	_ =	shalt  }
0x4e: {  	_ =	shalt  }
0x4f: {  	_ =	shalt  }
0x50: {  	_ =	shalt  }
0x51: {  	_ =	shalt  }
0x52: {  	_ =	shalt  }
0x53: {  	_ =	shalt  }
0x54: {  	_ =	shalt  }
0x55: {  	_ =	shalt  }
0x56: {  	_ =	shalt  }
0x57: {  	_ =	shalt  }
0x58: {  	_ =	shalt  }
0x59: {  	_ =	shalt  }
0x5a: {  	_ =	shalt  }
0x5b: {  	_ =	shalt  }
0x5c: {  	_ =	shalt  }
0x5d: {  	_ =	shalt  }
0x5e: {  	_ =	shalt  }
0x5f: {  	_ =	shalt  }
0x60: {  	_ =	shalt  }
0x61: {  	_ =	shalt  }
0x62: {  	_ =	shalt  }
0x63: {  	_ =	shalt  }
0x64: {  	_ =	shalt  }
0x65: {  	_ =	shalt  }
0x66: {  	_ =	shalt  }
0x67: {  	_ =	shalt  }
0x68: {  	_ =	shalt  }
0x69: {  	_ =	shalt  }
0x6a: {  	_ =	shalt  }
0x6b: {  	_ =	shalt  }
0x6c: {  	_ =	shalt  }
0x6d: {  	_ =	shalt  }
0x6e: {  	_ =	shalt  }
0x6f: {  	_ =	shalt  }
0x70: {  	_ =	shalt  }
0x71: {  	_ =	shalt  }
0x72: {  	_ =	shalt  }
0x73: {  	_ =	shalt  }
0x74: {  	_ =	shalt  }
0x75: {  	_ =	shalt  }
0x76: {  	_ =	shalt  }
0x77: {  	_ =	shalt  }
0x78: {  	_ =	shalt  }
0x79: {  	_ =	shalt  }
0x7a: {  	_ =	shalt  }
0x7b: {  	_ =	shalt  }
0x7c: {  	_ =	shalt  }
0x7d: {  	_ =	shalt  }
0x7e: {  	_ =	shalt  }
0x7f: {  	_ =	shalt  }
0x80: {  	_ =	shalt  }
0x81: {  	_ =	shalt  }
0x82: {  	_ =	shalt  }
0x83: {  	_ =	shalt  }
0x84: {  	_ =	shalt  }
0x85: {  	_ =	shalt  }
0x86: {  	_ =	shalt  }
0x87: {  	_ =	shalt  }
.Lfunc_end0:
.L_simem_size_0:
called_computation.1_lowered:
.L_overlay_start_0:
0x88: {  	s2 =	sld [smem:$0x3FD9]  }
0x89: {  	s3 =	sld [smem:$0x3FFE];
	_ =	sdelay $0x1  }
0x8a: {  	s1 =	srdreg.scid  }
0x8b: {  	s0 =	sand.u32 $0x1, s1  }
0x8c: {  	s14 =	sshll.u32 s0, $0xA;
	s2 =	sadd.s32 s3, s2  }
0x8d: {  	s2 =	sadd.s32 s2, s14  }
0x8e: {  	[smem:$0x3F9C] =	sst s2  }
0x8f: {  	_ = 	snop  }
0x90: {  	s2 =	sld [smem:$0x3FD0];
	_ =	sdelay $0x2  }
0x91: {  	s15 =	simm.s32 $0xB;
	s4 =	simm.s32 $0x10  }
0x92: {  	[smem:s4], [sflag:s15] =	dma.local [hbm:s2], $0x1  }
0x93: {  	_ =	swait.eq [sflag:s15], $0x1  }
0x94: {  	[sflag:s15] =	ssyncset.done $0x0  }
0x95: {  	[sflag:s15] =	ssyncadd.s32 $0xFFFFFFFF  }
0x96: {  	s16 =	sld [smem:$0x10];
	(tm) =	ssettm $0x1  }
0x97: {  	s17 =	sld [smem:$0x3FFB];
	_ =	sdelay $0x3  }
0x98: {  	_ =	strace s17  }
0x99: {  	s3 =	sld [smem:$0x3FFC];
	_ =	sdelay $0x3  }
0x9a: {  	_ =	strace s3  }
0x9b: {  	s3 =	sld [smem:$0x3FFD];
	_ =	sdelay $0x3  }
0x9c: {  	_ =	strace s3  }
0x9d: {  	_ =	strace $0x8FFFFFFF  }
0x9e: {  	s18 =	sld [smem:$0x3FDB];
	_ =	sdelay $0x1  }
0x9f: {  	s19 =	simm.s32 $_scs_section_size  }
0xa0: {  	s5 =	simm.s32 $_size__tile_overlayer_lowered;
	s6 =	simm.s32 $_tile_overlayer_lowered  }
0xa1: {  	s22 =	simm.s32 $0x1BFF;
	s21 =	sshll.u32 s6, $0x1;
	s3 =	sadd.s32 s19, s18  }
0xa2: {  	s7 =	simm.s32 $0x0;
	s20 =	sshll.u32 s5, $0x1;
	s5 =	sadd.s32 s21, s3  }
0xa3: {  	[timem:s7], [sflag:s22] =	dma.local [hbm:s5], s20  }
0xa4: {  	_ =	swait.ge [sflag:s22], s20  }
0xa5: {  	s4 =	ssub.s32 $0x0, s20;
	[sflag:s22] =	ssyncset.done $0x0  }
0xa6: {  	[sflag:s22] =	ssyncadd.s32 s4;
	_ =	sdelay $0x1  }
0xa7: {  	s23 =	simm.s32 $0x1B8B  }
0xa8: {  	_ =	swait.ge [sflag:s23], $0x1  }
0xa9: {  	[sflag:s23] =	ssyncset.done $0x0  }
0xaa: {  	s25 =	simm.s32 $0x1B8E;
	s24 =	sld [smem:$0x3FFE];
	[sflag:s23] =	ssyncadd.s32 $0xFFFFFFFF  }
0xab: {  	s26 =	simm.s32 $execute0_lowered;
	[smem:$0x3FD2] =	sst s25  }
0xac: {  	s5 =	sshll.u32 s26, $0x1;
	_ =	strace $0x80000049;
	[dreg:$0x1] =	wrdreg $0xFFFFFFFF  }
0xad: {  	s28 =	simm.s32 $_size_execute0_lowered;
	s3 =	sadd.s32 s3, s5;
	[dreg:$0x0] =	wrdreg $0x0  }
0xae: {  	s5 =	sshll.u32 s28, $0x1;
	[dreg:$0x2] =	wrdreg s3  }
0xaf: {  	[dreg:$0x3] =	wrdreg s5  }
0xb0: {  	[dreg:$0x4] =	wrdreg $0xC0  }
0xb1: {  	_ =	task [dreg:s7], $0x5FFFF  }
0xb2: {  	[dreg:$0x1] =	wrdreg $0xFFFFFFFF  }
0xb3: {  	[dreg:$0x0] =	wrdreg $0x60  }
0xb4: {  	[dreg:$0x2] =	wrdreg s24  }
0xb5: {  	[dreg:$0x3] =	wrdreg s16  }
0xb6: {  	[dreg:$0x4] =	wrdreg $0x9  }
0xb7: {  	_ =	task.clear_ibuf [dreg:s7], $0x5FFFF;
	_ =	strace $0x90000049  }
0xb8: {  	s29 =	simm.s32 $0x9;
	_ =	strace $0x8000004B  }
0xb9: {  	_ =	swait.ge [sflag:s29], $0x1  }
0xba: {  	[sflag:s29] =	ssyncadd.s32 $0xFFFFFFFF  }
0xbb: {  	_ =	strace $0x9000004B  }
0xbc: {  	_ =	sfence  }
0xbd: {  	s30 =	sld [smem:$0x0];
	_ =	sdelay $0x2  }
0xbe: {  	s31 =	sshll.u32 s1, $0xD;
	s1 =	sshrl.u32 s1, $0x2  }
0xbf: {  	s3 =	sand.u32 $0x4000, s31;
	s1 =	sadd.s32 s1, s30  }
0xc0: {  	s0 =	sor.u32 s3, s0;
	s1 =	sshll.u32 s1, $0x11  }
0xc1: {  	s0 =	sor.u32 s1, s0  }
0xc2: {  	s0 =	sadd.s32 $0x8F2B, s0  }
0xc3: {  	[sflag:s0] =	ssyncadd.remote.s32 $0x1  }
0xc4: {  	_ =	sfence.sel $0xFFFF  }
0xc5: {  	[dreg:$0x0] =	wrdreg $0xFFFFFFFF;
	(pc) =	sbr.abs _section_cstart, $3  }
0xc6: {  	[dreg:$0x1] =	wrdreg $0xFFFFFFFF  }
0xc7: {  	_ =	task.clear_ibuf [dreg:s7], $0x2FFFF;
	_ =	strace $0x9FFFFFFF  }
0xc8: {  	(tm) =	ssettm $0x7FFFFFFF  }
0xc9: {  	_ =	shalt  }
tec
execute0_lowered:
.L_overlay_start_1:
0x0: {  	(tag) =	ssettag $0x1  }
0x1: {  	s1 =	srdreg.scid;
	s0 =	stileid.u32  }
0x2: {  	s12 =	sand.u32 $0x1, s1;
	s31 =	sshll.u32 s0, $0x1  }
0x3: {  	s2 =	rddreg [dreg:$0x0];
	s9 =	sor.u32 s12, s31  }
0x4: {  	s4 =	rddreg [dreg:$0x1];
	s5 =	smul.u32 $0x140, s9  }
0x5: {  	s3 =	simm.s32 $0x0;
	s1 =	rddreg [dreg:$0x2]  }
0x6: {  	[smem:$0x7FF] =	sst s3;
	s5 =	sshrl.u32 s5, $0x3  }
0x7: {  	_ =	strace $0x8000004A;
	s5 =	sadd.s32 s4, s5;
	s4 =	simm.s32 $0x2  }
0x8: {  	[tilespmem:s3], [sflag:$0x2] =	stream.linear.gather [hbm4b:s5+s3], $0x80, $0x38;
	[tilespmem:$0x8100] =	vst v63  }
0x9: {  	_ =	swait.ge [sflag:s4], $0x80  }
0xa: {  	s6 =	simm.s32 $0x80;
	[sflag:s4] =	ssyncset.done $0x0  }
0xb: {  	s7 =	simm.s32 $0x100;
	s8 =	simm.s32 $0x1;
	[sflag:s4] =	ssyncadd.s32 $0xFFFFFF80  }
0xc: {  	[tilespmem:s7], [sflag:$0x1] =	stream.indirect.gather [hbm4b:s2+s6], $0x80, s3, s6, $0xb8;
	[tilespmem:$0x8100] =	vst v63  }
0xd: {  	_ =	swait.ge [sflag:s8], $0x4000  }
0xe: {  	[sflag:s8] =	ssyncset.done $0x0  }
0xf: {  	s10 =	smul.u32 $0xA000, s9;
	s9 =	sadd.s32 $0x10, s5;
	[sflag:s8] =	ssyncadd.s32 $0xFFFFC000  }
0x10: {  	[tilespmem:s6], [sflag:$0x2] =	stream.linear.gather [hbm4b:s9+s3], $0x80, $0x38;
	[tilespmem:$0x8100] =	vst v63  }
0x11: {  	_ =	swait.ge [sflag:s4], $0x80  }
0x12: {  	s10 =	sshrl.u32 s10, $0x3;
	[sflag:s4] =	ssyncset.done $0x0  }
0x13: {  	s13 =	sadd.s32 s10, s2;
	s10 =	simm.s32 $0x4100;
	[sflag:s4] =	ssyncadd.s32 $0xFFFFFF80  }
0x14: {  	[tilespmem:s10], [sflag:$0x1] =	stream.indirect.gather [hbm4b:s2+s6], $0x80, s6, s6, $0xb8;
	[tilespmem:$0x8100] =	vst v63  }
0x15: {  	s12 =	ssub.s32 $0x2, s12;
	s11 =	sadd.s32 $0x20000, s13  }
0x16: {  	[hbm4b:s11+s3] =	stream.linear.scatter [tilespmem:s7], [sflag:$0x2], $0x4000, $0x38;
	[tilespmem:$0x8100] =	vst v63  }
0x17: {  	s14 =	sshrl.u32 s12, $0x1;
	_ =	swait.ge [sflag:s4], $0x4000  }
0x18: {  	s12 =	ssub.s32 s12, s14;
	[sflag:s4] =	ssyncset.done $0x0  }
0x19: {  	s14 =	smax.u32 s12, $0x1;
	[sflag:s4] =	ssyncadd.s32 $0xFFFFC000  }
0x1a: {  	p0 =	sne.s32 s14, $0x1;
	_ =	swait.ge [sflag:s8], $0x4000  }
.Ltmp0:
0x1b: {  	[sflag:s8] =	ssyncset.done $0x0;
	(pc) =	sbr.rel @!p0 .LBB2_2-.Ltmp0, $4  }
0x1c: {  	s12 =	sadd.s32 $0x20800, s13;
	[sflag:s8] =	ssyncadd.s32 $0xFFFFC000  }
0x1d: {  	[hbm4b:s12+s3] =	stream.linear.scatter [tilespmem:s10], [sflag:$0x2], $0x4000, $0x38;
	[tilespmem:$0x8100] =	vst v63  }
0x1e: {  	_ =	swait.ge [sflag:s4], $0x4000  }
0x1f: {  	s13 =	sadd.s32 $0xFFFFFFFF, s14;
	[sflag:s4] =	ssyncset.done $0x0  }
.LBB2_1:
0x20: {  	p0 =	sne.s32 s13, $0x1;
	s13 =	sadd.s32 $0xFFFFFFFF, s13;
	[sflag:s4] =	ssyncadd.s32 $0xFFFFC000  }
0x21: {  	[tilespmem:s3], [sflag:$0x2] =	stream.linear.gather [hbm4b:s5+s3], $0x80, $0x38;
	[tilespmem:$0x8100] =	vst v63  }
0x22: {  	_ =	swait.ge [sflag:s4], $0x80  }
0x23: {  	[sflag:s4] =	ssyncset.done $0x0  }
0x24: {  	[sflag:s4] =	ssyncadd.s32 $0xFFFFFF80  }
0x25: {  	[tilespmem:s7], [sflag:$0x1] =	stream.indirect.gather [hbm4b:s2+s6], $0x80, s3, s6, $0xb8;
	[tilespmem:$0x8100] =	vst v63  }
0x26: {  	_ =	swait.ge [sflag:s8], $0x4000  }
0x27: {  	[sflag:s8] =	ssyncset.done $0x0  }
0x28: {  	[sflag:s8] =	ssyncadd.s32 $0xFFFFC000  }
0x29: {  	[tilespmem:s6], [sflag:$0x2] =	stream.linear.gather [hbm4b:s9+s3], $0x80, $0x38;
	[tilespmem:$0x8100] =	vst v63  }
0x2a: {  	_ =	swait.ge [sflag:s4], $0x80  }
0x2b: {  	[sflag:s4] =	ssyncset.done $0x0  }
0x2c: {  	[sflag:s4] =	ssyncadd.s32 $0xFFFFFF80  }
0x2d: {  	[tilespmem:s10], [sflag:$0x1] =	stream.indirect.gather [hbm4b:s2+s6], $0x80, s6, s6, $0xb8;
	[tilespmem:$0x8100] =	vst v63  }
0x2e: {  	_ = 	snop  }
0x2f: {  	[hbm4b:s11+s3] =	stream.linear.scatter [tilespmem:s7], [sflag:$0x2], $0x4000, $0x38;
	[tilespmem:$0x8100] =	vst v63  }
0x30: {  	_ =	swait.ge [sflag:s4], $0x4000  }
0x31: {  	[sflag:s4] =	ssyncset.done $0x0  }
0x32: {  	[sflag:s4] =	ssyncadd.s32 $0xFFFFC000  }
0x33: {  	_ =	swait.ge [sflag:s8], $0x4000  }
.Ltmp1:
0x34: {  	[sflag:s8] =	ssyncset.done $0x0;
	(pc) =	sbr.rel @p0 .LBB2_1-.Ltmp1, $4  }
0x35: {  	[sflag:s8] =	ssyncadd.s32 $0xFFFFC000  }
0x36: {  	[hbm4b:s12+s3] =	stream.linear.scatter [tilespmem:s10], [sflag:$0x2], $0x4000, $0x38;
	[tilespmem:$0x8100] =	vst v63  }
0x37: {  	_ =	swait.ge [sflag:s4], $0x4000  }
0x38: {  	[sflag:s4] =	ssyncset.done $0x0  }
.LBB2_2:
0x39: {  	[sflag:s4] =	ssyncadd.s32 $0xFFFFC000  }
0x3a: {  	_ =	sfence.sel $0x180000  }
0x3b: {  	[bflag:$0x0] =	sbarrier.arrive $0xFFFF  }
0x3c: {  	p0 =	sne.s32 s0, $0x0;
	_ =	strace $0x9000004A  }
0x3d: {  	s0 =	sadd.s32 @!p0 $0x100000, s1;
	[bflag:$0x2] =	sbarrier.arrive $0xFFFF  }
0x3e: {  	[sflag:s0] =	ssyncadd.tile.s32 @!p0 $0x1;
	_ =	shalt  }
.Lfunc_end2:
_tile_overlayer_lowered:
.L_overlay_start_2:
0x3f: {  	(tag) =	ssettag $0x2  }
0x40: {  	s0 =	rddreg [dreg:$0x0];
	s2 =	stileid.u32  }
0x41: {  	s1 =	rddreg [dreg:$0x1];
	p0 =	sne.s32 s2, $0x0  }
0x42: {  	s3 =	rddreg [dreg:$0x2];
	[bflag:$0x3] =	sbarrier.arrive $0xFFFF;
	s2 =	simm.s32 @!p0 $0x1C02  }
0x43: {  	[timem:s3], [sflag:s2] =	dma.local @!p0 [hbm:s0], s1  }
0x44: {  	s0 =	simm.s32 @!p0 $0x2  }
0x45: {  	_ =	swait.ge @!p0 [sflag:s0], s1  }
0x46: {  	s1 =	ssub.s32 @!p0 $0x0, s1;
	[sflag:s0] =	ssyncset.done @!p0 $0x0  }
0x47: {  	[sflag:s0] =	ssyncadd.s32 @!p0 s1  }
0x48: {  	[bflag:$0x3] =	sbarrier.arrive $0xFFFF  }
0x49: {  	_ =	shalt  }

// kernel: kernel.29.cloned.1.call-start
scs
__scs_entry_jumppad:
0x0: {  	(pc) =	sbr.rel $0x88, $3  }
0x1: {  	(tag) =	ssettag $0x0;
	lr =	simm.s32 $0x1  }
0x2: {  	[smem:$0x3F75] =	sst lr;
	_ =	strace $0xD0000000  }
0x3: {  	_ = 	snop  }
0x4: {  	_ = 	snop  }
0x5: {  	_ = 	snop  }
0x6: {  	_ = 	snop  }
0x7: {  	_ = 	snop  }
__scs_overlays_trampoline_lowered:
0x8: {  	[smem:$0x3F84] =	sst s0  }
0x9: {  	[smem:$0x3F85] =	sst s1  }
0xa: {  	[smem:$0x3F86] =	sst s2  }
0xb: {  	[smem:$0x3F87] =	sst s3  }
0xc: {  	[smem:$0x3F88] =	sst s4  }
0xd: {  	[smem:$0x3F89] =	sst s5  }
0xe: {  	[smem:$0x3F8A] =	sst s6  }
0xf: {  	[smem:$0x3F8B] =	sst s7  }
0x10: {  	[smem:$0x3F8C] =	sst s8  }
0x11: {  	[smem:$0x3F8D] =	sst s9;
	s0 =	simm.s32 @!p0 $0x0  }
0x12: {  	s1 =	sld [smem:$0x3F73];
	s0 =	simm.s32 @p0 $0x1  }
0x13: {  	[smem:$0x3F8E] =	sst s0;
	s0 =	simm.s32 @!p1 $0x0  }
0x14: {  	s2 =	sld [smem:$0x3F72];
	s0 =	simm.s32 @p1 $0x1  }
0x15: {  	[smem:$0x3F8F] =	sst s0;
	s0 =	simm.s32 @!p2 $0x0  }
0x16: {  	s3 =	sld [smem:$0x3FDB];
	s0 =	simm.s32 @p2 $0x1  }
0x17: {  	s4 =	simm.s32 $0x1BF5;
	[smem:$0x3F91] =	sst s0  }
0x18: {  	s0 =	sld [smem:$0x3F74];
	_ =	swait.ge [sflag:s4], $0x0  }
0x19: {  	s7 =	sld [smem:$0x3F75]  }
0x1a: {  	s8 =	sadd.s32 $0xFFFFE003, lr  }
0x1b: {  	s9 =	sadd.s32 $0xFFFFFEF7, lr;
	s5 =	simm.s32 $0xFFFFFFFF;
	p2 =	slt.u32 s8, $0xFFFFF086  }
0x1c: {  	p1 =	slt.u32 s9, $0xF7A;
	s5 =	simm.s32 @!p2 $0x0  }
0x1d: {  	s5 =	simm.s32 @p1 $0x1;
	p0 =	seq.s32 s7, s2  }
0x1e: {  	s7 =	smul.u32 @!p0 $0xF7A, s2;
	p2 =	seq.s32 @!p0 s5, $0x0  }
0x1f: {  	s9 =	smul.u32 $0xF7A, s1;
	s8 =	simm.s32 @!p0 $0x1BF5;
	p2 =	por !p2, p0  }
0x20: {  	[sflag:s8] =	ssyncset.s32 @!p0 $0xFFFFF086;
	s6 =	sadd.s32 @!p0 s3, s7;
	s7 =	simm.s32 @!p0 $0x108  }
0x21: {  	s3 =	sadd.s32 s3, s9;
	s6 =	sadd.s32 @!p0 $0x88, s6;
	s7 =	simm.s32 @p2 $0x1082  }
0x22: {  	[simem:s7], [sflag:s8] =	dma.local @!p0 [hbm:s6], $0xF7A  }
0x23: {  	s9 =	sor.u32 $0xD0000000, s2;
	s6 =	simm.s32 $0x108;
	_ =	swait.ge @!p0 [sflag:s8], $0x0  }
0x24: {  	s3 =	sadd.s32 $0x88, s3;
	s6 =	simm.s32 @!p1 $0x1082;
	[sflag:s4] =	ssyncset.s32 $0xFFFFF086  }
0x25: {  	[simem:s6], [sflag:s4] =	dma.local [hbm:s3], $0xF7A  }
0x26: {  	[smem:$0x3F75] =	sst s1;
	(tag) =	ssettag s2;
	_ =	strace s9  }
0x27: {  	s1 =	sld [smem:$0x3F85]  }
0x28: {  	s2 =	sld [smem:$0x3F86]  }
0x29: {  	s4 =	sld [smem:$0x3F88]  }
0x2a: {  	p0 =	seq.s32 s5, $0x0;
	s5 =	sld [smem:$0x3F89]  }
0x2b: {  	s6 =	sld [smem:$0x3F8A]  }
0x2c: {  	s7 =	sld [smem:$0x3F8B]  }
0x2d: {  	s3 =	simm.s32 $0x108;
	s8 =	sld [smem:$0x3F8C]  }
0x2e: {  	s3 =	simm.s32 @!p0 $0x1082;
	s9 =	sld [smem:$0x3F8D]  }
0x2f: {  	lr =	sadd.s32 s0, s3;
	s0 =	sld [smem:$0x3F84]  }
0x30: {  	s3 =	sld [smem:$0x3F87]  }
0x31: {  	[smem:$0x3F90] =	sst s10  }
0x32: {  	s10 =	sld [smem:$0x3F8E];
	_ =	sdelay $0x3  }
0x33: {  	p0 =	seq.s32 s10, $0x1;
	s10 =	sld [smem:$0x3F90];
	_ =	sdelay $0x3  }
0x34: {  	[smem:$0x3F90] =	sst s10  }
0x35: {  	s10 =	sld [smem:$0x3F8F];
	_ =	sdelay $0x3  }
0x36: {  	p1 =	seq.s32 s10, $0x1;
	s10 =	sld [smem:$0x3F90];
	_ =	sdelay $0x3  }
0x37: {  	[smem:$0x3F90] =	sst s10  }
0x38: {  	s10 =	sld [smem:$0x3F91]  }
0x39: {  	_ = 	snop;
	(pc) =	sbr.ind lr, $3  }
0x3a: {  	_ = 	snop  }
0x3b: {  	_ = 	snop  }
0x3c: {  	p2 =	seq.s32 s10, $0x1;
	s10 =	sld [smem:$0x3F90]  }
0x3d: {  	_ =	shalt  }
0x3e: {  	_ =	shalt  }
0x3f: {  	_ =	shalt  }
0x40: {  	_ =	shalt  }
0x41: {  	_ =	shalt  }
0x42: {  	_ =	shalt  }
0x43: {  	_ =	shalt  }
0x44: {  	_ =	shalt  }
0x45: {  	_ =	shalt  }
0x46: {  	_ =	shalt  }
0x47: {  	_ =	shalt  }
0x48: {  	_ =	shalt  }
0x49: {  	_ =	shalt  }
0x4a: {  	_ =	shalt  }
0x4b: {  	_ =	shalt  }
0x4c: {  	_ =	shalt  }
0x4d: {  	_ =	shalt  }
0x4e: {  	_ =	shalt  }
0x4f: {  	_ =	shalt  }
0x50: {  	_ =	shalt  }
0x51: {  	_ =	shalt  }
0x52: {  	_ =	shalt  }
0x53: {  	_ =	shalt  }
0x54: {  	_ =	shalt  }
0x55: {  	_ =	shalt  }
0x56: {  	_ =	shalt  }
0x57: {  	_ =	shalt  }
0x58: {  	_ =	shalt  }
0x59: {  	_ =	shalt  }
0x5a: {  	_ =	shalt  }
0x5b: {  	_ =	shalt  }
0x5c: {  	_ =	shalt  }
0x5d: {  	_ =	shalt  }
0x5e: {  	_ =	shalt  }
0x5f: {  	_ =	shalt  }
0x60: {  	_ =	shalt  }
0x61: {  	_ =	shalt  }
0x62: {  	_ =	shalt  }
0x63: {  	_ =	shalt  }
0x64: {  	_ =	shalt  }
0x65: {  	_ =	shalt  }
0x66: {  	_ =	shalt  }
0x67: {  	_ =	shalt  }
0x68: {  	_ =	shalt  }
0x69: {  	_ =	shalt  }
0x6a: {  	_ =	shalt  }
0x6b: {  	_ =	shalt  }
0x6c: {  	_ =	shalt  }
0x6d: {  	_ =	shalt  }
0x6e: {  	_ =	shalt  }
0x6f: {  	_ =	shalt  }
0x70: {  	_ =	shalt  }
0x71: {  	_ =	shalt  }
0x72: {  	_ =	shalt  }
0x73: {  	_ =	shalt  }
0x74: {  	_ =	shalt  }
0x75: {  	_ =	shalt  }
0x76: {  	_ =	shalt  }
0x77: {  	_ =	shalt  }
0x78: {  	_ =	shalt  }
0x79: {  	_ =	shalt  }
0x7a: {  	_ =	shalt  }
0x7b: {  	_ =	shalt  }
0x7c: {  	_ =	shalt  }
0x7d: {  	_ =	shalt  }
0x7e: {  	_ =	shalt  }
0x7f: {  	_ =	shalt  }
0x80: {  	_ =	shalt  }
0x81: {  	_ =	shalt  }
0x82: {  	_ =	shalt  }
0x83: {  	_ =	shalt  }
0x84: {  	_ =	shalt  }
0x85: {  	_ =	shalt  }
0x86: {  	_ =	shalt  }
0x87: {  	_ =	shalt  }
.Lfunc_end0:
.L_simem_size_0:
called_computation.2_lowered:
.L_overlay_start_0:
0x88: {  	s2 =	sld [smem:$0x3FD9]  }
0x89: {  	s3 =	sld [smem:$0x3FFE];
	_ =	sdelay $0x1  }
0x8a: {  	s1 =	srdreg.scid  }
0x8b: {  	s0 =	sand.u32 $0x1, s1  }
0x8c: {  	s14 =	sshll.u32 s0, $0xA;
	s2 =	sadd.s32 s3, s2  }
0x8d: {  	s2 =	sadd.s32 s2, s14  }
0x8e: {  	[smem:$0x3F9C] =	sst s2  }
0x8f: {  	_ = 	snop  }
0x90: {  	s2 =	sld [smem:$0x3FD0];
	_ =	sdelay $0x2  }
0x91: {  	s15 =	simm.s32 $0xB;
	s4 =	simm.s32 $0x10  }
0x92: {  	[smem:s4], [sflag:s15] =	dma.local [hbm:s2], $0x1  }
0x93: {  	_ =	swait.eq [sflag:s15], $0x1  }
0x94: {  	[sflag:s15] =	ssyncset.done $0x0  }
0x95: {  	[sflag:s15] =	ssyncadd.s32 $0xFFFFFFFF  }
0x96: {  	s16 =	sld [smem:$0x10];
	(tm) =	ssettm $0x1  }
0x97: {  	s17 =	sld [smem:$0x3FFB];
	_ =	sdelay $0x3  }
0x98: {  	_ =	strace s17  }
0x99: {  	s3 =	sld [smem:$0x3FFC];
	_ =	sdelay $0x3  }
0x9a: {  	_ =	strace s3  }
0x9b: {  	s3 =	sld [smem:$0x3FFD];
	_ =	sdelay $0x3  }
0x9c: {  	_ =	strace s3  }
0x9d: {  	_ =	strace $0x8FFFFFFF  }
0x9e: {  	s18 =	sld [smem:$0x3FDB];
	_ =	sdelay $0x1  }
0x9f: {  	s19 =	simm.s32 $_scs_section_size  }
0xa0: {  	s5 =	simm.s32 $_size__tile_overlayer_lowered;
	s6 =	simm.s32 $_tile_overlayer_lowered  }
0xa1: {  	s22 =	simm.s32 $0x1BFF;
	s21 =	sshll.u32 s6, $0x1;
	s3 =	sadd.s32 s19, s18  }
0xa2: {  	s7 =	simm.s32 $0x0;
	s20 =	sshll.u32 s5, $0x1;
	s5 =	sadd.s32 s21, s3  }
0xa3: {  	[timem:s7], [sflag:s22] =	dma.local [hbm:s5], s20  }
0xa4: {  	_ =	swait.ge [sflag:s22], s20  }
0xa5: {  	s4 =	ssub.s32 $0x0, s20;
	[sflag:s22] =	ssyncset.done $0x0  }
0xa6: {  	[sflag:s22] =	ssyncadd.s32 s4;
	_ =	sdelay $0x1  }
0xa7: {  	s23 =	simm.s32 $0x1B8B  }
0xa8: {  	_ =	swait.ge [sflag:s23], $0x1  }
0xa9: {  	[sflag:s23] =	ssyncset.done $0x0  }
0xaa: {  	s25 =	simm.s32 $0x1B8E;
	s24 =	sld [smem:$0x3FFE];
	[sflag:s23] =	ssyncadd.s32 $0xFFFFFFFF  }
0xab: {  	s26 =	simm.s32 $execute0_lowered;
	[smem:$0x3FD2] =	sst s25  }
0xac: {  	s5 =	sshll.u32 s26, $0x1;
	_ =	strace $0x8000004C;
	[dreg:$0x1] =	wrdreg $0xFFFFFFFF  }
0xad: {  	s28 =	simm.s32 $_size_execute0_lowered;
	s3 =	sadd.s32 s3, s5;
	[dreg:$0x0] =	wrdreg $0x0  }
0xae: {  	s5 =	sshll.u32 s28, $0x1;
	[dreg:$0x2] =	wrdreg s3  }
0xaf: {  	[dreg:$0x3] =	wrdreg s5  }
0xb0: {  	[dreg:$0x4] =	wrdreg $0xC0  }
0xb1: {  	_ =	task [dreg:s7], $0x5FFFF  }
0xb2: {  	[dreg:$0x1] =	wrdreg $0xFFFFFFFF  }
0xb3: {  	[dreg:$0x0] =	wrdreg $0x60  }
0xb4: {  	[dreg:$0x2] =	wrdreg s24  }
0xb5: {  	[dreg:$0x3] =	wrdreg s16  }
0xb6: {  	[dreg:$0x4] =	wrdreg $0x9  }
0xb7: {  	_ =	task.clear_ibuf [dreg:s7], $0x5FFFF;
	_ =	strace $0x9000004C  }
0xb8: {  	s29 =	simm.s32 $0x9;
	_ =	strace $0x8000004E  }
0xb9: {  	_ =	swait.ge [sflag:s29], $0x1  }
0xba: {  	[sflag:s29] =	ssyncadd.s32 $0xFFFFFFFF  }
0xbb: {  	_ =	strace $0x9000004E  }
0xbc: {  	_ =	sfence  }
0xbd: {  	s30 =	sld [smem:$0x0];
	_ =	sdelay $0x2  }
0xbe: {  	s31 =	sshll.u32 s1, $0xD;
	s1 =	sshrl.u32 s1, $0x2  }
0xbf: {  	s3 =	sand.u32 $0x4000, s31;
	s1 =	sadd.s32 s1, s30  }
0xc0: {  	s0 =	sor.u32 s3, s0;
	s1 =	sshll.u32 s1, $0x11  }
0xc1: {  	s0 =	sor.u32 s1, s0  }
0xc2: {  	s0 =	sadd.s32 $0x8F2B, s0  }
0xc3: {  	[sflag:s0] =	ssyncadd.remote.s32 $0x1  }
0xc4: {  	_ =	sfence.sel $0xFFFF  }
0xc5: {  	[dreg:$0x0] =	wrdreg $0xFFFFFFFF;
	(pc) =	sbr.abs _section_cstart, $3  }
0xc6: {  	[dreg:$0x1] =	wrdreg $0xFFFFFFFF  }
0xc7: {  	_ =	task.clear_ibuf [dreg:s7], $0x2FFFF;
	_ =	strace $0x9FFFFFFF  }
0xc8: {  	(tm) =	ssettm $0x7FFFFFFF  }
0xc9: {  	_ =	shalt  }
tec
execute0_lowered:
.L_overlay_start_1:
0x0: {  	(tag) =	ssettag $0x1  }
0x1: {  	s1 =	srdreg.scid;
	s0 =	stileid.u32  }
0x2: {  	s12 =	sand.u32 $0x1, s1;
	s31 =	sshll.u32 s0, $0x1  }
0x3: {  	s2 =	rddreg [dreg:$0x0];
	s9 =	sor.u32 s12, s31  }
0x4: {  	s4 =	rddreg [dreg:$0x1];
	s5 =	smul.u32 $0x140, s9  }
0x5: {  	s3 =	simm.s32 $0x0;
	s1 =	rddreg [dreg:$0x2]  }
0x6: {  	[smem:$0x7FF] =	sst s3;
	s5 =	sshrl.u32 s5, $0x3  }
0x7: {  	_ =	strace $0x8000004D;
	s5 =	sadd.s32 s4, s5;
	s4 =	simm.s32 $0x2  }
0x8: {  	[tilespmem:s3], [sflag:$0x2] =	stream.linear.gather [hbm4b:s5+s3], $0x80, $0x38;
	[tilespmem:$0x8100] =	vst v63  }
0x9: {  	_ =	swait.ge [sflag:s4], $0x80  }
0xa: {  	s6 =	simm.s32 $0x80;
	[sflag:s4] =	ssyncset.done $0x0  }
0xb: {  	s7 =	simm.s32 $0x100;
	s8 =	simm.s32 $0x1;
	[sflag:s4] =	ssyncadd.s32 $0xFFFFFF80  }
0xc: {  	[tilespmem:s7], [sflag:$0x1] =	stream.indirect.gather [hbm4b:s2+s6], $0x80, s3, s6, $0xb8;
	[tilespmem:$0x8100] =	vst v63  }
0xd: {  	_ =	swait.ge [sflag:s8], $0x4000  }
0xe: {  	[sflag:s8] =	ssyncset.done $0x0  }
0xf: {  	s10 =	smul.u32 $0xA000, s9;
	s9 =	sadd.s32 $0x10, s5;
	[sflag:s8] =	ssyncadd.s32 $0xFFFFC000  }
0x10: {  	[tilespmem:s6], [sflag:$0x2] =	stream.linear.gather [hbm4b:s9+s3], $0x80, $0x38;
	[tilespmem:$0x8100] =	vst v63  }
0x11: {  	_ =	swait.ge [sflag:s4], $0x80  }
0x12: {  	s10 =	sshrl.u32 s10, $0x3;
	[sflag:s4] =	ssyncset.done $0x0  }
0x13: {  	s13 =	sadd.s32 s10, s2;
	s10 =	simm.s32 $0x4100;
	[sflag:s4] =	ssyncadd.s32 $0xFFFFFF80  }
0x14: {  	[tilespmem:s10], [sflag:$0x1] =	stream.indirect.gather [hbm4b:s2+s6], $0x80, s6, s6, $0xb8;
	[tilespmem:$0x8100] =	vst v63  }
0x15: {  	s12 =	ssub.s32 $0x2, s12;
	s11 =	sadd.s32 $0x20000, s13  }
0x16: {  	[hbm4b:s11+s3] =	stream.linear.scatter [tilespmem:s7], [sflag:$0x2], $0x4000, $0x38;
	[tilespmem:$0x8100] =	vst v63  }
0x17: {  	s14 =	sshrl.u32 s12, $0x1;
	_ =	swait.ge [sflag:s4], $0x4000  }
0x18: {  	s12 =	ssub.s32 s12, s14;
	[sflag:s4] =	ssyncset.done $0x0  }
0x19: {  	s14 =	smax.u32 s12, $0x1;
	[sflag:s4] =	ssyncadd.s32 $0xFFFFC000  }
0x1a: {  	p0 =	sne.s32 s14, $0x1;
	_ =	swait.ge [sflag:s8], $0x4000  }
.Ltmp0:
0x1b: {  	[sflag:s8] =	ssyncset.done $0x0;
	(pc) =	sbr.rel @!p0 .LBB2_2-.Ltmp0, $4  }
0x1c: {  	s12 =	sadd.s32 $0x20800, s13;
	[sflag:s8] =	ssyncadd.s32 $0xFFFFC000  }
0x1d: {  	[hbm4b:s12+s3] =	stream.linear.scatter [tilespmem:s10], [sflag:$0x2], $0x4000, $0x38;
	[tilespmem:$0x8100] =	vst v63  }
0x1e: {  	_ =	swait.ge [sflag:s4], $0x4000  }
0x1f: {  	s13 =	sadd.s32 $0xFFFFFFFF, s14;
	[sflag:s4] =	ssyncset.done $0x0  }
.LBB2_1:
0x20: {  	p0 =	sne.s32 s13, $0x1;
	s13 =	sadd.s32 $0xFFFFFFFF, s13;
	[sflag:s4] =	ssyncadd.s32 $0xFFFFC000  }
0x21: {  	[tilespmem:s3], [sflag:$0x2] =	stream.linear.gather [hbm4b:s5+s3], $0x80, $0x38;
	[tilespmem:$0x8100] =	vst v63  }
0x22: {  	_ =	swait.ge [sflag:s4], $0x80  }
0x23: {  	[sflag:s4] =	ssyncset.done $0x0  }
0x24: {  	[sflag:s4] =	ssyncadd.s32 $0xFFFFFF80  }
0x25: {  	[tilespmem:s7], [sflag:$0x1] =	stream.indirect.gather [hbm4b:s2+s6], $0x80, s3, s6, $0xb8;
	[tilespmem:$0x8100] =	vst v63  }
0x26: {  	_ =	swait.ge [sflag:s8], $0x4000  }
0x27: {  	[sflag:s8] =	ssyncset.done $0x0  }
0x28: {  	[sflag:s8] =	ssyncadd.s32 $0xFFFFC000  }
0x29: {  	[tilespmem:s6], [sflag:$0x2] =	stream.linear.gather [hbm4b:s9+s3], $0x80, $0x38;
	[tilespmem:$0x8100] =	vst v63  }
0x2a: {  	_ =	swait.ge [sflag:s4], $0x80  }
0x2b: {  	[sflag:s4] =	ssyncset.done $0x0  }
0x2c: {  	[sflag:s4] =	ssyncadd.s32 $0xFFFFFF80  }
0x2d: {  	[tilespmem:s10], [sflag:$0x1] =	stream.indirect.gather [hbm4b:s2+s6], $0x80, s6, s6, $0xb8;
	[tilespmem:$0x8100] =	vst v63  }
0x2e: {  	_ = 	snop  }
0x2f: {  	[hbm4b:s11+s3] =	stream.linear.scatter [tilespmem:s7], [sflag:$0x2], $0x4000, $0x38;
	[tilespmem:$0x8100] =	vst v63  }
0x30: {  	_ =	swait.ge [sflag:s4], $0x4000  }
0x31: {  	[sflag:s4] =	ssyncset.done $0x0  }
0x32: {  	[sflag:s4] =	ssyncadd.s32 $0xFFFFC000  }
0x33: {  	_ =	swait.ge [sflag:s8], $0x4000  }
.Ltmp1:
0x34: {  	[sflag:s8] =	ssyncset.done $0x0;
	(pc) =	sbr.rel @p0 .LBB2_1-.Ltmp1, $4  }
0x35: {  	[sflag:s8] =	ssyncadd.s32 $0xFFFFC000  }
0x36: {  	[hbm4b:s12+s3] =	stream.linear.scatter [tilespmem:s10], [sflag:$0x2], $0x4000, $0x38;
	[tilespmem:$0x8100] =	vst v63  }
0x37: {  	_ =	swait.ge [sflag:s4], $0x4000  }
0x38: {  	[sflag:s4] =	ssyncset.done $0x0  }
.LBB2_2:
0x39: {  	[sflag:s4] =	ssyncadd.s32 $0xFFFFC000  }
0x3a: {  	_ =	sfence.sel $0x180000  }
0x3b: {  	[bflag:$0x0] =	sbarrier.arrive $0xFFFF  }
0x3c: {  	p0 =	sne.s32 s0, $0x0;
	_ =	strace $0x9000004D  }
0x3d: {  	s0 =	sadd.s32 @!p0 $0x100000, s1;
	[bflag:$0x2] =	sbarrier.arrive $0xFFFF  }
0x3e: {  	[sflag:s0] =	ssyncadd.tile.s32 @!p0 $0x1;
	_ =	shalt  }
.Lfunc_end2:
_tile_overlayer_lowered:
.L_overlay_start_2:
0x3f: {  	(tag) =	ssettag $0x2  }
0x40: {  	s0 =	rddreg [dreg:$0x0];
	s2 =	stileid.u32  }
0x41: {  	s1 =	rddreg [dreg:$0x1];
	p0 =	sne.s32 s2, $0x0  }
0x42: {  	s3 =	rddreg [dreg:$0x2];
	[bflag:$0x3] =	sbarrier.arrive $0xFFFF;
	s2 =	simm.s32 @!p0 $0x1C02  }
0x43: {  	[timem:s3], [sflag:s2] =	dma.local @!p0 [hbm:s0], s1  }
0x44: {  	s0 =	simm.s32 @!p0 $0x2  }
0x45: {  	_ =	swait.ge @!p0 [sflag:s0], s1  }
0x46: {  	s1 =	ssub.s32 @!p0 $0x0, s1;
	[sflag:s0] =	ssyncset.done @!p0 $0x0  }
0x47: {  	[sflag:s0] =	ssyncadd.s32 @!p0 s1  }
0x48: {  	[bflag:$0x3] =	sbarrier.arrive $0xFFFF  }
0x49: {  	_ =	shalt  }

// kernel: kernel.32.cloned.1.call-start
scs
__scs_entry_jumppad:
0x0: {  	(pc) =	sbr.rel $0x88, $3  }
0x1: {  	(tag) =	ssettag $0x0;
	lr =	simm.s32 $0x1  }
0x2: {  	[smem:$0x3F75] =	sst lr;
	_ =	strace $0xD0000000  }
0x3: {  	_ = 	snop  }
0x4: {  	_ = 	snop  }
0x5: {  	_ = 	snop  }
0x6: {  	_ = 	snop  }
0x7: {  	_ = 	snop  }
__scs_overlays_trampoline_lowered:
0x8: {  	[smem:$0x3F84] =	sst s0  }
0x9: {  	[smem:$0x3F85] =	sst s1  }
0xa: {  	[smem:$0x3F86] =	sst s2  }
0xb: {  	[smem:$0x3F87] =	sst s3  }
0xc: {  	[smem:$0x3F88] =	sst s4  }
0xd: {  	[smem:$0x3F89] =	sst s5  }
0xe: {  	[smem:$0x3F8A] =	sst s6  }
0xf: {  	[smem:$0x3F8B] =	sst s7  }
0x10: {  	[smem:$0x3F8C] =	sst s8  }
0x11: {  	[smem:$0x3F8D] =	sst s9;
	s0 =	simm.s32 @!p0 $0x0  }
0x12: {  	s1 =	sld [smem:$0x3F73];
	s0 =	simm.s32 @p0 $0x1  }
0x13: {  	[smem:$0x3F8E] =	sst s0;
	s0 =	simm.s32 @!p1 $0x0  }
0x14: {  	s2 =	sld [smem:$0x3F72];
	s0 =	simm.s32 @p1 $0x1  }
0x15: {  	[smem:$0x3F8F] =	sst s0;
	s0 =	simm.s32 @!p2 $0x0  }
0x16: {  	s3 =	sld [smem:$0x3FDB];
	s0 =	simm.s32 @p2 $0x1  }
0x17: {  	s4 =	simm.s32 $0x1BF5;
	[smem:$0x3F91] =	sst s0  }
0x18: {  	s0 =	sld [smem:$0x3F74];
	_ =	swait.ge [sflag:s4], $0x0  }
0x19: {  	s7 =	sld [smem:$0x3F75]  }
0x1a: {  	s8 =	sadd.s32 $0xFFFFE003, lr  }
0x1b: {  	s9 =	sadd.s32 $0xFFFFFEF7, lr;
	s5 =	simm.s32 $0xFFFFFFFF;
	p2 =	slt.u32 s8, $0xFFFFF086  }
0x1c: {  	p1 =	slt.u32 s9, $0xF7A;
	s5 =	simm.s32 @!p2 $0x0  }
0x1d: {  	s5 =	simm.s32 @p1 $0x1;
	p0 =	seq.s32 s7, s2  }
0x1e: {  	s7 =	smul.u32 @!p0 $0xF7A, s2;
	p2 =	seq.s32 @!p0 s5, $0x0  }
0x1f: {  	s9 =	smul.u32 $0xF7A, s1;
	s8 =	simm.s32 @!p0 $0x1BF5;
	p2 =	por !p2, p0  }
0x20: {  	[sflag:s8] =	ssyncset.s32 @!p0 $0xFFFFF086;
	s6 =	sadd.s32 @!p0 s3, s7;
	s7 =	simm.s32 @!p0 $0x108  }
0x21: {  	s3 =	sadd.s32 s3, s9;
	s6 =	sadd.s32 @!p0 $0x88, s6;
	s7 =	simm.s32 @p2 $0x1082  }
0x22: {  	[simem:s7], [sflag:s8] =	dma.local @!p0 [hbm:s6], $0xF7A  }
0x23: {  	s9 =	sor.u32 $0xD0000000, s2;
	s6 =	simm.s32 $0x108;
	_ =	swait.ge @!p0 [sflag:s8], $0x0  }
0x24: {  	s3 =	sadd.s32 $0x88, s3;
	s6 =	simm.s32 @!p1 $0x1082;
	[sflag:s4] =	ssyncset.s32 $0xFFFFF086  }
0x25: {  	[simem:s6], [sflag:s4] =	dma.local [hbm:s3], $0xF7A  }
0x26: {  	[smem:$0x3F75] =	sst s1;
	(tag) =	ssettag s2;
	_ =	strace s9  }
0x27: {  	s1 =	sld [smem:$0x3F85]  }
0x28: {  	s2 =	sld [smem:$0x3F86]  }
0x29: {  	s4 =	sld [smem:$0x3F88]  }
0x2a: {  	p0 =	seq.s32 s5, $0x0;
	s5 =	sld [smem:$0x3F89]  }
0x2b: {  	s6 =	sld [smem:$0x3F8A]  }
0x2c: {  	s7 =	sld [smem:$0x3F8B]  }
0x2d: {  	s3 =	simm.s32 $0x108;
	s8 =	sld [smem:$0x3F8C]  }
0x2e: {  	s3 =	simm.s32 @!p0 $0x1082;
	s9 =	sld [smem:$0x3F8D]  }
0x2f: {  	lr =	sadd.s32 s0, s3;
	s0 =	sld [smem:$0x3F84]  }
0x30: {  	s3 =	sld [smem:$0x3F87]  }
0x31: {  	[smem:$0x3F90] =	sst s10  }
0x32: {  	s10 =	sld [smem:$0x3F8E];
	_ =	sdelay $0x3  }
0x33: {  	p0 =	seq.s32 s10, $0x1;
	s10 =	sld [smem:$0x3F90];
	_ =	sdelay $0x3  }
0x34: {  	[smem:$0x3F90] =	sst s10  }
0x35: {  	s10 =	sld [smem:$0x3F8F];
	_ =	sdelay $0x3  }
0x36: {  	p1 =	seq.s32 s10, $0x1;
	s10 =	sld [smem:$0x3F90];
	_ =	sdelay $0x3  }
0x37: {  	[smem:$0x3F90] =	sst s10  }
0x38: {  	s10 =	sld [smem:$0x3F91]  }
0x39: {  	_ = 	snop;
	(pc) =	sbr.ind lr, $3  }
0x3a: {  	_ = 	snop  }
0x3b: {  	_ = 	snop  }
0x3c: {  	p2 =	seq.s32 s10, $0x1;
	s10 =	sld [smem:$0x3F90]  }
0x3d: {  	_ =	shalt  }
0x3e: {  	_ =	shalt  }
0x3f: {  	_ =	shalt  }
0x40: {  	_ =	shalt  }
0x41: {  	_ =	shalt  }
0x42: {  	_ =	shalt  }
0x43: {  	_ =	shalt  }
0x44: {  	_ =	shalt  }
0x45: {  	_ =	shalt  }
0x46: {  	_ =	shalt  }
0x47: {  	_ =	shalt  }
0x48: {  	_ =	shalt  }
0x49: {  	_ =	shalt  }
0x4a: {  	_ =	shalt  }
0x4b: {  	_ =	shalt  }
0x4c: {  	_ =	shalt  }
0x4d: {  	_ =	shalt  }
0x4e: {  	_ =	shalt  }
0x4f: {  	_ =	shalt  }
0x50: {  	_ =	shalt  }
0x51: {  	_ =	shalt  }
0x52: {  	_ =	shalt  }
0x53: {  	_ =	shalt  }
0x54: {  	_ =	shalt  }
0x55: {  	_ =	shalt  }
0x56: {  	_ =	shalt  }
0x57: {  	_ =	shalt  }
0x58: {  	_ =	shalt  }
0x59: {  	_ =	shalt  }
0x5a: {  	_ =	shalt  }
0x5b: {  	_ =	shalt  }
0x5c: {  	_ =	shalt  }
0x5d: {  	_ =	shalt  }
0x5e: {  	_ =	shalt  }
0x5f: {  	_ =	shalt  }
0x60: {  	_ =	shalt  }
0x61: {  	_ =	shalt  }
0x62: {  	_ =	shalt  }
0x63: {  	_ =	shalt  }
0x64: {  	_ =	shalt  }
0x65: {  	_ =	shalt  }
0x66: {  	_ =	shalt  }
0x67: {  	_ =	shalt  }
0x68: {  	_ =	shalt  }
0x69: {  	_ =	shalt  }
0x6a: {  	_ =	shalt  }
0x6b: {  	_ =	shalt  }
0x6c: {  	_ =	shalt  }
0x6d: {  	_ =	shalt  }
0x6e: {  	_ =	shalt  }
0x6f: {  	_ =	shalt  }
0x70: {  	_ =	shalt  }
0x71: {  	_ =	shalt  }
0x72: {  	_ =	shalt  }
0x73: {  	_ =	shalt  }
0x74: {  	_ =	shalt  }
0x75: {  	_ =	shalt  }
0x76: {  	_ =	shalt  }
0x77: {  	_ =	shalt  }
0x78: {  	_ =	shalt  }
0x79: {  	_ =	shalt  }
0x7a: {  	_ =	shalt  }
0x7b: {  	_ =	shalt  }
0x7c: {  	_ =	shalt  }
0x7d: {  	_ =	shalt  }
0x7e: {  	_ =	shalt  }
0x7f: {  	_ =	shalt  }
0x80: {  	_ =	shalt  }
0x81: {  	_ =	shalt  }
0x82: {  	_ =	shalt  }
0x83: {  	_ =	shalt  }
0x84: {  	_ =	shalt  }
0x85: {  	_ =	shalt  }
0x86: {  	_ =	shalt  }
0x87: {  	_ =	shalt  }
.Lfunc_end0:
.L_simem_size_0:
called_computation.3_lowered:
.L_overlay_start_0:
0x88: {  	s2 =	sld [smem:$0x3FD9]  }
0x89: {  	s3 =	sld [smem:$0x3FFE];
	_ =	sdelay $0x1  }
0x8a: {  	s1 =	srdreg.scid  }
0x8b: {  	s0 =	sand.u32 $0x1, s1  }
0x8c: {  	s16 =	sshll.u32 s0, $0xA;
	s2 =	sadd.s32 s3, s2  }
0x8d: {  	s2 =	sadd.s32 s2, s16  }
0x8e: {  	[smem:$0x3F9C] =	sst s2  }
0x8f: {  	_ = 	snop  }
0x90: {  	(tm) =	ssettm $0x1  }
0x91: {  	s17 =	sld [smem:$0x3FFB];
	_ =	sdelay $0x3  }
0x92: {  	_ =	strace s17  }
0x93: {  	s2 =	sld [smem:$0x3FFC];
	_ =	sdelay $0x3  }
0x94: {  	_ =	strace s2  }
0x95: {  	s2 =	sld [smem:$0x3FFD];
	_ =	sdelay $0x3  }
0x96: {  	_ =	strace s2  }
0x97: {  	_ =	strace $0x8FFFFFFF  }
0x98: {  	s18 =	sld [smem:$0x3FDB];
	_ =	sdelay $0x1  }
0x99: {  	s19 =	simm.s32 $_scs_section_size  }
0x9a: {  	s4 =	simm.s32 $_size__tile_overlayer_lowered;
	s5 =	simm.s32 $_tile_overlayer_lowered  }
0x9b: {  	s22 =	simm.s32 $0x1BFF;
	s21 =	sshll.u32 s5, $0x1;
	s2 =	sadd.s32 s19, s18  }
0x9c: {  	s6 =	simm.s32 $0x0;
	s20 =	sshll.u32 s4, $0x1;
	s4 =	sadd.s32 s21, s2  }
0x9d: {  	[timem:s6], [sflag:s22] =	dma.local [hbm:s4], s20  }
0x9e: {  	_ =	swait.ge [sflag:s22], s20  }
0x9f: {  	s3 =	ssub.s32 $0x0, s20;
	[sflag:s22] =	ssyncset.done $0x0  }
0xa0: {  	[sflag:s22] =	ssyncadd.s32 s3;
	_ =	sdelay $0x1  }
0xa1: {  	s23 =	simm.s32 $0x1B8B  }
0xa2: {  	_ =	swait.ge [sflag:s23], $0x1  }
0xa3: {  	[sflag:s23] =	ssyncset.done $0x0  }
0xa4: {  	s25 =	simm.s32 $0x1B8E;
	s24 =	sld [smem:$0x3FFE];
	[sflag:s23] =	ssyncadd.s32 $0xFFFFFFFF  }
0xa5: {  	s26 =	simm.s32 $execute0_lowered;
	[smem:$0x3FD2] =	sst s25  }
0xa6: {  	s4 =	sshll.u32 s26, $0x1;
	_ =	strace $0x8000004F;
	[dreg:$0x1] =	wrdreg $0xFFFFFFFF  }
0xa7: {  	s28 =	simm.s32 $_size_execute0_lowered;
	s2 =	sadd.s32 s2, s4;
	[dreg:$0x0] =	wrdreg $0x0  }
0xa8: {  	s4 =	sshll.u32 s28, $0x1;
	[dreg:$0x2] =	wrdreg s2  }
0xa9: {  	[dreg:$0x3] =	wrdreg s4  }
0xaa: {  	[dreg:$0x4] =	wrdreg $0xC0  }
0xab: {  	_ =	task [dreg:s6], $0x5FFFF  }
0xac: {  	[dreg:$0x1] =	wrdreg $0xFFFFFFFF  }
0xad: {  	[dreg:$0x0] =	wrdreg $0x60  }
0xae: {  	[dreg:$0x2] =	wrdreg s24  }
0xaf: {  	[dreg:$0x3] =	wrdreg $0xA  }
0xb0: {  	_ =	task.clear_ibuf [dreg:s6], $0x4FFFF;
	_ =	strace $0x9000004F  }
0xb1: {  	s29 =	simm.s32 $0xA;
	_ =	strace $0x80000051  }
0xb2: {  	_ =	swait.ge [sflag:s29], $0x1  }
0xb3: {  	[sflag:s29] =	ssyncadd.s32 $0xFFFFFFFF  }
0xb4: {  	_ =	strace $0x90000051  }
0xb5: {  	_ =	sfence  }
0xb6: {  	s30 =	sld [smem:$0x0];
	_ =	sdelay $0x2  }
0xb7: {  	s31 =	sshll.u32 s1, $0xD;
	s1 =	sshrl.u32 s1, $0x2  }
0xb8: {  	s3 =	sand.u32 $0x4000, s31;
	s1 =	sadd.s32 s1, s30  }
0xb9: {  	s0 =	sor.u32 s3, s0;
	s1 =	sshll.u32 s1, $0x11  }
0xba: {  	s0 =	sor.u32 s1, s0  }
0xbb: {  	s0 =	sadd.s32 $0x8F2B, s0  }
0xbc: {  	[sflag:s0] =	ssyncadd.remote.s32 $0x1  }
0xbd: {  	_ =	sfence.sel $0xFFFF  }
0xbe: {  	[dreg:$0x0] =	wrdreg $0xFFFFFFFF;
	(pc) =	sbr.abs _section_cstart, $3  }
0xbf: {  	[dreg:$0x1] =	wrdreg $0xFFFFFFFF  }
0xc0: {  	_ =	task.clear_ibuf [dreg:s6], $0x2FFFF;
	_ =	strace $0x9FFFFFFF  }
0xc1: {  	(tm) =	ssettm $0x7FFFFFFF  }
tec
execute0_lowered:
.L_overlay_start_1:
0x0: {  	(tag) =	ssettag $0x1  }
0x1: {  	s1 =	srdreg.scid;
	s0 =	stileid.u32  }
0x2: {  	s6 =	sand.u32 $0x1, s1;
	s31 =	sshll.u32 s0, $0x1  }
0x3: {  	s7 =	sor.u32 s6, s31  }
0x4: {  	s2 =	rddreg [dreg:$0x0];
	s3 =	simm.s32 $0x0;
	s4 =	smul.u32 $0x18, s7  }
0x5: {  	s8 =	simm.s32 $0x1;
	[smem:$0x7FF] =	sst s3  }
0x6: {  	s1 =	rddreg [dreg:$0x1];
	_ =	strace $0x80000050;
	s4 =	sadd.s32 s4, s2  }
0x7: {  	s10 =	ssub.s32 $0x2, s6;
	s5 =	sadd.s32 $0x20000, s4;
	s4 =	simm.s32 $0x2  }
0x8: {  	[tilespmem:s3], [sflag:$0x2] =	stream.linear.gather [hbm4b:s5+s3], $0x80, $0x38;
	[tilespmem:$0x8100] =	vst v63  }
0x9: {  	s6 =	simm.s32 $0x80;
	s11 =	sshrl.u32 s10, $0x1;
	_ =	swait.ge [sflag:s4], $0x80  }
0xa: {  	s9 =	smul.u32 $0xC00, s7;
	s10 =	ssub.s32 s10, s11;
	[sflag:s4] =	ssyncset.done $0x0  }
0xb: {  	s7 =	simm.s32 $0x100;
	s10 =	smax.u32 s10, $0x1;
	[sflag:s4] =	ssyncadd.s32 $0xFFFFFF80  }
0xc: {  	[tilespmem:s7], [sflag:$0x1] =	stream.indirect.gather [hbm4b:s2+s6], $0x80, s3, s6, $0xb8;
	[tilespmem:$0x8100] =	vst v63  }
0xd: {  	p0 =	sne.s32 s10, $0x1;
	_ =	swait.ge [sflag:s8], $0x4000  }
.Ltmp0:
0xe: {  	s9 =	sadd.s32 s9, s2;
	[sflag:s8] =	ssyncset.done $0x0;
	(pc) =	sbr.rel @!p0 .LBB2_2-.Ltmp0, $4  }
0xf: {  	s9 =	sadd.s32 $0x20400, s9;
	[sflag:s8] =	ssyncadd.s32 $0xFFFFC000  }
0x10: {  	[hbm4b:s9+s3] =	stream.linear.scatter [tilespmem:s7], [sflag:$0x2], $0x4000, $0x38;
	[tilespmem:$0x8100] =	vst v63  }
0x11: {  	_ =	swait.ge [sflag:s4], $0x4000  }
0x12: {  	s10 =	sadd.s32 $0xFFFFFFFF, s10;
	[sflag:s4] =	ssyncset.done $0x0  }
.LBB2_1:
0x13: {  	p0 =	sne.s32 s10, $0x1;
	s10 =	sadd.s32 $0xFFFFFFFF, s10;
	[sflag:s4] =	ssyncadd.s32 $0xFFFFC000  }
0x14: {  	[tilespmem:s3], [sflag:$0x2] =	stream.linear.gather [hbm4b:s5+s3], $0x80, $0x38;
	[tilespmem:$0x8100] =	vst v63  }
0x15: {  	_ =	swait.ge [sflag:s4], $0x80  }
0x16: {  	[sflag:s4] =	ssyncset.done $0x0  }
0x17: {  	[sflag:s4] =	ssyncadd.s32 $0xFFFFFF80  }
0x18: {  	[tilespmem:s7], [sflag:$0x1] =	stream.indirect.gather [hbm4b:s2+s6], $0x80, s3, s6, $0xb8;
	[tilespmem:$0x8100] =	vst v63  }
0x19: {  	_ =	swait.ge [sflag:s8], $0x4000  }
.Ltmp1:
0x1a: {  	[sflag:s8] =	ssyncset.done $0x0;
	(pc) =	sbr.rel @p0 .LBB2_1-.Ltmp1, $4  }
0x1b: {  	[sflag:s8] =	ssyncadd.s32 $0xFFFFC000  }
0x1c: {  	[hbm4b:s9+s3] =	stream.linear.scatter [tilespmem:s7], [sflag:$0x2], $0x4000, $0x38;
	[tilespmem:$0x8100] =	vst v63  }
0x1d: {  	_ =	swait.ge [sflag:s4], $0x4000  }
0x1e: {  	[sflag:s4] =	ssyncset.done $0x0  }
.LBB2_2:
0x1f: {  	[sflag:s4] =	ssyncadd.s32 $0xFFFFC000  }
0x20: {  	_ =	sfence.sel $0x180000  }
0x21: {  	[bflag:$0x0] =	sbarrier.arrive $0xFFFF  }
0x22: {  	p0 =	sne.s32 s0, $0x0;
	_ =	strace $0x90000050  }
0x23: {  	s0 =	sadd.s32 @!p0 $0x100000, s1;
	[bflag:$0x2] =	sbarrier.arrive $0xFFFF  }
0x24: {  	[sflag:s0] =	ssyncadd.tile.s32 @!p0 $0x1;
	_ =	shalt  }
.Lfunc_end2:
_tile_overlayer_lowered:
.L_overlay_start_2:
0x25: {  	(tag) =	ssettag $0x2  }
0x26: {  	s0 =	rddreg [dreg:$0x0];
	s2 =	stileid.u32  }
0x27: {  	s1 =	rddreg [dreg:$0x1];
	p0 =	sne.s32 s2, $0x0  }
0x28: {  	s3 =	rddreg [dreg:$0x2];
	[bflag:$0x3] =	sbarrier.arrive $0xFFFF;
	s2 =	simm.s32 @!p0 $0x1C02  }
0x29: {  	[timem:s3], [sflag:s2] =	dma.local @!p0 [hbm:s0], s1  }
0x2a: {  	s0 =	simm.s32 @!p0 $0x2  }
0x2b: {  	_ =	swait.ge @!p0 [sflag:s0], s1  }
0x2c: {  	s1 =	ssub.s32 @!p0 $0x0, s1;
	[sflag:s0] =	ssyncset.done @!p0 $0x0  }
0x2d: {  	[sflag:s0] =	ssyncadd.s32 @!p0 s1  }
0x2e: {  	[bflag:$0x3] =	sbarrier.arrive $0xFFFF  }
0x2f: {  	_ =	shalt  }

// kernel: kernel.35.cloned.1.call-start
scs
__scs_entry_jumppad:
0x0: {  	(pc) =	sbr.rel $0x88, $3  }
0x1: {  	(tag) =	ssettag $0x0;
	lr =	simm.s32 $0x1  }
0x2: {  	[smem:$0x3F75] =	sst lr;
	_ =	strace $0xD0000000  }
0x3: {  	_ = 	snop  }
0x4: {  	_ = 	snop  }
0x5: {  	_ = 	snop  }
0x6: {  	_ = 	snop  }
0x7: {  	_ = 	snop  }
__scs_overlays_trampoline_lowered:
0x8: {  	[smem:$0x3F84] =	sst s0  }
0x9: {  	[smem:$0x3F85] =	sst s1  }
0xa: {  	[smem:$0x3F86] =	sst s2  }
0xb: {  	[smem:$0x3F87] =	sst s3  }
0xc: {  	[smem:$0x3F88] =	sst s4  }
0xd: {  	[smem:$0x3F89] =	sst s5  }
0xe: {  	[smem:$0x3F8A] =	sst s6  }
0xf: {  	[smem:$0x3F8B] =	sst s7  }
0x10: {  	[smem:$0x3F8C] =	sst s8  }
0x11: {  	[smem:$0x3F8D] =	sst s9;
	s0 =	simm.s32 @!p0 $0x0  }
0x12: {  	s1 =	sld [smem:$0x3F73];
	s0 =	simm.s32 @p0 $0x1  }
0x13: {  	[smem:$0x3F8E] =	sst s0;
	s0 =	simm.s32 @!p1 $0x0  }
0x14: {  	s2 =	sld [smem:$0x3F72];
	s0 =	simm.s32 @p1 $0x1  }
0x15: {  	[smem:$0x3F8F] =	sst s0;
	s0 =	simm.s32 @!p2 $0x0  }
0x16: {  	s3 =	sld [smem:$0x3FDB];
	s0 =	simm.s32 @p2 $0x1  }
0x17: {  	s4 =	simm.s32 $0x1BF5;
	[smem:$0x3F91] =	sst s0  }
0x18: {  	s0 =	sld [smem:$0x3F74];
	_ =	swait.ge [sflag:s4], $0x0  }
0x19: {  	s7 =	sld [smem:$0x3F75]  }
0x1a: {  	s8 =	sadd.s32 $0xFFFFE003, lr  }
0x1b: {  	s9 =	sadd.s32 $0xFFFFFEF7, lr;
	s5 =	simm.s32 $0xFFFFFFFF;
	p2 =	slt.u32 s8, $0xFFFFF086  }
0x1c: {  	p1 =	slt.u32 s9, $0xF7A;
	s5 =	simm.s32 @!p2 $0x0  }
0x1d: {  	s5 =	simm.s32 @p1 $0x1;
	p0 =	seq.s32 s7, s2  }
0x1e: {  	s7 =	smul.u32 @!p0 $0xF7A, s2;
	p2 =	seq.s32 @!p0 s5, $0x0  }
0x1f: {  	s9 =	smul.u32 $0xF7A, s1;
	s8 =	simm.s32 @!p0 $0x1BF5;
	p2 =	por !p2, p0  }
0x20: {  	[sflag:s8] =	ssyncset.s32 @!p0 $0xFFFFF086;
	s6 =	sadd.s32 @!p0 s3, s7;
	s7 =	simm.s32 @!p0 $0x108  }
0x21: {  	s3 =	sadd.s32 s3, s9;
	s6 =	sadd.s32 @!p0 $0x88, s6;
	s7 =	simm.s32 @p2 $0x1082  }
0x22: {  	[simem:s7], [sflag:s8] =	dma.local @!p0 [hbm:s6], $0xF7A  }
0x23: {  	s9 =	sor.u32 $0xD0000000, s2;
	s6 =	simm.s32 $0x108;
	_ =	swait.ge @!p0 [sflag:s8], $0x0  }
0x24: {  	s3 =	sadd.s32 $0x88, s3;
	s6 =	simm.s32 @!p1 $0x1082;
	[sflag:s4] =	ssyncset.s32 $0xFFFFF086  }
0x25: {  	[simem:s6], [sflag:s4] =	dma.local [hbm:s3], $0xF7A  }
0x26: {  	[smem:$0x3F75] =	sst s1;
	(tag) =	ssettag s2;
	_ =	strace s9  }
0x27: {  	s1 =	sld [smem:$0x3F85]  }
0x28: {  	s2 =	sld [smem:$0x3F86]  }
0x29: {  	s4 =	sld [smem:$0x3F88]  }
0x2a: {  	p0 =	seq.s32 s5, $0x0;
	s5 =	sld [smem:$0x3F89]  }
0x2b: {  	s6 =	sld [smem:$0x3F8A]  }
0x2c: {  	s7 =	sld [smem:$0x3F8B]  }
0x2d: {  	s3 =	simm.s32 $0x108;
	s8 =	sld [smem:$0x3F8C]  }
0x2e: {  	s3 =	simm.s32 @!p0 $0x1082;
	s9 =	sld [smem:$0x3F8D]  }
0x2f: {  	lr =	sadd.s32 s0, s3;
	s0 =	sld [smem:$0x3F84]  }
0x30: {  	s3 =	sld [smem:$0x3F87]  }
0x31: {  	[smem:$0x3F90] =	sst s10  }
0x32: {  	s10 =	sld [smem:$0x3F8E];
	_ =	sdelay $0x3  }
0x33: {  	p0 =	seq.s32 s10, $0x1;
	s10 =	sld [smem:$0x3F90];
	_ =	sdelay $0x3  }
0x34: {  	[smem:$0x3F90] =	sst s10  }
0x35: {  	s10 =	sld [smem:$0x3F8F];
	_ =	sdelay $0x3  }
0x36: {  	p1 =	seq.s32 s10, $0x1;
	s10 =	sld [smem:$0x3F90];
	_ =	sdelay $0x3  }
0x37: {  	[smem:$0x3F90] =	sst s10  }
0x38: {  	s10 =	sld [smem:$0x3F91]  }
0x39: {  	_ = 	snop;
	(pc) =	sbr.ind lr, $3  }
0x3a: {  	_ = 	snop  }
0x3b: {  	_ = 	snop  }
0x3c: {  	p2 =	seq.s32 s10, $0x1;
	s10 =	sld [smem:$0x3F90]  }
0x3d: {  	_ =	shalt  }
0x3e: {  	_ =	shalt  }
0x3f: {  	_ =	shalt  }
0x40: {  	_ =	shalt  }
0x41: {  	_ =	shalt  }
0x42: {  	_ =	shalt  }
0x43: {  	_ =	shalt  }
0x44: {  	_ =	shalt  }
0x45: {  	_ =	shalt  }
0x46: {  	_ =	shalt  }
0x47: {  	_ =	shalt  }
0x48: {  	_ =	shalt  }
0x49: {  	_ =	shalt  }
0x4a: {  	_ =	shalt  }
0x4b: {  	_ =	shalt  }
0x4c: {  	_ =	shalt  }
0x4d: {  	_ =	shalt  }
0x4e: {  	_ =	shalt  }
0x4f: {  	_ =	shalt  }
0x50: {  	_ =	shalt  }
0x51: {  	_ =	shalt  }
0x52: {  	_ =	shalt  }
0x53: {  	_ =	shalt  }
0x54: {  	_ =	shalt  }
0x55: {  	_ =	shalt  }
0x56: {  	_ =	shalt  }
0x57: {  	_ =	shalt  }
0x58: {  	_ =	shalt  }
0x59: {  	_ =	shalt  }
0x5a: {  	_ =	shalt  }
0x5b: {  	_ =	shalt  }
0x5c: {  	_ =	shalt  }
0x5d: {  	_ =	shalt  }
0x5e: {  	_ =	shalt  }
0x5f: {  	_ =	shalt  }
0x60: {  	_ =	shalt  }
0x61: {  	_ =	shalt  }
0x62: {  	_ =	shalt  }
0x63: {  	_ =	shalt  }
0x64: {  	_ =	shalt  }
0x65: {  	_ =	shalt  }
0x66: {  	_ =	shalt  }
0x67: {  	_ =	shalt  }
0x68: {  	_ =	shalt  }
0x69: {  	_ =	shalt  }
0x6a: {  	_ =	shalt  }
0x6b: {  	_ =	shalt  }
0x6c: {  	_ =	shalt  }
0x6d: {  	_ =	shalt  }
0x6e: {  	_ =	shalt  }
0x6f: {  	_ =	shalt  }
0x70: {  	_ =	shalt  }
0x71: {  	_ =	shalt  }
0x72: {  	_ =	shalt  }
0x73: {  	_ =	shalt  }
0x74: {  	_ =	shalt  }
0x75: {  	_ =	shalt  }
0x76: {  	_ =	shalt  }
0x77: {  	_ =	shalt  }
0x78: {  	_ =	shalt  }
0x79: {  	_ =	shalt  }
0x7a: {  	_ =	shalt  }
0x7b: {  	_ =	shalt  }
0x7c: {  	_ =	shalt  }
0x7d: {  	_ =	shalt  }
0x7e: {  	_ =	shalt  }
0x7f: {  	_ =	shalt  }
0x80: {  	_ =	shalt  }
0x81: {  	_ =	shalt  }
0x82: {  	_ =	shalt  }
0x83: {  	_ =	shalt  }
0x84: {  	_ =	shalt  }
0x85: {  	_ =	shalt  }
0x86: {  	_ =	shalt  }
0x87: {  	_ =	shalt  }
.Lfunc_end0:
.L_simem_size_0:
called_computation.4_lowered:
.L_overlay_start_0:
0x88: {  	s2 =	sld [smem:$0x3FD9]  }
0x89: {  	s3 =	sld [smem:$0x3FFE];
	_ =	sdelay $0x1  }
0x8a: {  	s1 =	srdreg.scid  }
0x8b: {  	s0 =	sand.u32 $0x1, s1  }
0x8c: {  	s15 =	sshll.u32 s0, $0xA;
	s2 =	sadd.s32 s3, s2  }
0x8d: {  	s2 =	sadd.s32 s2, s15  }
0x8e: {  	[smem:$0x3F9C] =	sst s2  }
0x8f: {  	_ = 	snop  }
0x90: {  	s2 =	sld [smem:$0x3FD0];
	_ =	sdelay $0x2  }
0x91: {  	s16 =	simm.s32 $0xB;
	s4 =	simm.s32 $0x10  }
0x92: {  	[smem:s4], [sflag:s16] =	dma.local [hbm:s2], $0x1  }
0x93: {  	_ =	swait.eq [sflag:s16], $0x1  }
0x94: {  	[sflag:s16] =	ssyncset.done $0x0  }
0x95: {  	[sflag:s16] =	ssyncadd.s32 $0xFFFFFFFF  }
0x96: {  	s17 =	sld [smem:$0x11];
	(tm) =	ssettm $0x1  }
0x97: {  	s18 =	sld [smem:$0x3FFB];
	_ =	sdelay $0x3  }
0x98: {  	_ =	strace s18  }
0x99: {  	s2 =	sld [smem:$0x3FFC];
	_ =	sdelay $0x3  }
0x9a: {  	_ =	strace s2  }
0x9b: {  	s2 =	sld [smem:$0x3FFD];
	_ =	sdelay $0x3  }
0x9c: {  	_ =	strace s2  }
0x9d: {  	_ =	strace $0x8FFFFFFF  }
0x9e: {  	s19 =	sld [smem:$0x3FDB];
	_ =	sdelay $0x1  }
0x9f: {  	s20 =	simm.s32 $_scs_section_size  }
0xa0: {  	s5 =	simm.s32 $_size__tile_overlayer_lowered;
	s6 =	simm.s32 $_tile_overlayer_lowered  }
0xa1: {  	s7 =	simm.s32 $0x1BFF;
	s21 =	sshll.u32 s6, $0x1;
	s4 =	sadd.s32 s20, s19  }
0xa2: {  	s22 =	simm.s32 $0x0;
	s5 =	sshll.u32 s5, $0x1;
	s6 =	sadd.s32 s21, s4  }
0xa3: {  	[timem:s22], [sflag:s7] =	dma.local [hbm:s6], s5  }
0xa4: {  	_ =	swait.ge [sflag:s7], s5  }
0xa5: {  	s5 =	ssub.s32 $0x0, s5;
	[sflag:s7] =	ssyncset.done $0x0  }
0xa6: {  	[sflag:s7] =	ssyncadd.s32 s5;
	_ =	sdelay $0x1  }
0xa7: {  	s23 =	simm.s32 $0x1B8B  }
0xa8: {  	_ =	swait.ge [sflag:s23], $0x1  }
0xa9: {  	[sflag:s23] =	ssyncset.done $0x0  }
0xaa: {  	[sflag:s23] =	ssyncadd.s32 $0xFFFFFFFF  }
0xab: {  	s5 =	sld [smem:$0x0]  }
0xac: {  	s6 =	sand.u32 $0xFFFFFFFE, s1  }
0xad: {  	p0 =	sne.s32 s1, s6  }
0xae: {  	s6 =	sshll.u32 @p0 s6, $0xE  }
0xaf: {  	s6 =	sadd.s32 @p0 $0x11B8D, s6;
	s7 =	sshll.u32 @p0 s5, $0x11  }
0xb0: {  	s6 =	sor.u32 @p0 s7, s6  }
0xb1: {  	[sflag:s6] =	ssyncadd.remote.s32 @p0 $0x1;
	_ =	sdelay $0x1  }
0xb2: {  	s6 =	simm.s32 @p0 $0x1B8D  }
0xb3: {  	_ =	swait.eq @p0 [sflag:s6], $0x1  }
0xb4: {  	[sflag:s6] =	ssyncadd.s32 @p0 $0xFFFFFFFF  }
0xb5: {  	s7 =	sshll.u32 @!p0 s1, $0xE  }
0xb6: {  	s7 =	sor.u32 @!p0 $0x4000, s7;
	s6 =	simm.s32 @!p0 $0x1B8D  }
0xb7: {  	s5 =	sshll.u32 @!p0 s5, $0x11;
	s7 =	sadd.s32 @!p0 $0x11B8D, s7;
	_ =	swait.eq @!p0 [sflag:s6], $0x1  }
0xb8: {  	s5 =	sor.u32 @!p0 s5, s7;
	[sflag:s6] =	ssyncadd.s32 @!p0 $0xFFFFFFFF  }
0xb9: {  	s25 =	simm.s32 $0x1B8E;
	s24 =	sld [smem:$0x3FFE];
	[sflag:s5] =	ssyncadd.remote.s32 @!p0 $0x1  }
0xba: {  	s26 =	simm.s32 $execute0_lowered;
	[smem:$0x3FD2] =	sst s25  }
0xbb: {  	s6 =	sshll.u32 s26, $0x1;
	_ =	strace $0x80000052;
	[dreg:$0x1] =	wrdreg $0xFFFFFFFF  }
0xbc: {  	s28 =	simm.s32 $_size_execute0_lowered;
	s4 =	sadd.s32 s4, s6;
	[dreg:$0x0] =	wrdreg $0x0  }
0xbd: {  	s6 =	sshll.u32 s28, $0x1;
	[dreg:$0x2] =	wrdreg s4  }
0xbe: {  	[dreg:$0x3] =	wrdreg s6  }
0xbf: {  	[dreg:$0x4] =	wrdreg $0xC0  }
0xc0: {  	_ =	task [dreg:s22], $0x5FFFF  }
0xc1: {  	[dreg:$0x1] =	wrdreg $0xFFFFFFFF  }
0xc2: {  	[dreg:$0x0] =	wrdreg $0x60  }
0xc3: {  	[dreg:$0x2] =	wrdreg s24  }
0xc4: {  	[dreg:$0x3] =	wrdreg s17  }
0xc5: {  	[dreg:$0x4] =	wrdreg $0x9  }
0xc6: {  	_ =	task.clear_ibuf [dreg:s22], $0x5FFFF;
	_ =	strace $0x90000052  }
0xc7: {  	s29 =	simm.s32 $0x9;
	_ =	strace $0x80000054  }
0xc8: {  	_ =	swait.ge [sflag:s29], $0x1  }
0xc9: {  	[sflag:s29] =	ssyncadd.s32 $0xFFFFFFFF  }
0xca: {  	_ =	strace $0x90000054  }
0xcb: {  	_ =	sfence  }
0xcc: {  	s30 =	sld [smem:$0x0];
	_ =	sdelay $0x2  }
0xcd: {  	s31 =	sshll.u32 s1, $0xD;
	s1 =	sshrl.u32 s1, $0x2  }
0xce: {  	s4 =	sand.u32 $0x4000, s31;
	s1 =	sadd.s32 s1, s30  }
0xcf: {  	s0 =	sor.u32 s4, s0;
	s1 =	sshll.u32 s1, $0x11  }
0xd0: {  	s0 =	sor.u32 s1, s0  }
0xd1: {  	s0 =	sadd.s32 $0x8F2B, s0  }
0xd2: {  	[sflag:s0] =	ssyncadd.remote.s32 $0x1  }
0xd3: {  	_ =	sfence.sel $0xFFFF  }
0xd4: {  	[dreg:$0x0] =	wrdreg $0xFFFFFFFF;
	(pc) =	sbr.abs _section_cstart, $3  }
0xd5: {  	[dreg:$0x1] =	wrdreg $0xFFFFFFFF  }
0xd6: {  	_ =	task.clear_ibuf [dreg:s22], $0x2FFFF;
	_ =	strace $0x9FFFFFFF  }
0xd7: {  	(tm) =	ssettm $0x7FFFFFFF  }
tec
execute0_lowered:
.L_overlay_start_1:
0x0: {  	(tag) =	ssettag $0x1  }
0x1: {  	s1 =	srdreg.scid  }
0x2: {  	s0 =	stileid.u32;
	s9 =	rddreg [dreg:$0x0]  }
0x3: {  	s3 =	rddreg [dreg:$0x1];
	s6 =	sand.u32 $0x1, s1;
	s30 =	sshll.u32 s0, $0x1  }
0x4: {  	s2 =	simm.s32 $0x0;
	s1 =	rddreg [dreg:$0x2];
	s7 =	sor.u32 s6, s30  }
0x5: {  	s8 =	simm.s32 $0x1;
	[smem:$0x7FF] =	sst s2;
	s4 =	smul.u32 $0x18, s7  }
0x6: {  	s5 =	sadd.s32 $0x38400, s9;
	_ =	strace $0x80000053;
	s11 =	ssub.s32 $0x2, s6  }
0x7: {  	s6 =	simm.s32 $0x80;
	s4 =	sadd.s32 s3, s4;
	s3 =	simm.s32 $0x2  }
0x8: {  	[tilespmem:s2], [sflag:$0x2] =	stream.linear.gather [hbm4b:s4+s2], $0x80, $0x38;
	[tilespmem:$0x8100] =	vst v63  }
0x9: {  	s10 =	smul.u32 $0xC00, s7;
	s12 =	sshrl.u32 s11, $0x1;
	_ =	swait.ge [sflag:s3], $0x80  }
0xa: {  	s7 =	simm.s32 $0x100;
	s31 =	ssub.s32 s11, s12;
	[sflag:s3] =	ssyncset.done $0x0  }
0xb: {  	s9 =	sadd.s32 s10, s9;
	s10 =	smax.u32 s31, $0x1;
	[sflag:s3] =	ssyncadd.s32 $0xFFFFFF80  }
0xc: {  	[tilespmem:s7], [sflag:$0x1] =	stream.indirect.gather [hbm4b:s5+s6], $0x80, s2, s6, $0xb8;
	[tilespmem:$0x8100] =	vst v63  }
0xd: {  	p0 =	sne.s32 s10, $0x1;
	_ =	swait.ge [sflag:s8], $0x4000  }
.Ltmp0:
0xe: {  	[sflag:s8] =	ssyncset.done $0x0;
	(pc) =	sbr.rel @!p0 .LBB2_2-.Ltmp0, $4  }
0xf: {  	s9 =	sadd.s32 $0x58400, s9;
	[sflag:s8] =	ssyncadd.s32 $0xFFFFC000  }
0x10: {  	[hbm4b:s9+s2] =	stream.linear.scatter [tilespmem:s7], [sflag:$0x2], $0x4000, $0x38;
	[tilespmem:$0x8100] =	vst v63  }
0x11: {  	_ =	swait.ge [sflag:s3], $0x4000  }
0x12: {  	s10 =	sadd.s32 $0xFFFFFFFF, s10;
	[sflag:s3] =	ssyncset.done $0x0  }
.LBB2_1:
0x13: {  	p0 =	sne.s32 s10, $0x1;
	s10 =	sadd.s32 $0xFFFFFFFF, s10;
	[sflag:s3] =	ssyncadd.s32 $0xFFFFC000  }
0x14: {  	[tilespmem:s2], [sflag:$0x2] =	stream.linear.gather [hbm4b:s4+s2], $0x80, $0x38;
	[tilespmem:$0x8100] =	vst v63  }
0x15: {  	_ =	swait.ge [sflag:s3], $0x80  }
0x16: {  	[sflag:s3] =	ssyncset.done $0x0  }
0x17: {  	[sflag:s3] =	ssyncadd.s32 $0xFFFFFF80  }
0x18: {  	[tilespmem:s7], [sflag:$0x1] =	stream.indirect.gather [hbm4b:s5+s6], $0x80, s2, s6, $0xb8;
	[tilespmem:$0x8100] =	vst v63  }
0x19: {  	_ =	swait.ge [sflag:s8], $0x4000  }
.Ltmp1:
0x1a: {  	[sflag:s8] =	ssyncset.done $0x0;
	(pc) =	sbr.rel @p0 .LBB2_1-.Ltmp1, $4  }
0x1b: {  	[sflag:s8] =	ssyncadd.s32 $0xFFFFC000  }
0x1c: {  	[hbm4b:s9+s2] =	stream.linear.scatter [tilespmem:s7], [sflag:$0x2], $0x4000, $0x38;
	[tilespmem:$0x8100] =	vst v63  }
0x1d: {  	_ =	swait.ge [sflag:s3], $0x4000  }
0x1e: {  	[sflag:s3] =	ssyncset.done $0x0  }
.LBB2_2:
0x1f: {  	[sflag:s3] =	ssyncadd.s32 $0xFFFFC000  }
0x20: {  	_ =	sfence.sel $0x180000  }
0x21: {  	[bflag:$0x0] =	sbarrier.arrive $0xFFFF  }
0x22: {  	p0 =	sne.s32 s0, $0x0;
	_ =	strace $0x90000053  }
0x23: {  	s0 =	sadd.s32 @!p0 $0x100000, s1;
	[bflag:$0x2] =	sbarrier.arrive $0xFFFF  }
0x24: {  	[sflag:s0] =	ssyncadd.tile.s32 @!p0 $0x1;
	_ =	shalt  }
.Lfunc_end2:
_tile_overlayer_lowered:
.L_overlay_start_2:
0x25: {  	(tag) =	ssettag $0x2  }
0x26: {  	s0 =	rddreg [dreg:$0x0];
	s2 =	stileid.u32  }
0x27: {  	s1 =	rddreg [dreg:$0x1];
	p0 =	sne.s32 s2, $0x0  }
0x28: {  	s3 =	rddreg [dreg:$0x2];
	[bflag:$0x3] =	sbarrier.arrive $0xFFFF;
	s2 =	simm.s32 @!p0 $0x1C02  }
0x29: {  	[timem:s3], [sflag:s2] =	dma.local @!p0 [hbm:s0], s1  }
0x2a: {  	s0 =	simm.s32 @!p0 $0x2  }
0x2b: {  	_ =	swait.ge @!p0 [sflag:s0], s1  }
0x2c: {  	s1 =	ssub.s32 @!p0 $0x0, s1;
	[sflag:s0] =	ssyncset.done @!p0 $0x0  }
0x2d: {  	[sflag:s0] =	ssyncadd.s32 @!p0 s1  }
0x2e: {  	[bflag:$0x3] =	sbarrier.arrive $0xFFFF  }
0x2f: {  	_ =	shalt  }

// kernel: kernel.38.cloned.1.call-start
scs
__scs_entry_jumppad:
0x0: {  	(pc) =	sbr.rel $0x88, $3  }
0x1: {  	(tag) =	ssettag $0x0;
	lr =	simm.s32 $0x1  }
0x2: {  	[smem:$0x3F75] =	sst lr;
	_ =	strace $0xD0000000  }
0x3: {  	_ = 	snop  }
0x4: {  	_ = 	snop  }
0x5: {  	_ = 	snop  }
0x6: {  	_ = 	snop  }
0x7: {  	_ = 	snop  }
__scs_overlays_trampoline_lowered:
0x8: {  	[smem:$0x3F84] =	sst s0  }
0x9: {  	[smem:$0x3F85] =	sst s1  }
0xa: {  	[smem:$0x3F86] =	sst s2  }
0xb: {  	[smem:$0x3F87] =	sst s3  }
0xc: {  	[smem:$0x3F88] =	sst s4  }
0xd: {  	[smem:$0x3F89] =	sst s5  }
0xe: {  	[smem:$0x3F8A] =	sst s6  }
0xf: {  	[smem:$0x3F8B] =	sst s7  }
0x10: {  	[smem:$0x3F8C] =	sst s8  }
0x11: {  	[smem:$0x3F8D] =	sst s9;
	s0 =	simm.s32 @!p0 $0x0  }
0x12: {  	s1 =	sld [smem:$0x3F73];
	s0 =	simm.s32 @p0 $0x1  }
0x13: {  	[smem:$0x3F8E] =	sst s0;
	s0 =	simm.s32 @!p1 $0x0  }
0x14: {  	s2 =	sld [smem:$0x3F72];
	s0 =	simm.s32 @p1 $0x1  }
0x15: {  	[smem:$0x3F8F] =	sst s0;
	s0 =	simm.s32 @!p2 $0x0  }
0x16: {  	s3 =	sld [smem:$0x3FDB];
	s0 =	simm.s32 @p2 $0x1  }
0x17: {  	s4 =	simm.s32 $0x1BF5;
	[smem:$0x3F91] =	sst s0  }
0x18: {  	s0 =	sld [smem:$0x3F74];
	_ =	swait.ge [sflag:s4], $0x0  }
0x19: {  	s7 =	sld [smem:$0x3F75]  }
0x1a: {  	s8 =	sadd.s32 $0xFFFFE003, lr  }
0x1b: {  	s9 =	sadd.s32 $0xFFFFFEF7, lr;
	s5 =	simm.s32 $0xFFFFFFFF;
	p2 =	slt.u32 s8, $0xFFFFF086  }
0x1c: {  	p1 =	slt.u32 s9, $0xF7A;
	s5 =	simm.s32 @!p2 $0x0  }
0x1d: {  	s5 =	simm.s32 @p1 $0x1;
	p0 =	seq.s32 s7, s2  }
0x1e: {  	s7 =	smul.u32 @!p0 $0xF7A, s2;
	p2 =	seq.s32 @!p0 s5, $0x0  }
0x1f: {  	s9 =	smul.u32 $0xF7A, s1;
	s8 =	simm.s32 @!p0 $0x1BF5;
	p2 =	por !p2, p0  }
0x20: {  	[sflag:s8] =	ssyncset.s32 @!p0 $0xFFFFF086;
	s6 =	sadd.s32 @!p0 s3, s7;
	s7 =	simm.s32 @!p0 $0x108  }
0x21: {  	s3 =	sadd.s32 s3, s9;
	s6 =	sadd.s32 @!p0 $0x88, s6;
	s7 =	simm.s32 @p2 $0x1082  }
0x22: {  	[simem:s7], [sflag:s8] =	dma.local @!p0 [hbm:s6], $0xF7A  }
0x23: {  	s9 =	sor.u32 $0xD0000000, s2;
	s6 =	simm.s32 $0x108;
	_ =	swait.ge @!p0 [sflag:s8], $0x0  }
0x24: {  	s3 =	sadd.s32 $0x88, s3;
	s6 =	simm.s32 @!p1 $0x1082;
	[sflag:s4] =	ssyncset.s32 $0xFFFFF086  }
0x25: {  	[simem:s6], [sflag:s4] =	dma.local [hbm:s3], $0xF7A  }
0x26: {  	[smem:$0x3F75] =	sst s1;
	(tag) =	ssettag s2;
	_ =	strace s9  }
0x27: {  	s1 =	sld [smem:$0x3F85]  }
0x28: {  	s2 =	sld [smem:$0x3F86]  }
0x29: {  	s4 =	sld [smem:$0x3F88]  }
0x2a: {  	p0 =	seq.s32 s5, $0x0;
	s5 =	sld [smem:$0x3F89]  }
0x2b: {  	s6 =	sld [smem:$0x3F8A]  }
0x2c: {  	s7 =	sld [smem:$0x3F8B]  }
0x2d: {  	s3 =	simm.s32 $0x108;
	s8 =	sld [smem:$0x3F8C]  }
0x2e: {  	s3 =	simm.s32 @!p0 $0x1082;
	s9 =	sld [smem:$0x3F8D]  }
0x2f: {  	lr =	sadd.s32 s0, s3;
	s0 =	sld [smem:$0x3F84]  }
0x30: {  	s3 =	sld [smem:$0x3F87]  }
0x31: {  	[smem:$0x3F90] =	sst s10  }
0x32: {  	s10 =	sld [smem:$0x3F8E];
	_ =	sdelay $0x3  }
0x33: {  	p0 =	seq.s32 s10, $0x1;
	s10 =	sld [smem:$0x3F90];
	_ =	sdelay $0x3  }
0x34: {  	[smem:$0x3F90] =	sst s10  }
0x35: {  	s10 =	sld [smem:$0x3F8F];
	_ =	sdelay $0x3  }
0x36: {  	p1 =	seq.s32 s10, $0x1;
	s10 =	sld [smem:$0x3F90];
	_ =	sdelay $0x3  }
0x37: {  	[smem:$0x3F90] =	sst s10  }
0x38: {  	s10 =	sld [smem:$0x3F91]  }
0x39: {  	_ = 	snop;
	(pc) =	sbr.ind lr, $3  }
0x3a: {  	_ = 	snop  }
0x3b: {  	_ = 	snop  }
0x3c: {  	p2 =	seq.s32 s10, $0x1;
	s10 =	sld [smem:$0x3F90]  }
0x3d: {  	_ =	shalt  }
0x3e: {  	_ =	shalt  }
0x3f: {  	_ =	shalt  }
0x40: {  	_ =	shalt  }
0x41: {  	_ =	shalt  }
0x42: {  	_ =	shalt  }
0x43: {  	_ =	shalt  }
0x44: {  	_ =	shalt  }
0x45: {  	_ =	shalt  }
0x46: {  	_ =	shalt  }
0x47: {  	_ =	shalt  }
0x48: {  	_ =	shalt  }
0x49: {  	_ =	shalt  }
0x4a: {  	_ =	shalt  }
0x4b: {  	_ =	shalt  }
0x4c: {  	_ =	shalt  }
0x4d: {  	_ =	shalt  }
0x4e: {  	_ =	shalt  }
0x4f: {  	_ =	shalt  }
0x50: {  	_ =	shalt  }
0x51: {  	_ =	shalt  }
0x52: {  	_ =	shalt  }
0x53: {  	_ =	shalt  }
0x54: {  	_ =	shalt  }
0x55: {  	_ =	shalt  }
0x56: {  	_ =	shalt  }
0x57: {  	_ =	shalt  }
0x58: {  	_ =	shalt  }
0x59: {  	_ =	shalt  }
0x5a: {  	_ =	shalt  }
0x5b: {  	_ =	shalt  }
0x5c: {  	_ =	shalt  }
0x5d: {  	_ =	shalt  }
0x5e: {  	_ =	shalt  }
0x5f: {  	_ =	shalt  }
0x60: {  	_ =	shalt  }
0x61: {  	_ =	shalt  }
0x62: {  	_ =	shalt  }
0x63: {  	_ =	shalt  }
0x64: {  	_ =	shalt  }
0x65: {  	_ =	shalt  }
0x66: {  	_ =	shalt  }
0x67: {  	_ =	shalt  }
0x68: {  	_ =	shalt  }
0x69: {  	_ =	shalt  }
0x6a: {  	_ =	shalt  }
0x6b: {  	_ =	shalt  }
0x6c: {  	_ =	shalt  }
0x6d: {  	_ =	shalt  }
0x6e: {  	_ =	shalt  }
0x6f: {  	_ =	shalt  }
0x70: {  	_ =	shalt  }
0x71: {  	_ =	shalt  }
0x72: {  	_ =	shalt  }
0x73: {  	_ =	shalt  }
0x74: {  	_ =	shalt  }
0x75: {  	_ =	shalt  }
0x76: {  	_ =	shalt  }
0x77: {  	_ =	shalt  }
0x78: {  	_ =	shalt  }
0x79: {  	_ =	shalt  }
0x7a: {  	_ =	shalt  }
0x7b: {  	_ =	shalt  }
0x7c: {  	_ =	shalt  }
0x7d: {  	_ =	shalt  }
0x7e: {  	_ =	shalt  }
0x7f: {  	_ =	shalt  }
0x80: {  	_ =	shalt  }
0x81: {  	_ =	shalt  }
0x82: {  	_ =	shalt  }
0x83: {  	_ =	shalt  }
0x84: {  	_ =	shalt  }
0x85: {  	_ =	shalt  }
0x86: {  	_ =	shalt  }
0x87: {  	_ =	shalt  }
.Lfunc_end0:
.L_simem_size_0:
called_computation.5_lowered:
.L_overlay_start_0:
0x88: {  	s2 =	sld [smem:$0x3FD9]  }
0x89: {  	s3 =	sld [smem:$0x3FFE];
	_ =	sdelay $0x1  }
0x8a: {  	s1 =	srdreg.scid  }
0x8b: {  	s0 =	sand.u32 $0x1, s1  }
0x8c: {  	s17 =	sshll.u32 s0, $0xA;
	s2 =	sadd.s32 s3, s2  }
0x8d: {  	s2 =	sadd.s32 s2, s17  }
0x8e: {  	[smem:$0x3F9C] =	sst s2  }
0x8f: {  	_ = 	snop  }
0x90: {  	(tm) =	ssettm $0x1  }
0x91: {  	s18 =	sld [smem:$0x3FFB];
	_ =	sdelay $0x3  }
0x92: {  	_ =	strace s18  }
0x93: {  	s2 =	sld [smem:$0x3FFC];
	_ =	sdelay $0x3  }
0x94: {  	_ =	strace s2  }
0x95: {  	s2 =	sld [smem:$0x3FFD];
	_ =	sdelay $0x3  }
0x96: {  	_ =	strace s2  }
0x97: {  	_ =	strace $0x8FFFFFFF  }
0x98: {  	s19 =	sld [smem:$0x3FDB];
	_ =	sdelay $0x1  }
0x99: {  	s20 =	simm.s32 $_scs_section_size  }
0x9a: {  	s4 =	simm.s32 $_size__tile_overlayer_lowered;
	s5 =	simm.s32 $_tile_overlayer_lowered  }
0x9b: {  	s6 =	simm.s32 $0x1BFF;
	s21 =	sshll.u32 s5, $0x1;
	s3 =	sadd.s32 s20, s19  }
0x9c: {  	s22 =	simm.s32 $0x0;
	s4 =	sshll.u32 s4, $0x1;
	s5 =	sadd.s32 s21, s3  }
0x9d: {  	[timem:s22], [sflag:s6] =	dma.local [hbm:s5], s4  }
0x9e: {  	_ =	swait.ge [sflag:s6], s4  }
0x9f: {  	s4 =	ssub.s32 $0x0, s4;
	[sflag:s6] =	ssyncset.done $0x0  }
0xa0: {  	[sflag:s6] =	ssyncadd.s32 s4;
	_ =	sdelay $0x1  }
0xa1: {  	s23 =	simm.s32 $0x1B8B  }
0xa2: {  	_ =	swait.ge [sflag:s23], $0x1  }
0xa3: {  	[sflag:s23] =	ssyncset.done $0x0  }
0xa4: {  	[sflag:s23] =	ssyncadd.s32 $0xFFFFFFFF  }
0xa5: {  	s4 =	sld [smem:$0x0]  }
0xa6: {  	s5 =	sand.u32 $0xFFFFFFFE, s1  }
0xa7: {  	p0 =	sne.s32 s1, s5  }
0xa8: {  	s5 =	sshll.u32 @p0 s5, $0xE  }
0xa9: {  	s5 =	sadd.s32 @p0 $0x11B8D, s5;
	s6 =	sshll.u32 @p0 s4, $0x11  }
0xaa: {  	s5 =	sor.u32 @p0 s6, s5  }
0xab: {  	[sflag:s5] =	ssyncadd.remote.s32 @p0 $0x1;
	_ =	sdelay $0x1  }
0xac: {  	s5 =	simm.s32 @p0 $0x1B8D  }
0xad: {  	_ =	swait.eq @p0 [sflag:s5], $0x1  }
0xae: {  	[sflag:s5] =	ssyncadd.s32 @p0 $0xFFFFFFFF  }
0xaf: {  	s6 =	sshll.u32 @!p0 s1, $0xE  }
0xb0: {  	s6 =	sor.u32 @!p0 $0x4000, s6;
	s5 =	simm.s32 @!p0 $0x1B8D  }
0xb1: {  	s4 =	sshll.u32 @!p0 s4, $0x11;
	s6 =	sadd.s32 @!p0 $0x11B8D, s6;
	_ =	swait.eq @!p0 [sflag:s5], $0x1  }
0xb2: {  	s4 =	sor.u32 @!p0 s4, s6;
	[sflag:s5] =	ssyncadd.s32 @!p0 $0xFFFFFFFF  }
0xb3: {  	s25 =	simm.s32 $0x1B8E;
	s24 =	sld [smem:$0x3FFE];
	[sflag:s4] =	ssyncadd.remote.s32 @!p0 $0x1  }
0xb4: {  	s26 =	simm.s32 $execute0_lowered;
	[smem:$0x3FD2] =	sst s25  }
0xb5: {  	s5 =	sshll.u32 s26, $0x1;
	_ =	strace $0x80000055;
	[dreg:$0x1] =	wrdreg $0xFFFFFFFF  }
0xb6: {  	s28 =	simm.s32 $_size_execute0_lowered;
	s3 =	sadd.s32 s3, s5;
	[dreg:$0x0] =	wrdreg $0x0  }
0xb7: {  	s5 =	sshll.u32 s28, $0x1;
	[dreg:$0x2] =	wrdreg s3  }
0xb8: {  	[dreg:$0x3] =	wrdreg s5  }
0xb9: {  	[dreg:$0x4] =	wrdreg $0xC0  }
0xba: {  	_ =	task [dreg:s22], $0x5FFFF  }
0xbb: {  	[dreg:$0x1] =	wrdreg $0xFFFFFFFF  }
0xbc: {  	[dreg:$0x0] =	wrdreg $0x60  }
0xbd: {  	[dreg:$0x2] =	wrdreg s24  }
0xbe: {  	[dreg:$0x3] =	wrdreg $0xA  }
0xbf: {  	_ =	task.clear_ibuf [dreg:s22], $0x4FFFF;
	_ =	strace $0x90000055  }
0xc0: {  	s29 =	simm.s32 $0xA;
	_ =	strace $0x80000057  }
0xc1: {  	_ =	swait.ge [sflag:s29], $0x1  }
0xc2: {  	[sflag:s29] =	ssyncadd.s32 $0xFFFFFFFF  }
0xc3: {  	_ =	strace $0x90000057  }
0xc4: {  	_ =	sfence  }
0xc5: {  	s30 =	sld [smem:$0x0];
	_ =	sdelay $0x2  }
0xc6: {  	s31 =	sshll.u32 s1, $0xD;
	s1 =	sshrl.u32 s1, $0x2  }
0xc7: {  	s4 =	sand.u32 $0x4000, s31;
	s1 =	sadd.s32 s1, s30  }
0xc8: {  	s0 =	sor.u32 s4, s0;
	s1 =	sshll.u32 s1, $0x11  }
0xc9: {  	s0 =	sor.u32 s1, s0  }
0xca: {  	s0 =	sadd.s32 $0x8F2B, s0  }
0xcb: {  	[sflag:s0] =	ssyncadd.remote.s32 $0x1  }
0xcc: {  	_ =	sfence.sel $0xFFFF  }
0xcd: {  	[dreg:$0x0] =	wrdreg $0xFFFFFFFF;
	(pc) =	sbr.abs _section_cstart, $3  }
0xce: {  	[dreg:$0x1] =	wrdreg $0xFFFFFFFF  }
0xcf: {  	_ =	task.clear_ibuf [dreg:s22], $0x2FFFF;
	_ =	strace $0x9FFFFFFF  }
0xd0: {  	(tm) =	ssettm $0x7FFFFFFF  }
0xd1: {  	_ =	shalt  }
tec
execute0_lowered:
.L_overlay_start_1:
0x0: {  	(tag) =	ssettag $0x1  }
0x1: {  	s2 =	srdreg.scid  }
0x2: {  	s4 =	sand.u32 $0x1, s2  }
0x3: {  	s1 =	rddreg [dreg:$0x0];
	s5 =	sshll.u32 s4, $0x3;
	s4 =	ssub.s32 $0x2, s4  }
0x4: {  	s0 =	rddreg [dreg:$0x1];
	s3 =	simm.s32 $0x0;
	s7 =	sshrl.u32 s4, $0x1  }
0x5: {  	[smem:$0x7FF] =	sst s3;
	s2 =	stileid.u32;
	s31 =	ssub.s32 s4, s7  }
0x6: {  	s6 =	sshll.u32 s2, $0x4;
	s5 =	sadd.s32 s5, s1;
	s8 =	smax.u32 s31, $0x1  }
0x7: {  	_ =	strace $0x80000056;
	s5 =	sadd.s32 s6, s5;
	p0 =	sne.s32 s8, $0x1  }
.Ltmp0:
0x8: {  	s4 =	sadd.s32 $0x20000, s5;
	s5 =	simm.s32 $0x2;
	(pc) =	sbr.rel @!p0 .LBB2_2-.Ltmp0, $4  }
0x9: {  	[tilespmem:s3], [sflag:$0x2] =	stream.linear.gather [hbm4b:s4+s3], $0x80, $0x38;
	[tilespmem:$0x8100] =	vst v63  }
0xa: {  	_ =	swait.ge [sflag:s5], $0x80  }
0xb: {  	s6 =	simm.s32 $0x80;
	[sflag:s5] =	ssyncset.done $0x0  }
0xc: {  	s7 =	simm.s32 $0x100;
	s8 =	sadd.s32 $0xFFFFFFFF, s8;
	[sflag:s5] =	ssyncadd.s32 $0xFFFFFF80  }
.LBB2_1:
0xd: {  	[tilespmem:s7], [sflag:$0x1] =	stream.indirect.gather [hbm4b:s1+s6], $0x80, s3, s6, $0xb8;
	[tilespmem:$0x8100] =	vst v63  }
0xe: {  	p0 =	sne.s32 s8, $0x1  }
.Ltmp1:
0xf: {  	s8 =	sadd.s32 $0xFFFFFFFF, s8;
	(pc) =	sbr.rel @p0 .LBB2_1-.Ltmp1, $4  }
0x10: {  	[tilespmem:s3], [sflag:$0x2] =	stream.linear.gather [hbm4b:s4+s3], $0x80, $0x38;
	[tilespmem:$0x8100] =	vst v63  }
0x11: {  	_ =	swait.ge [sflag:s5], $0x80  }
0x12: {  	[sflag:s5] =	ssyncset.done $0x0  }
0x13: {  	[sflag:s5] =	ssyncadd.s32 $0xFFFFFF80  }
.LBB2_2:
0x14: {  	[tilespmem:s7], [sflag:$0x1] =	stream.indirect.gather [hbm4b:s1+s6], $0x80, s3, s6, $0xb8;
	[tilespmem:$0x8100] =	vst v63  }
0x15: {  	_ =	sfence.sel $0x180000  }
0x16: {  	[bflag:$0x0] =	sbarrier.arrive $0xFFFF  }
0x17: {  	p0 =	sne.s32 s2, $0x0;
	_ =	strace $0x90000056  }
0x18: {  	s0 =	sadd.s32 @!p0 $0x100000, s0;
	[bflag:$0x2] =	sbarrier.arrive $0xFFFF  }
0x19: {  	[sflag:s0] =	ssyncadd.tile.s32 @!p0 $0x1;
	_ =	shalt  }
.Lfunc_end2:
_tile_overlayer_lowered:
.L_overlay_start_2:
0x1a: {  	(tag) =	ssettag $0x2  }
0x1b: {  	s0 =	rddreg [dreg:$0x0];
	s2 =	stileid.u32  }
0x1c: {  	s1 =	rddreg [dreg:$0x1];
	p0 =	sne.s32 s2, $0x0  }
0x1d: {  	s3 =	rddreg [dreg:$0x2];
	[bflag:$0x3] =	sbarrier.arrive $0xFFFF;
	s2 =	simm.s32 @!p0 $0x1C02  }
0x1e: {  	[timem:s3], [sflag:s2] =	dma.local @!p0 [hbm:s0], s1  }
0x1f: {  	s0 =	simm.s32 @!p0 $0x2  }
0x20: {  	_ =	swait.ge @!p0 [sflag:s0], s1  }
0x21: {  	s1 =	ssub.s32 @!p0 $0x0, s1;
	[sflag:s0] =	ssyncset.done @!p0 $0x0  }
0x22: {  	[sflag:s0] =	ssyncadd.s32 @!p0 s1  }
0x23: {  	[bflag:$0x3] =	sbarrier.arrive $0xFFFF  }
0x24: {  	_ =	shalt  }

// kernel: kernel.41.cloned.1.call-start
scs
__scs_entry_jumppad:
0x0: {  	(pc) =	sbr.rel $0x88, $3  }
0x1: {  	(tag) =	ssettag $0x0;
	lr =	simm.s32 $0x1  }
0x2: {  	[smem:$0x3F75] =	sst lr;
	_ =	strace $0xD0000000  }
0x3: {  	_ = 	snop  }
0x4: {  	_ = 	snop  }
0x5: {  	_ = 	snop  }
0x6: {  	_ = 	snop  }
0x7: {  	_ = 	snop  }
__scs_overlays_trampoline_lowered:
0x8: {  	[smem:$0x3F84] =	sst s0  }
0x9: {  	[smem:$0x3F85] =	sst s1  }
0xa: {  	[smem:$0x3F86] =	sst s2  }
0xb: {  	[smem:$0x3F87] =	sst s3  }
0xc: {  	[smem:$0x3F88] =	sst s4  }
0xd: {  	[smem:$0x3F89] =	sst s5  }
0xe: {  	[smem:$0x3F8A] =	sst s6  }
0xf: {  	[smem:$0x3F8B] =	sst s7  }
0x10: {  	[smem:$0x3F8C] =	sst s8  }
0x11: {  	[smem:$0x3F8D] =	sst s9;
	s0 =	simm.s32 @!p0 $0x0  }
0x12: {  	s1 =	sld [smem:$0x3F73];
	s0 =	simm.s32 @p0 $0x1  }
0x13: {  	[smem:$0x3F8E] =	sst s0;
	s0 =	simm.s32 @!p1 $0x0  }
0x14: {  	s2 =	sld [smem:$0x3F72];
	s0 =	simm.s32 @p1 $0x1  }
0x15: {  	[smem:$0x3F8F] =	sst s0;
	s0 =	simm.s32 @!p2 $0x0  }
0x16: {  	s3 =	sld [smem:$0x3FDB];
	s0 =	simm.s32 @p2 $0x1  }
0x17: {  	s4 =	simm.s32 $0x1BF5;
	[smem:$0x3F91] =	sst s0  }
0x18: {  	s0 =	sld [smem:$0x3F74];
	_ =	swait.ge [sflag:s4], $0x0  }
0x19: {  	s7 =	sld [smem:$0x3F75]  }
0x1a: {  	s8 =	sadd.s32 $0xFFFFE003, lr  }
0x1b: {  	s9 =	sadd.s32 $0xFFFFFEF7, lr;
	s5 =	simm.s32 $0xFFFFFFFF;
	p2 =	slt.u32 s8, $0xFFFFF086  }
0x1c: {  	p1 =	slt.u32 s9, $0xF7A;
	s5 =	simm.s32 @!p2 $0x0  }
0x1d: {  	s5 =	simm.s32 @p1 $0x1;
	p0 =	seq.s32 s7, s2  }
0x1e: {  	s7 =	smul.u32 @!p0 $0xF7A, s2;
	p2 =	seq.s32 @!p0 s5, $0x0  }
0x1f: {  	s9 =	smul.u32 $0xF7A, s1;
	s8 =	simm.s32 @!p0 $0x1BF5;
	p2 =	por !p2, p0  }
0x20: {  	[sflag:s8] =	ssyncset.s32 @!p0 $0xFFFFF086;
	s6 =	sadd.s32 @!p0 s3, s7;
	s7 =	simm.s32 @!p0 $0x108  }
0x21: {  	s3 =	sadd.s32 s3, s9;
	s6 =	sadd.s32 @!p0 $0x88, s6;
	s7 =	simm.s32 @p2 $0x1082  }
0x22: {  	[simem:s7], [sflag:s8] =	dma.local @!p0 [hbm:s6], $0xF7A  }
0x23: {  	s9 =	sor.u32 $0xD0000000, s2;
	s6 =	simm.s32 $0x108;
	_ =	swait.ge @!p0 [sflag:s8], $0x0  }
0x24: {  	s3 =	sadd.s32 $0x88, s3;
	s6 =	simm.s32 @!p1 $0x1082;
	[sflag:s4] =	ssyncset.s32 $0xFFFFF086  }
0x25: {  	[simem:s6], [sflag:s4] =	dma.local [hbm:s3], $0xF7A  }
0x26: {  	[smem:$0x3F75] =	sst s1;
	(tag) =	ssettag s2;
	_ =	strace s9  }
0x27: {  	s1 =	sld [smem:$0x3F85]  }
0x28: {  	s2 =	sld [smem:$0x3F86]  }
0x29: {  	s4 =	sld [smem:$0x3F88]  }
0x2a: {  	p0 =	seq.s32 s5, $0x0;
	s5 =	sld [smem:$0x3F89]  }
0x2b: {  	s6 =	sld [smem:$0x3F8A]  }
0x2c: {  	s7 =	sld [smem:$0x3F8B]  }
0x2d: {  	s3 =	simm.s32 $0x108;
	s8 =	sld [smem:$0x3F8C]  }
0x2e: {  	s3 =	simm.s32 @!p0 $0x1082;
	s9 =	sld [smem:$0x3F8D]  }
0x2f: {  	lr =	sadd.s32 s0, s3;
	s0 =	sld [smem:$0x3F84]  }
0x30: {  	s3 =	sld [smem:$0x3F87]  }
0x31: {  	[smem:$0x3F90] =	sst s10  }
0x32: {  	s10 =	sld [smem:$0x3F8E];
	_ =	sdelay $0x3  }
0x33: {  	p0 =	seq.s32 s10, $0x1;
	s10 =	sld [smem:$0x3F90];
	_ =	sdelay $0x3  }
0x34: {  	[smem:$0x3F90] =	sst s10  }
0x35: {  	s10 =	sld [smem:$0x3F8F];
	_ =	sdelay $0x3  }
0x36: {  	p1 =	seq.s32 s10, $0x1;
	s10 =	sld [smem:$0x3F90];
	_ =	sdelay $0x3  }
0x37: {  	[smem:$0x3F90] =	sst s10  }
0x38: {  	s10 =	sld [smem:$0x3F91]  }
0x39: {  	_ = 	snop;
	(pc) =	sbr.ind lr, $3  }
0x3a: {  	_ = 	snop  }
0x3b: {  	_ = 	snop  }
0x3c: {  	p2 =	seq.s32 s10, $0x1;
	s10 =	sld [smem:$0x3F90]  }
0x3d: {  	_ =	shalt  }
0x3e: {  	_ =	shalt  }
0x3f: {  	_ =	shalt  }
0x40: {  	_ =	shalt  }
0x41: {  	_ =	shalt  }
0x42: {  	_ =	shalt  }
0x43: {  	_ =	shalt  }
0x44: {  	_ =	shalt  }
0x45: {  	_ =	shalt  }
0x46: {  	_ =	shalt  }
0x47: {  	_ =	shalt  }
0x48: {  	_ =	shalt  }
0x49: {  	_ =	shalt  }
0x4a: {  	_ =	shalt  }
0x4b: {  	_ =	shalt  }
0x4c: {  	_ =	shalt  }
0x4d: {  	_ =	shalt  }
0x4e: {  	_ =	shalt  }
0x4f: {  	_ =	shalt  }
0x50: {  	_ =	shalt  }
0x51: {  	_ =	shalt  }
0x52: {  	_ =	shalt  }
0x53: {  	_ =	shalt  }
0x54: {  	_ =	shalt  }
0x55: {  	_ =	shalt  }
0x56: {  	_ =	shalt  }
0x57: {  	_ =	shalt  }
0x58: {  	_ =	shalt  }
0x59: {  	_ =	shalt  }
0x5a: {  	_ =	shalt  }
0x5b: {  	_ =	shalt  }
0x5c: {  	_ =	shalt  }
0x5d: {  	_ =	shalt  }
0x5e: {  	_ =	shalt  }
0x5f: {  	_ =	shalt  }
0x60: {  	_ =	shalt  }
0x61: {  	_ =	shalt  }
0x62: {  	_ =	shalt  }
0x63: {  	_ =	shalt  }
0x64: {  	_ =	shalt  }
0x65: {  	_ =	shalt  }
0x66: {  	_ =	shalt  }
0x67: {  	_ =	shalt  }
0x68: {  	_ =	shalt  }
0x69: {  	_ =	shalt  }
0x6a: {  	_ =	shalt  }
0x6b: {  	_ =	shalt  }
0x6c: {  	_ =	shalt  }
0x6d: {  	_ =	shalt  }
0x6e: {  	_ =	shalt  }
0x6f: {  	_ =	shalt  }
0x70: {  	_ =	shalt  }
0x71: {  	_ =	shalt  }
0x72: {  	_ =	shalt  }
0x73: {  	_ =	shalt  }
0x74: {  	_ =	shalt  }
0x75: {  	_ =	shalt  }
0x76: {  	_ =	shalt  }
0x77: {  	_ =	shalt  }
0x78: {  	_ =	shalt  }
0x79: {  	_ =	shalt  }
0x7a: {  	_ =	shalt  }
0x7b: {  	_ =	shalt  }
0x7c: {  	_ =	shalt  }
0x7d: {  	_ =	shalt  }
0x7e: {  	_ =	shalt  }
0x7f: {  	_ =	shalt  }
0x80: {  	_ =	shalt  }
0x81: {  	_ =	shalt  }
0x82: {  	_ =	shalt  }
0x83: {  	_ =	shalt  }
0x84: {  	_ =	shalt  }
0x85: {  	_ =	shalt  }
0x86: {  	_ =	shalt  }
0x87: {  	_ =	shalt  }
.Lfunc_end0:
.L_simem_size_0:
called_computation.6_lowered:
.L_overlay_start_0:
0x88: {  	s2 =	sld [smem:$0x3FD9]  }
0x89: {  	s3 =	sld [smem:$0x3FFE];
	_ =	sdelay $0x1  }
0x8a: {  	s1 =	srdreg.scid  }
0x8b: {  	s0 =	sand.u32 $0x1, s1  }
0x8c: {  	s15 =	sshll.u32 s0, $0xA;
	s2 =	sadd.s32 s3, s2  }
0x8d: {  	s2 =	sadd.s32 s2, s15  }
0x8e: {  	[smem:$0x3F9C] =	sst s2  }
0x8f: {  	_ = 	snop  }
0x90: {  	s2 =	sld [smem:$0x3FD0];
	_ =	sdelay $0x2  }
0x91: {  	s16 =	simm.s32 $0xB;
	s4 =	simm.s32 $0x10  }
0x92: {  	[smem:s4], [sflag:s16] =	dma.local [hbm:s2], $0x1  }
0x93: {  	_ =	swait.eq [sflag:s16], $0x1  }
0x94: {  	[sflag:s16] =	ssyncset.done $0x0  }
0x95: {  	[sflag:s16] =	ssyncadd.s32 $0xFFFFFFFF  }
0x96: {  	s17 =	sld [smem:$0x11];
	(tm) =	ssettm $0x1  }
0x97: {  	s18 =	sld [smem:$0x3FFB];
	_ =	sdelay $0x3  }
0x98: {  	_ =	strace s18  }
0x99: {  	s2 =	sld [smem:$0x3FFC];
	_ =	sdelay $0x3  }
0x9a: {  	_ =	strace s2  }
0x9b: {  	s2 =	sld [smem:$0x3FFD];
	_ =	sdelay $0x3  }
0x9c: {  	_ =	strace s2  }
0x9d: {  	_ =	strace $0x8FFFFFFF  }
0x9e: {  	s19 =	sld [smem:$0x3FDB];
	_ =	sdelay $0x1  }
0x9f: {  	s20 =	simm.s32 $_scs_section_size  }
0xa0: {  	s5 =	simm.s32 $_size__tile_overlayer_lowered;
	s6 =	simm.s32 $_tile_overlayer_lowered  }
0xa1: {  	s7 =	simm.s32 $0x1BFF;
	s21 =	sshll.u32 s6, $0x1;
	s4 =	sadd.s32 s20, s19  }
0xa2: {  	s22 =	simm.s32 $0x0;
	s5 =	sshll.u32 s5, $0x1;
	s6 =	sadd.s32 s21, s4  }
0xa3: {  	[timem:s22], [sflag:s7] =	dma.local [hbm:s6], s5  }
0xa4: {  	_ =	swait.ge [sflag:s7], s5  }
0xa5: {  	s5 =	ssub.s32 $0x0, s5;
	[sflag:s7] =	ssyncset.done $0x0  }
0xa6: {  	[sflag:s7] =	ssyncadd.s32 s5;
	_ =	sdelay $0x1  }
0xa7: {  	s23 =	simm.s32 $0x1B8B  }
0xa8: {  	_ =	swait.ge [sflag:s23], $0x1  }
0xa9: {  	[sflag:s23] =	ssyncset.done $0x0  }
0xaa: {  	[sflag:s23] =	ssyncadd.s32 $0xFFFFFFFF  }
0xab: {  	s5 =	sld [smem:$0x0]  }
0xac: {  	s6 =	sand.u32 $0xFFFFFFFE, s1  }
0xad: {  	p0 =	sne.s32 s1, s6  }
0xae: {  	s6 =	sshll.u32 @p0 s6, $0xE  }
0xaf: {  	s6 =	sadd.s32 @p0 $0x11B8D, s6;
	s7 =	sshll.u32 @p0 s5, $0x11  }
0xb0: {  	s6 =	sor.u32 @p0 s7, s6  }
0xb1: {  	[sflag:s6] =	ssyncadd.remote.s32 @p0 $0x1;
	_ =	sdelay $0x1  }
0xb2: {  	s6 =	simm.s32 @p0 $0x1B8D  }
0xb3: {  	_ =	swait.eq @p0 [sflag:s6], $0x1  }
0xb4: {  	[sflag:s6] =	ssyncadd.s32 @p0 $0xFFFFFFFF  }
0xb5: {  	s7 =	sshll.u32 @!p0 s1, $0xE  }
0xb6: {  	s7 =	sor.u32 @!p0 $0x4000, s7;
	s6 =	simm.s32 @!p0 $0x1B8D  }
0xb7: {  	s5 =	sshll.u32 @!p0 s5, $0x11;
	s7 =	sadd.s32 @!p0 $0x11B8D, s7;
	_ =	swait.eq @!p0 [sflag:s6], $0x1  }
0xb8: {  	s5 =	sor.u32 @!p0 s5, s7;
	[sflag:s6] =	ssyncadd.s32 @!p0 $0xFFFFFFFF  }
0xb9: {  	s25 =	simm.s32 $0x1B8E;
	s24 =	sld [smem:$0x3FFE];
	[sflag:s5] =	ssyncadd.remote.s32 @!p0 $0x1  }
0xba: {  	s26 =	simm.s32 $execute0_lowered;
	[smem:$0x3FD2] =	sst s25  }
0xbb: {  	s6 =	sshll.u32 s26, $0x1;
	_ =	strace $0x80000058;
	[dreg:$0x1] =	wrdreg $0xFFFFFFFF  }
0xbc: {  	s28 =	simm.s32 $_size_execute0_lowered;
	s4 =	sadd.s32 s4, s6;
	[dreg:$0x0] =	wrdreg $0x0  }
0xbd: {  	s6 =	sshll.u32 s28, $0x1;
	[dreg:$0x2] =	wrdreg s4  }
0xbe: {  	[dreg:$0x3] =	wrdreg s6  }
0xbf: {  	[dreg:$0x4] =	wrdreg $0xC0  }
0xc0: {  	_ =	task [dreg:s22], $0x5FFFF  }
0xc1: {  	[dreg:$0x1] =	wrdreg $0xFFFFFFFF  }
0xc2: {  	[dreg:$0x0] =	wrdreg $0x60  }
0xc3: {  	[dreg:$0x2] =	wrdreg s24  }
0xc4: {  	[dreg:$0x3] =	wrdreg s17  }
0xc5: {  	[dreg:$0x4] =	wrdreg $0x9  }
0xc6: {  	_ =	task.clear_ibuf [dreg:s22], $0x5FFFF;
	_ =	strace $0x90000058  }
0xc7: {  	s29 =	simm.s32 $0x9;
	_ =	strace $0x8000005A  }
0xc8: {  	_ =	swait.ge [sflag:s29], $0x1  }
0xc9: {  	[sflag:s29] =	ssyncadd.s32 $0xFFFFFFFF  }
0xca: {  	_ =	strace $0x9000005A  }
0xcb: {  	_ =	sfence  }
0xcc: {  	s30 =	sld [smem:$0x0];
	_ =	sdelay $0x2  }
0xcd: {  	s31 =	sshll.u32 s1, $0xD;
	s1 =	sshrl.u32 s1, $0x2  }
0xce: {  	s4 =	sand.u32 $0x4000, s31;
	s1 =	sadd.s32 s1, s30  }
0xcf: {  	s0 =	sor.u32 s4, s0;
	s1 =	sshll.u32 s1, $0x11  }
0xd0: {  	s0 =	sor.u32 s1, s0  }
0xd1: {  	s0 =	sadd.s32 $0x8F2B, s0  }
0xd2: {  	[sflag:s0] =	ssyncadd.remote.s32 $0x1  }
0xd3: {  	_ =	sfence.sel $0xFFFF  }
0xd4: {  	[dreg:$0x0] =	wrdreg $0xFFFFFFFF;
	(pc) =	sbr.abs _section_cstart, $3  }
0xd5: {  	[dreg:$0x1] =	wrdreg $0xFFFFFFFF  }
0xd6: {  	_ =	task.clear_ibuf [dreg:s22], $0x2FFFF;
	_ =	strace $0x9FFFFFFF  }
0xd7: {  	(tm) =	ssettm $0x7FFFFFFF  }
tec
execute0_lowered:
.L_overlay_start_1:
0x0: {  	(tag) =	ssettag $0x1  }
0x1: {  	s1 =	srdreg.scid;
	s9 =	rddreg [dreg:$0x0]  }
0x2: {  	s0 =	stileid.u32;
	s3 =	rddreg [dreg:$0x1]  }
0x3: {  	s2 =	simm.s32 $0x0;
	s7 =	simm.s32 $0x100;
	s6 =	sand.u32 $0x1, s1  }
0x4: {  	s4 =	sshll.u32 s0, $0x8;
	s1 =	rddreg [dreg:$0x2];
	s5 =	sshll.u32 s6, $0x7  }
0x5: {  	s8 =	simm.s32 $0x1;
	[smem:$0x7FF] =	sst s2;
	s10 =	sor.u32 s5, s4  }
0x6: {  	_ =	strace $0x80000059;
	s11 =	ssub.s32 $0x2, s6;
	s4 =	sshrl.u32 s10, $0x3  }
0x7: {  	s6 =	simm.s32 $0x80;
	s4 =	sadd.s32 s3, s4;
	s3 =	simm.s32 $0x2  }
0x8: {  	[tilespmem:s2], [sflag:$0x2] =	stream.linear.gather [hbm4b:s4+s2], $0x80, $0x38;
	[tilespmem:$0x8100] =	vst v63  }
0x9: {  	s5 =	sadd.s32 $0x28200, s9;
	s12 =	sshrl.u32 s11, $0x1;
	_ =	swait.ge [sflag:s3], $0x80  }
0xa: {  	s10 =	sshll.u32 s10, $0x4;
	s31 =	ssub.s32 s11, s12;
	[sflag:s3] =	ssyncset.done $0x0  }
0xb: {  	s9 =	sadd.s32 s10, s9;
	s10 =	smax.u32 s31, $0x1;
	[sflag:s3] =	ssyncadd.s32 $0xFFFFFF80  }
0xc: {  	[tilespmem:s7], [sflag:$0x1] =	stream.indirect.gather [hbm4b:s5+s6], $0x80, s2, s6, $0xb8;
	[tilespmem:$0x8100] =	vst v63  }
0xd: {  	p0 =	sne.s32 s10, $0x1;
	_ =	swait.ge [sflag:s8], $0x4000  }
.Ltmp0:
0xe: {  	[sflag:s8] =	ssyncset.done $0x0;
	(pc) =	sbr.rel @!p0 .LBB2_2-.Ltmp0, $4  }
0xf: {  	s9 =	sadd.s32 $0x48200, s9;
	[sflag:s8] =	ssyncadd.s32 $0xFFFFC000  }
0x10: {  	[hbm4b:s9+s2] =	stream.linear.scatter [tilespmem:s7], [sflag:$0x2], $0x4000, $0x38;
	[tilespmem:$0x8100] =	vst v63  }
0x11: {  	_ =	swait.ge [sflag:s3], $0x4000  }
0x12: {  	s10 =	sadd.s32 $0xFFFFFFFF, s10;
	[sflag:s3] =	ssyncset.done $0x0  }
.LBB2_1:
0x13: {  	p0 =	sne.s32 s10, $0x1;
	s10 =	sadd.s32 $0xFFFFFFFF, s10;
	[sflag:s3] =	ssyncadd.s32 $0xFFFFC000  }
0x14: {  	[tilespmem:s2], [sflag:$0x2] =	stream.linear.gather [hbm4b:s4+s2], $0x80, $0x38;
	[tilespmem:$0x8100] =	vst v63  }
0x15: {  	_ =	swait.ge [sflag:s3], $0x80  }
0x16: {  	[sflag:s3] =	ssyncset.done $0x0  }
0x17: {  	[sflag:s3] =	ssyncadd.s32 $0xFFFFFF80  }
0x18: {  	[tilespmem:s7], [sflag:$0x1] =	stream.indirect.gather [hbm4b:s5+s6], $0x80, s2, s6, $0xb8;
	[tilespmem:$0x8100] =	vst v63  }
0x19: {  	_ =	swait.ge [sflag:s8], $0x4000  }
.Ltmp1:
0x1a: {  	[sflag:s8] =	ssyncset.done $0x0;
	(pc) =	sbr.rel @p0 .LBB2_1-.Ltmp1, $4  }
0x1b: {  	[sflag:s8] =	ssyncadd.s32 $0xFFFFC000  }
0x1c: {  	[hbm4b:s9+s2] =	stream.linear.scatter [tilespmem:s7], [sflag:$0x2], $0x4000, $0x38;
	[tilespmem:$0x8100] =	vst v63  }
0x1d: {  	_ =	swait.ge [sflag:s3], $0x4000  }
0x1e: {  	[sflag:s3] =	ssyncset.done $0x0  }
.LBB2_2:
0x1f: {  	[sflag:s3] =	ssyncadd.s32 $0xFFFFC000  }
0x20: {  	_ =	sfence.sel $0x180000  }
0x21: {  	[bflag:$0x0] =	sbarrier.arrive $0xFFFF  }
0x22: {  	p0 =	sne.s32 s0, $0x0;
	_ =	strace $0x90000059  }
0x23: {  	s0 =	sadd.s32 @!p0 $0x100000, s1;
	[bflag:$0x2] =	sbarrier.arrive $0xFFFF  }
0x24: {  	[sflag:s0] =	ssyncadd.tile.s32 @!p0 $0x1;
	_ =	shalt  }
.Lfunc_end2:
_tile_overlayer_lowered:
.L_overlay_start_2:
0x25: {  	(tag) =	ssettag $0x2  }
0x26: {  	s0 =	rddreg [dreg:$0x0];
	s2 =	stileid.u32  }
0x27: {  	s1 =	rddreg [dreg:$0x1];
	p0 =	sne.s32 s2, $0x0  }
0x28: {  	s3 =	rddreg [dreg:$0x2];
	[bflag:$0x3] =	sbarrier.arrive $0xFFFF;
	s2 =	simm.s32 @!p0 $0x1C02  }
0x29: {  	[timem:s3], [sflag:s2] =	dma.local @!p0 [hbm:s0], s1  }
0x2a: {  	s0 =	simm.s32 @!p0 $0x2  }
0x2b: {  	_ =	swait.ge @!p0 [sflag:s0], s1  }
0x2c: {  	s1 =	ssub.s32 @!p0 $0x0, s1;
	[sflag:s0] =	ssyncset.done @!p0 $0x0  }
0x2d: {  	[sflag:s0] =	ssyncadd.s32 @!p0 s1  }
0x2e: {  	[bflag:$0x3] =	sbarrier.arrive $0xFFFF  }
0x2f: {  	_ =	shalt  }

</sc_bundles>
